<compile_context>
chip_gen: v7x
topology: tpu7x:2x2x1
jax: 0.10.2.dev20260603
libtpu: 0.0.44.dev20260713+nightly
codegen_flags: <defaults>
</compile_context>

<pallas_src>
import functools

import jax
import jax.numpy as jnp
import numpy as np
from jax import lax
from jax.experimental import pallas as pl
from jax.experimental.pallas import tpu as pltpu
from jax.experimental.pallas import tpu_sc as plsc

N = 10000
E = 320000
D = 128
PE = 16
G = 512
P = 64
H = 4
DH = D // H
K1 = 8
NC_OUT = 10
HID = 256

SC_CORES = 2
SC_SUBCORES = 16
NW = SC_CORES * SC_SUBCORES
EPW = E // NW
CB = 80
NCHUNK = EPW // CB
N_PAD = 10240
RPT = N_PAD // SC_SUBCORES
DEGW = 16

BN = 1000
NBLK = N // BN

def _dot(a, b):
    return jnp.dot(a, b, preferred_element_type=jnp.float32)


def _dotx(a, b):
    return jnp.dot(a, b, preferred_element_type=jnp.float32,
                   precision=lax.Precision.HIGHEST)


def _h0_body(x_ref, pe_ref, wi_ref, wp_ref, o_ref):
    o_ref[...] = _dot(x_ref[...], wi_ref[...]) + _dot(pe_ref[...], wp_ref[...])


def _compute_h0(x, RWPE, W_in, W_pe):
    return pl.pallas_call(
        _h0_body,
        grid=(NBLK,),
        in_specs=[
            pl.BlockSpec((BN, D), lambda i: (i, 0)),
            pl.BlockSpec((BN, PE), lambda i: (i, 0)),
            pl.BlockSpec((D, D), lambda i: (0, 0)),
            pl.BlockSpec((PE, D), lambda i: (0, 0)),
        ],
        out_specs=pl.BlockSpec((BN, D), lambda i: (i, 0)),
        out_shape=jax.ShapeDtypeStruct((N, D), jnp.float32),
    )(x, RWPE, W_in, W_pe)


def _sc_body(h0_hbm, src_hbm, dst_hbm, zrow_hbm, ones_hbm, agg_hbm, deg_hbm,
             sidx0, sidx1, didx, rows0, rows1, onesb, acc,
             sem0, sem1, ssem0, ssem1):
    cid = lax.axis_index("c")
    sid = lax.axis_index("s")
    wid = sid * SC_CORES + cid
    r0 = sid * RPT
    pltpu.sync_copy(dst_hbm.at[wid], didx)
    pltpu.sync_copy(ones_hbm, onesb)
    pltpu.sync_copy(zrow_hbm, acc.at[pl.ds(r0, RPT)])
    plsc.subcore_barrier()

    def dchunk(k, carry):
        pltpu.sync_copy(onesb, acc.at[didx.at[k]], add=True)
        return carry

    lax.fori_loop(0, NCHUNK, dchunk, 0)
    plsc.subcore_barrier()
    pltpu.sync_copy(acc.at[pl.ds(r0, RPT)], deg_hbm.at[cid, pl.ds(r0, RPT)])
    pltpu.sync_copy(zrow_hbm, acc.at[pl.ds(r0, RPT)])
    plsc.subcore_barrier()
    ebase = wid * EPW
    bufs = ((sidx0, rows0, sem0, ssem0), (sidx1, rows1, sem1, ssem1))

    def src_slice(k):
        kk = jnp.minimum(k, NCHUNK - 1)
        return src_hbm.at[pl.ds(ebase + kk * CB, CB)]

    pltpu.sync_copy(src_slice(0), sidx0)
    pltpu.async_copy(h0_hbm.at[sidx0], rows0, sem0)
    pltpu.async_copy(src_slice(1), sidx1, ssem1)

    def step(k, cur, nxt):
        pltpu.make_async_copy(h0_hbm.at[cur[0]], cur[1], cur[2]).wait()
        pltpu.async_copy(src_slice(k + 2), cur[0], cur[3])
        pltpu.make_async_copy(src_slice(k + 1), nxt[0], nxt[3]).wait()
        pltpu.async_copy(h0_hbm.at[nxt[0]], nxt[1], nxt[2])
        pltpu.sync_copy(cur[1], acc.at[didx.at[k]], add=True)

    def pair(j, carry):
        k = 2 * j
        step(k, bufs[0], bufs[1])
        step(k + 1, bufs[1], bufs[0])
        return carry

    lax.fori_loop(0, (NCHUNK - 1) // 2, pair, 0)
    pltpu.make_async_copy(h0_hbm.at[bufs[0][0]], bufs[0][1], bufs[0][2]).wait()
    pltpu.sync_copy(bufs[0][1], acc.at[didx.at[NCHUNK - 1]], add=True)
    pltpu.make_async_copy(src_slice(NCHUNK - 1), bufs[1][0], bufs[1][3]).wait()
    plsc.subcore_barrier()
    pltpu.sync_copy(acc.at[pl.ds(r0, RPT)], agg_hbm.at[cid, pl.ds(r0, RPT)])


def _sc_mesh():
    return plsc.VectorSubcoreMesh(core_axis_name="c", subcore_axis_name="s",
                                  num_cores=SC_CORES, num_subcores=SC_SUBCORES)


@functools.cache
def _sc_kernel():
    return functools.partial(
        pl.kernel,
        out_type=(
            jax.ShapeDtypeStruct((SC_CORES, N_PAD, D), jnp.float32),
            jax.ShapeDtypeStruct((SC_CORES, N_PAD, D), jnp.float32),
        ),
        mesh=_sc_mesh(),
        scratch_types=(
            pltpu.VMEM((CB,), jnp.int32),
            pltpu.VMEM((CB,), jnp.int32),
            pltpu.VMEM((NCHUNK, CB), jnp.int32),
            pltpu.VMEM((CB, D), jnp.float32),
            pltpu.VMEM((CB, D), jnp.float32),
            pltpu.VMEM((CB, D), jnp.float32),
            pltpu.VMEM_SHARED((N_PAD, D), jnp.float32),
            pltpu.SemaphoreType.DMA,
            pltpu.SemaphoreType.DMA,
            pltpu.SemaphoreType.DMA,
            pltpu.SemaphoreType.DMA,
        ),
    )(_sc_body)


def _sc_agg_deg(h0, src, dst, zrow, onesh):
    return _sc_kernel()(h0, src, dst.reshape(NW, NCHUNK, CB), zrow, onesh)


def _pool_route_body(aggp_ref, degp_ref, h0_ref, wa_ref, ws_ref, b_ref,
                     ew1, eb1, ew2, eb2, ptT, pt, br, dw1, db1, dw2, db2, ap,
                     lp_ref, ti_ref, ps_ref, cnt_ref):
    i = pl.program_id(0)
    deg = jnp.maximum(degp_ref[0] + degp_ref[1], 1.0)
    agg = (aggp_ref[0] + aggp_ref[1]) / deg
    h = jnp.maximum(_dot(agg, wa_ref[...]) + _dot(h0_ref[...], ws_ref[...]), 0.0)
    seg = b_ref[...]
    gid = lax.broadcasted_iota(jnp.int32, (BN, G), 1).astype(jnp.float32)
    oh = (seg == gid).astype(jnp.float32)
    dn = (((0,), (0,)), ((), ()))
    hp = lax.Precision.HIGHEST
    psum = lax.dot_general(oh, h, dn,
                           preferred_element_type=jnp.float32, precision=hp)
    csum = lax.dot_general(oh, jnp.ones((BN, D), jnp.float32), dn,
                           preferred_element_type=jnp.float32, precision=hp)

    @pl.when(i == 0)
    def _():
        ps_ref[...] = jnp.zeros_like(ps_ref)
        cnt_ref[...] = jnp.zeros_like(cnt_ref)

    ps_ref[...] += psum
    cnt_ref[...] += csum

    @pl.when(i == NBLK - 1)
    def _():
        pooled = ps_ref[...] / jnp.maximum(cnt_ref[...], 1.0)
        t = jnp.maximum(_dot(pooled, ew1[...]) + eb1[...], 0.0)
        z = _dot(t, ew2[...]) + eb2[...]

        iota_p = lax.broadcasted_iota(jnp.int32, (G, P), 1)
        col32 = lax.broadcasted_iota(jnp.int32, (G, H * K1), 1)
        scale = np.float32(1.0 / np.sqrt(DH))
        ti = jnp.zeros((G, H * K1), jnp.int32)
        c_parts = []
        for hh in range(H):
            zh = z[:, hh * DH:(hh + 1) * DH]
            lg = _dot(zh, ptT[hh]) * scale
            work = lg + br[...]
            sels, ohs, idxs = [], [], []
            for j in range(K1):
                m = jnp.max(work, axis=1, keepdims=True)
                idx = jnp.min(jnp.where(work == m, iota_p, P), axis=1,
                              keepdims=True)
                ohj = iota_p == idx
                sel = jnp.sum(jnp.where(ohj, lg, 0.0), axis=1, keepdims=True)
                work = jnp.where(ohj, np.float32(-3.0e38), work)
                sels.append(sel)
                ohs.append(ohj)
                idxs.append(idx)
            m8 = sels[0]
            for j in range(1, K1):
                m8 = jnp.maximum(m8, sels[j])
            es = [jnp.exp(x - m8) for x in sels]
            tot = es[0]
            for j in range(1, K1):
                tot = tot + es[j]
            rt = 1.0 / tot
            wcomb = jnp.zeros((G, P), jnp.float32)
            for j in range(K1):
                wcomb = wcomb + jnp.where(ohs[j], es[j] * rt, 0.0)
            c_parts.append(_dotx(wcomb, pt[hh]))
            for j in range(K1):
                ti = jnp.where(col32 == (hh * K1 + j), idxs[j], ti)

        c = jnp.concatenate(c_parts, axis=1)
        sg = 1.0 / (1.0 + jnp.exp(-ap[0, 0]))
        o = sg * c
        t2 = jnp.maximum(_dot(o, dw1[...]) + db1[...], 0.0)
        lgts = _dot(t2, dw2[...]) + db2[...]
        colD = lax.broadcasted_iota(jnp.int32, (G, 128), 1)
        valid = colD < NC_OUT
        mx = jnp.max(jnp.where(valid, lgts, np.float32(-3.0e38)), axis=1,
                     keepdims=True)
        ex = jnp.where(valid, jnp.exp(lgts - mx), 0.0)
        lse = jnp.log(jnp.sum(ex, axis=1, keepdims=True))
        lp = lgts - mx - lse
        lp_ref[...] = lax.slice(lp, (0, 0), (G, NC_OUT))
        ti_ref[...] = ti


def _pool_route(aggp, degp, h0, W_agg, W_self, batchf, enc_W1, eb1, enc_W2,
                eb2, protoT, protos, biasr, dec_W1, db1, dW2p, db2p, ap):
    full = lambda shape: pl.BlockSpec(shape, lambda i: tuple(0 for _ in shape))
    return pl.pallas_call(
        _pool_route_body,
        grid=(NBLK,),
        in_specs=[
            pl.BlockSpec((SC_CORES, BN, D), lambda i: (0, i, 0)),
            pl.BlockSpec((SC_CORES, BN, D), lambda i: (0, i, 0)),
            pl.BlockSpec((BN, D), lambda i: (i, 0)),
            full((D, D)),
            full((D, D)),
            pl.BlockSpec((BN, 1), lambda i: (i, 0)),
            full((D, HID)),
            full((1, HID)),
            full((HID, D)),
            full((1, D)),
            full((H, DH, P)),
            full((H, P, DH)),
            full((1, P)),
            full((D, HID)),
            full((1, HID)),
            full((HID, 128)),
            full((1, 128)),
            full((1, 1)),
        ],
        out_specs=[
            full((G, NC_OUT)),
            full((G, H * K1)),
        ],
        out_shape=[
            jax.ShapeDtypeStruct((G, NC_OUT), jnp.float32),
            jax.ShapeDtypeStruct((G, H * K1), jnp.int32),
        ],
        scratch_shapes=[
            pltpu.VMEM((G, D), jnp.float32),
            pltpu.VMEM((G, D), jnp.float32),
        ],
    )(aggp, degp, h0, W_agg, W_self, batchf, enc_W1, eb1, enc_W2, eb2,
      protoT, protos, biasr, dec_W1, db1, dW2p, db2p, ap)


def kernel(x, RWPE, adj_t, batch, index, bias, alpha,
           W_in, W_pe, W_self, W_agg,
           enc_W1, enc_b1, enc_W2, enc_b2,
           prototypes, dec_W1, dec_b1, dec_W2, dec_b2, alpha_p):
    src = adj_t[0]
    dst = adj_t[1]

    h0 = _compute_h0(x, RWPE, W_in, W_pe)

    zrow = jnp.zeros((RPT, D), jnp.float32)
    onesh = jnp.ones((CB, D), jnp.float32)
    aggp, degp = _sc_agg_deg(h0, src, dst, zrow, onesh)

    batchf = batch.astype(jnp.float32).reshape(N, 1)
    protoT = jnp.transpose(prototypes, (0, 2, 1))
    lp, ti = _pool_route(
        aggp, degp, h0, W_agg, W_self, batchf,
        enc_W1, enc_b1.reshape(1, HID), enc_W2, enc_b2.reshape(1, D),
        protoT, prototypes, bias.reshape(1, P),
        dec_W1, dec_b1.reshape(1, HID),
        jnp.pad(dec_W2, ((0, 0), (0, 128 - NC_OUT))),
        jnp.pad(dec_b2, (0, 128 - NC_OUT)).reshape(1, 128),
        jnp.asarray(alpha_p, jnp.float32).reshape(1, 1),
    )
    return (lp, ti.reshape(G, H, K1))

# --- scband reference (transcript-rebuilt; emitter-appended) ---
"""Pipeline reference for scband-uni-imb-91302414778874 (READ-ONLY COPY).

The authoritative reference and input builder live on the scoring server;
editing this copy changes nothing except your own understanding.
"""

import jax, jax.numpy as jnp
import numpy as np

N = 10000
E = 320000
D = 128
PE = 16
G = 512
P = 64
H = 4
DH = D // H
K1 = 8
NC = 10
HID = 256


def setup_inputs(seed: int = 0) -> dict:
    key = jax.random.key(seed)
    ks = jax.random.split(key, 20)

    def w(k, shape, fan):
        return jax.random.normal(k, shape, dtype=jnp.float32) / np.sqrt(fan)

    inp = {}
    inp["x"] = jax.random.normal(ks[0], (N, D), dtype=jnp.float32)
    inp["RWPE"] = jax.random.uniform(ks[1], (N, PE), dtype=jnp.float32)
    inp["adj_t"] = jax.random.randint(ks[2], (2, E), 0, N, dtype=jnp.int32)
    inp["batch"] = jnp.sort(jax.random.randint(ks[3], (N,), 0, G, dtype=jnp.int32))
    inp["index"] = jax.random.randint(ks[4], (G,), 0, G, dtype=jnp.int32)
    inp["bias"] = jnp.zeros((P,), dtype=jnp.float32)
    inp["alpha"] = 0
    # backbone (GCN-style) params
    inp["W_in"] = w(ks[5], (D, D), D)
    inp["W_pe"] = w(ks[6], (PE, D), PE)
    inp["W_self"] = w(ks[7], (D, D), D)
    inp["W_agg"] = w(ks[8], (D, D), D)
    # encoder FFN params
    inp["enc_W1"] = w(ks[9], (D, HID), D)
    inp["enc_b1"] = jnp.zeros((HID,), dtype=jnp.float32)
    inp["enc_W2"] = w(ks[10], (HID, D), HID)
    inp["enc_b2"] = jnp.zeros((D,), dtype=jnp.float32)
    # Dynamic Balanced Prototype codebook: per-head prototypes
    inp["prototypes"] = w(ks[11], (H, P, DH), DH)
    # decoder FFN params
    inp["dec_W1"] = w(ks[12], (D, HID), D)
    inp["dec_b1"] = jnp.zeros((HID,), dtype=jnp.float32)
    inp["dec_W2"] = w(ks[13], (HID, NC), HID)
    inp["dec_b2"] = jnp.zeros((NC,), dtype=jnp.float32)
    inp["alpha_p"] = jnp.array(0.0, dtype=jnp.float32)
    return inp


def reference(x, RWPE, adj_t, batch, index, bias, alpha,
              W_in, W_pe, W_self, W_agg,
              enc_W1, enc_b1, enc_W2, enc_b2,
              prototypes, dec_W1, dec_b1, dec_W2, dec_b2, alpha_p):
    src = adj_t[0]
    dst = adj_t[1]
    # GCN-style embedding backbone with RWPE injection
    h0 = x @ W_in + RWPE @ W_pe
    deg = jnp.bincount(dst, length=N).clip(1).astype(jnp.float32)
    agg = jnp.zeros((N, D), dtype=jnp.float32).at[dst].add(h0[src]) / deg[:, None]
    h = jax.nn.relu(agg @ W_agg + h0 @ W_self)
    # graph-level mean pooling over batch segment ids
    counts = jnp.bincount(batch, length=G).clip(1).astype(jnp.float32)
    pooled = jnp.zeros((G, D)).at[batch].add(h) / counts[:, None]
    pooled = pooled * (jnp.asarray(alpha) * 0 + 1).astype(jnp.float32)
    pooled = pooled * (jnp.asarray(index) * 0 + 1).astype(jnp.float32)[0]
    # encoder FFN
    z = jax.nn.relu(pooled @ enc_W1 + enc_b1) @ enc_W2 + enc_b2
    B = z.shape[0]
    # Dynamic Balanced Prototype: bias-adjusted top-k prototype routing per head
    xh = z.reshape(B, H, DH)
    logits = jnp.einsum('bhd,hpd->bhp', xh, prototypes) / np.sqrt(DH)
    gate = logits + bias[None, None, :]
    _, topi = jax.lax.top_k(gate, K1)
    sel_logits = jnp.take_along_axis(logits, topi, axis=-1)
    wts = jax.nn.softmax(sel_logits, axis=-1)
    sel_protos = prototypes[jnp.arange(H)[None, :, None], topi]
    c = jnp.einsum('bhk,bhkd->bhd', wts, sel_protos).reshape(B, D)
    out = jax.nn.sigmoid(alpha_p) * c
    out = jax.nn.relu(out @ dec_W1 + dec_b1) @ dec_W2 + dec_b2
    return (jax.nn.log_softmax(out, axis=1), topi)

if __name__ == "__main__":
    import jax
    _d = setup_inputs()
    print(jax.jit(kernel)(*tuple(_d.values())))

</pallas_src>

<mosaic_0001>
#map = affine_map<(d0, d1) -> (0, 0)>
#map1 = affine_map<(d0, d1) -> (0)>
#map2 = affine_map<(d0, d1) -> (0, 0, 0)>
module attributes {stable_mosaic.version = 14 : i64} {
  func.func @_sc_body(%arg0: i32, %arg1: i32, %arg2: memref<10000x128xf32, #tpu.memory_space<hbm>>, %arg3: memref<320000xi32, #tpu.memory_space<hbm>>, %arg4: memref<32x125x80xi32, #tpu.memory_space<hbm>>, %arg5: memref<640x128xf32, #tpu.memory_space<hbm>>, %arg6: memref<80x128xf32, #tpu.memory_space<hbm>>, %arg7: memref<2x10240x128xf32, #tpu.memory_space<hbm>>, %arg8: memref<2x10240x128xf32, #tpu.memory_space<hbm>>, %arg9: memref<80xi32, #tpu.memory_space<vmem>>, %arg10: memref<80xi32, #tpu.memory_space<vmem>>, %arg11: memref<125x80xi32, #tpu.memory_space<vmem>>, %arg12: memref<80x128xf32, #tpu.memory_space<vmem>>, %arg13: memref<80x128xf32, #tpu.memory_space<vmem>>, %arg14: memref<80x128xf32, #tpu.memory_space<vmem>>, %arg15: memref<10240x128xf32, #tpu.memory_space<vmem_shared>>, %arg16: memref<!tpu.dma_semaphore, #tpu.memory_space<semaphore_mem>>, %arg17: memref<!tpu.dma_semaphore, #tpu.memory_space<semaphore_mem>>, %arg18: memref<!tpu.dma_semaphore, #tpu.memory_space<semaphore_mem>>, %arg19: memref<!tpu.dma_semaphore, #tpu.memory_space<semaphore_mem>>) attributes {dimension_semantics = [#tpu.dimension_semantics<core_parallel>, #tpu.dimension_semantics<subcore_parallel>], iteration_bounds = array<i64: 2, 16>, scalar_prefetch = 0 : i64, scratch_operands = 11 : i64, tpu.core_type = #tpu.core_type<sc_vector_subcore>, window_params = [{transform_indices = #map}, {transform_indices = #map1}, {transform_indices = #map2}, {transform_indices = #map}, {transform_indices = #map}, {transform_indices = #map2}, {transform_indices = #map2}]} {
    %mul3A = arith.constant 2 : i32
    %mul3A_0 = arith.muli %arg1, %mul3A : i32
    %add3A = arith.addi %mul3A_0, %arg0 : i32
    %mul3A_1 = arith.constant 640 : i32
    %mul3A_2 = arith.muli %arg1, %mul3A_1 : i32
    "tpu.region"() ({
      %run_scoped3A_44 = tpu.sem_alloc : memref<!tpu.dma_semaphore, #tpu.memory_space<semaphore_mem>>
      %dma_start3A_45 = arith.constant 0 : i32
      %dma_start3A_46 = arith.constant 0 : i32
      %dma_start3A_47 = tpu.memref_slice %arg4[%add3A, %dma_start3A_45, %dma_start3A_46] : memref<32x125x80xi32, #tpu.memory_space<hbm>> -> memref<1x125x80xi32, #tpu.memory_space<hbm>>
      %dma_start3A_48 = tpu.memref_squeeze %dma_start3A_47 : memref<1x125x80xi32, #tpu.memory_space<hbm>> -> memref<125x80xi32, #tpu.memory_space<hbm>>
      %dma_start3A_49 = arith.constant 0 : i32
      %dma_start3A_50 = arith.constant 0 : i32
      %dma_start3A_51 = tpu.memref_slice %arg4[%add3A, %dma_start3A_49, %dma_start3A_50] : memref<32x125x80xi32, #tpu.memory_space<hbm>> -> memref<1x125x80xi32, #tpu.memory_space<hbm>>
      %dma_start3A_52 = tpu.memref_squeeze %dma_start3A_51 : memref<1x125x80xi32, #tpu.memory_space<hbm>> -> memref<125x80xi32, #tpu.memory_space<hbm>>
      tpu.enqueue_dma source(%dma_start3A_52 : memref<125x80xi32, #tpu.memory_space<hbm>>) target(%arg11 : memref<125x80xi32, #tpu.memory_space<vmem>>) target_semaphore(%run_scoped3A_44 : memref<!tpu.dma_semaphore, #tpu.memory_space<semaphore_mem>>)
      %dma_wait3A_53 = arith.constant 0 : i32
      %dma_wait3A_54 = arith.constant 0 : i32
      %dma_wait3A_55 = tpu.memref_slice %arg4[%add3A, %dma_wait3A_53, %dma_wait3A_54] : memref<32x125x80xi32, #tpu.memory_space<hbm>> -> memref<1x125x80xi32, #tpu.memory_space<hbm>>
      %dma_wait3A_56 = tpu.memref_squeeze %dma_wait3A_55 : memref<1x125x80xi32, #tpu.memory_space<hbm>> -> memref<125x80xi32, #tpu.memory_space<hbm>>
      %dma_wait3A_57 = arith.constant 0 : i32
      %dma_wait3A_58 = arith.constant 0 : i32
      %dma_wait3A_59 = tpu.memref_slice %arg4[%add3A, %dma_wait3A_57, %dma_wait3A_58] : memref<32x125x80xi32, #tpu.memory_space<hbm>> -> memref<1x125x80xi32, #tpu.memory_space<hbm>>
      %dma_wait3A_60 = tpu.memref_squeeze %dma_wait3A_59 : memref<1x125x80xi32, #tpu.memory_space<hbm>> -> memref<125x80xi32, #tpu.memory_space<hbm>>
      tpu.wait_dma2 semaphore(%run_scoped3A_44 : memref<!tpu.dma_semaphore, #tpu.memory_space<semaphore_mem>>) src(%dma_wait3A_60 : memref<125x80xi32, #tpu.memory_space<hbm>>) dst(%arg11 : memref<125x80xi32, #tpu.memory_space<vmem>>)
      tpu.yield
    }) : () -> ()
    "tpu.region"() ({
      %run_scoped3A_44 = tpu.sem_alloc : memref<!tpu.dma_semaphore, #tpu.memory_space<semaphore_mem>>
      tpu.enqueue_dma source(%arg6 : memref<80x128xf32, #tpu.memory_space<hbm>>) target(%arg14 : memref<80x128xf32, #tpu.memory_space<vmem>>) target_semaphore(%run_scoped3A_44 : memref<!tpu.dma_semaphore, #tpu.memory_space<semaphore_mem>>)
      tpu.wait_dma2 semaphore(%run_scoped3A_44 : memref<!tpu.dma_semaphore, #tpu.memory_space<semaphore_mem>>) src(%arg6 : memref<80x128xf32, #tpu.memory_space<hbm>>) dst(%arg14 : memref<80x128xf32, #tpu.memory_space<vmem>>)
      tpu.yield
    }) : () -> ()
    "tpu.region"() ({
      %run_scoped3A_44 = tpu.sem_alloc : memref<!tpu.dma_semaphore, #tpu.memory_space<semaphore_mem>>
      %dma_start3A_45 = arith.constant 0 : i32
      %dma_start3A_46 = tpu.memref_slice %arg15[%mul3A_2, %dma_start3A_45] : memref<10240x128xf32, #tpu.memory_space<vmem_shared>> -> memref<640x128xf32, #tpu.memory_space<vmem_shared>>
      tpu.enqueue_dma source(%arg5 : memref<640x128xf32, #tpu.memory_space<hbm>>) target(%dma_start3A_46 : memref<640x128xf32, #tpu.memory_space<vmem_shared>>) target_semaphore(%run_scoped3A_44 : memref<!tpu.dma_semaphore, #tpu.memory_space<semaphore_mem>>)
      %dma_wait3A_47 = arith.constant 0 : i32
      %dma_wait3A_48 = tpu.memref_slice %arg15[%mul3A_2, %dma_wait3A_47] : memref<10240x128xf32, #tpu.memory_space<vmem_shared>> -> memref<640x128xf32, #tpu.memory_space<vmem_shared>>
      tpu.wait_dma2 semaphore(%run_scoped3A_44 : memref<!tpu.dma_semaphore, #tpu.memory_space<semaphore_mem>>) src(%arg5 : memref<640x128xf32, #tpu.memory_space<hbm>>) dst(%dma_wait3A_48 : memref<640x128xf32, #tpu.memory_space<vmem_shared>>)
      tpu.yield
    }) : () -> ()
    %barrier3A = arith.constant 0 : index
    tpu.barrier barrier_id(%barrier3A)
    %scan3A = arith.constant 0 : i32
    %scan3A_3 = arith.constant 0 : i32
    %scan3A_4 = arith.constant 125 : i32
    %scan3A_5 = arith.addi %scan3A_3, %scan3A_4 : i32
    %scan3A_6 = arith.constant 1 : i32
    scf.for %scan3A_44 = %scan3A_3 to %scan3A_5 step %scan3A_6  : i32 {
      "tpu.region"() ({
        %run_scoped3A_45 = tpu.sem_alloc : memref<!tpu.dma_semaphore, #tpu.memory_space<semaphore_mem>>
        %dma_start3A_46 = arith.constant 0 : i32
        %dma_start3A_47 = tpu.memref_slice %arg11[%scan3A_44, %dma_start3A_46] : memref<125x80xi32, #tpu.memory_space<vmem>> -> memref<1x80xi32, #tpu.memory_space<vmem>>
        %dma_start3A_48 = tpu.memref_squeeze %dma_start3A_47 : memref<1x80xi32, #tpu.memory_space<vmem>> -> memref<80xi32, #tpu.memory_space<vmem>>
        %dma_start3A_49 = arith.constant 0 : i32
        %dma_start3A_50 = arith.constant 0 : i32
        %dma_start3A_51 = tpu.memref_slice %arg15[%dma_start3A_49, %dma_start3A_50] : memref<10240x128xf32, #tpu.memory_space<vmem_shared>> -> memref<10240x128xf32, #tpu.memory_space<vmem_shared>>
        tpu.enqueue_indirect_dma source(%arg14 : memref<80x128xf32, #tpu.memory_space<vmem>>) target(%dma_start3A_51 : memref<10240x128xf32, #tpu.memory_space<vmem_shared>>) offsets(%dma_start3A_48 : memref<80xi32, #tpu.memory_space<vmem>>) semaphore(%run_scoped3A_45 : memref<!tpu.dma_semaphore, #tpu.memory_space<semaphore_mem>>) {add = true}
        %dma_wait3A_52 = arith.constant 0 : i32
        %dma_wait3A_53 = tpu.memref_slice %arg11[%scan3A_44, %dma_wait3A_52] : memref<125x80xi32, #tpu.memory_space<vmem>> -> memref<1x80xi32, #tpu.memory_space<vmem>>
        %dma_wait3A_54 = tpu.memref_squeeze %dma_wait3A_53 : memref<1x80xi32, #tpu.memory_space<vmem>> -> memref<80xi32, #tpu.memory_space<vmem>>
        %dma_wait3A_55 = arith.constant 0 : i32
        %dma_wait3A_56 = arith.constant 0 : i32
        %dma_wait3A_57 = tpu.memref_slice %arg15[%dma_wait3A_55, %dma_wait3A_56] : memref<10240x128xf32, #tpu.memory_space<vmem_shared>> -> memref<10240x128xf32, #tpu.memory_space<vmem_shared>>
        tpu.wait_indirect_dma semaphore(%run_scoped3A_45 : memref<!tpu.dma_semaphore, #tpu.memory_space<semaphore_mem>>) src(%arg14 : memref<80x128xf32, #tpu.memory_space<vmem>>) dst(%dma_wait3A_57 : memref<10240x128xf32, #tpu.memory_space<vmem_shared>>)
        tpu.yield
      }) : () -> ()
    }
    %scan3A_7 = arith.constant 125 : i32
    %barrier3A_8 = arith.constant 0 : index
    tpu.barrier barrier_id(%barrier3A_8)
    "tpu.region"() ({
      %run_scoped3A_44 = tpu.sem_alloc : memref<!tpu.dma_semaphore, #tpu.memory_space<semaphore_mem>>
      %dma_start3A_45 = arith.constant 0 : i32
      %dma_start3A_46 = tpu.memref_slice %arg8[%arg0, %mul3A_2, %dma_start3A_45] : memref<2x10240x128xf32, #tpu.memory_space<hbm>> -> memref<1x640x128xf32, #tpu.memory_space<hbm>>
      %dma_start3A_47 = tpu.memref_squeeze %dma_start3A_46 : memref<1x640x128xf32, #tpu.memory_space<hbm>> -> memref<640x128xf32, #tpu.memory_space<hbm>>
      %dma_start3A_48 = arith.constant 0 : i32
      %dma_start3A_49 = tpu.memref_slice %arg15[%mul3A_2, %dma_start3A_48] : memref<10240x128xf32, #tpu.memory_space<vmem_shared>> -> memref<640x128xf32, #tpu.memory_space<vmem_shared>>
      tpu.enqueue_dma source(%dma_start3A_49 : memref<640x128xf32, #tpu.memory_space<vmem_shared>>) target(%dma_start3A_47 : memref<640x128xf32, #tpu.memory_space<hbm>>) target_semaphore(%run_scoped3A_44 : memref<!tpu.dma_semaphore, #tpu.memory_space<semaphore_mem>>)
      %dma_wait3A_50 = arith.constant 0 : i32
      %dma_wait3A_51 = tpu.memref_slice %arg8[%arg0, %mul3A_2, %dma_wait3A_50] : memref<2x10240x128xf32, #tpu.memory_space<hbm>> -> memref<1x640x128xf32, #tpu.memory_space<hbm>>
      %dma_wait3A_52 = tpu.memref_squeeze %dma_wait3A_51 : memref<1x640x128xf32, #tpu.memory_space<hbm>> -> memref<640x128xf32, #tpu.memory_space<hbm>>
      %dma_wait3A_53 = arith.constant 0 : i32
      %dma_wait3A_54 = tpu.memref_slice %arg15[%mul3A_2, %dma_wait3A_53] : memref<10240x128xf32, #tpu.memory_space<vmem_shared>> -> memref<640x128xf32, #tpu.memory_space<vmem_shared>>
      tpu.wait_dma2 semaphore(%run_scoped3A_44 : memref<!tpu.dma_semaphore, #tpu.memory_space<semaphore_mem>>) src(%dma_wait3A_54 : memref<640x128xf32, #tpu.memory_space<vmem_shared>>) dst(%dma_wait3A_52 : memref<640x128xf32, #tpu.memory_space<hbm>>)
      tpu.yield
    }) : () -> ()
    "tpu.region"() ({
      %run_scoped3A_44 = tpu.sem_alloc : memref<!tpu.dma_semaphore, #tpu.memory_space<semaphore_mem>>
      %dma_start3A_45 = arith.constant 0 : i32
      %dma_start3A_46 = tpu.memref_slice %arg15[%mul3A_2, %dma_start3A_45] : memref<10240x128xf32, #tpu.memory_space<vmem_shared>> -> memref<640x128xf32, #tpu.memory_space<vmem_shared>>
      tpu.enqueue_dma source(%arg5 : memref<640x128xf32, #tpu.memory_space<hbm>>) target(%dma_start3A_46 : memref<640x128xf32, #tpu.memory_space<vmem_shared>>) target_semaphore(%run_scoped3A_44 : memref<!tpu.dma_semaphore, #tpu.memory_space<semaphore_mem>>)
      %dma_wait3A_47 = arith.constant 0 : i32
      %dma_wait3A_48 = tpu.memref_slice %arg15[%mul3A_2, %dma_wait3A_47] : memref<10240x128xf32, #tpu.memory_space<vmem_shared>> -> memref<640x128xf32, #tpu.memory_space<vmem_shared>>
      tpu.wait_dma2 semaphore(%run_scoped3A_44 : memref<!tpu.dma_semaphore, #tpu.memory_space<semaphore_mem>>) src(%arg5 : memref<640x128xf32, #tpu.memory_space<hbm>>) dst(%dma_wait3A_48 : memref<640x128xf32, #tpu.memory_space<vmem_shared>>)
      tpu.yield
    }) : () -> ()
    %barrier3A_9 = arith.constant 0 : index
    tpu.barrier barrier_id(%barrier3A_9)
    %mul3A_10 = arith.constant 10000 : i32
    %mul3A_11 = arith.muli %add3A, %mul3A_10 : i32
    %min3A = arith.constant 0 : i32
    %min3A_12 = arith.constant 124 : i32
    %min3A_13 = arith.minsi %min3A, %min3A_12 : i32
    %mul3A_14 = arith.constant 80 : i32
    %mul3A_15 = arith.muli %min3A_13, %mul3A_14 : i32
    %add3A_16 = arith.addi %mul3A_11, %mul3A_15 : i32
    "tpu.region"() ({
      %run_scoped3A_44 = tpu.sem_alloc : memref<!tpu.dma_semaphore, #tpu.memory_space<semaphore_mem>>
      %dma_start3A_45 = tpu.memref_slice %arg3[%add3A_16] : memref<320000xi32, #tpu.memory_space<hbm>> -> memref<80xi32, #tpu.memory_space<hbm>>
      %dma_start3A_46 = tpu.memref_slice %arg3[%add3A_16] : memref<320000xi32, #tpu.memory_space<hbm>> -> memref<80xi32, #tpu.memory_space<hbm>>
      tpu.enqueue_dma source(%dma_start3A_46 : memref<80xi32, #tpu.memory_space<hbm>>) target(%arg9 : memref<80xi32, #tpu.memory_space<vmem>>) target_semaphore(%run_scoped3A_44 : memref<!tpu.dma_semaphore, #tpu.memory_space<semaphore_mem>>)
      %dma_wait3A_47 = tpu.memref_slice %arg3[%add3A_16] : memref<320000xi32, #tpu.memory_space<hbm>> -> memref<80xi32, #tpu.memory_space<hbm>>
      %dma_wait3A_48 = tpu.memref_slice %arg3[%add3A_16] : memref<320000xi32, #tpu.memory_space<hbm>> -> memref<80xi32, #tpu.memory_space<hbm>>
      tpu.wait_dma2 semaphore(%run_scoped3A_44 : memref<!tpu.dma_semaphore, #tpu.memory_space<semaphore_mem>>) src(%dma_wait3A_48 : memref<80xi32, #tpu.memory_space<hbm>>) dst(%arg9 : memref<80xi32, #tpu.memory_space<vmem>>)
      tpu.yield
    }) : () -> ()
    %dma_start3A = arith.constant 0 : i32
    %dma_start3A_17 = arith.constant 0 : i32
    %dma_start3A_18 = tpu.memref_slice %arg2[%dma_start3A, %dma_start3A_17] : memref<10000x128xf32, #tpu.memory_space<hbm>> -> memref<10000x128xf32, #tpu.memory_space<hbm>>
    tpu.enqueue_indirect_dma source(%dma_start3A_18 : memref<10000x128xf32, #tpu.memory_space<hbm>>) target(%arg12 : memref<80x128xf32, #tpu.memory_space<vmem>>) offsets(%arg9 : memref<80xi32, #tpu.memory_space<vmem>>) semaphore(%arg16 : memref<!tpu.dma_semaphore, #tpu.memory_space<semaphore_mem>>)
    %min3A_19 = arith.constant 1 : i32
    %min3A_20 = arith.constant 124 : i32
    %min3A_21 = arith.minsi %min3A_19, %min3A_20 : i32
    %mul3A_22 = arith.constant 80 : i32
    %mul3A_23 = arith.muli %min3A_21, %mul3A_22 : i32
    %add3A_24 = arith.addi %mul3A_11, %mul3A_23 : i32
    %dma_start3A_25 = tpu.memref_slice %arg3[%add3A_24] : memref<320000xi32, #tpu.memory_space<hbm>> -> memref<80xi32, #tpu.memory_space<hbm>>
    %dma_start3A_26 = tpu.memref_slice %arg3[%add3A_24] : memref<320000xi32, #tpu.memory_space<hbm>> -> memref<80xi32, #tpu.memory_space<hbm>>
    tpu.enqueue_dma source(%dma_start3A_26 : memref<80xi32, #tpu.memory_space<hbm>>) target(%arg10 : memref<80xi32, #tpu.memory_space<vmem>>) target_semaphore(%arg19 : memref<!tpu.dma_semaphore, #tpu.memory_space<semaphore_mem>>)
    %scan3A_27 = arith.constant 0 : i32
    %scan3A_28 = arith.constant 0 : i32
    %scan3A_29 = arith.constant 62 : i32
    %scan3A_30 = arith.addi %scan3A_28, %scan3A_29 : i32
    %scan3A_31 = arith.constant 1 : i32
    scf.for %scan3A_44 = %scan3A_28 to %scan3A_30 step %scan3A_31  : i32 {
      %mul3A_45 = arith.constant 2 : i32
      %mul3A_46 = arith.muli %mul3A_45, %scan3A_44 : i32
      %dma_wait3A_47 = arith.constant 0 : i32
      %dma_wait3A_48 = arith.constant 0 : i32
      %dma_wait3A_49 = tpu.memref_slice %arg2[%dma_wait3A_47, %dma_wait3A_48] : memref<10000x128xf32, #tpu.memory_space<hbm>> -> memref<10000x128xf32, #tpu.memory_space<hbm>>
      tpu.wait_indirect_dma semaphore(%arg16 : memref<!tpu.dma_semaphore, #tpu.memory_space<semaphore_mem>>) src(%dma_wait3A_49 : memref<10000x128xf32, #tpu.memory_space<hbm>>) dst(%arg12 : memref<80x128xf32, #tpu.memory_space<vmem>>)
      %add3A_50 = arith.constant 2 : i32
      %add3A_51 = arith.addi %mul3A_46, %add3A_50 : i32
      %min3A_52 = arith.constant 124 : i32
      %min3A_53 = arith.minsi %add3A_51, %min3A_52 : i32
      %mul3A_54 = arith.constant 80 : i32
      %mul3A_55 = arith.muli %min3A_53, %mul3A_54 : i32
      %add3A_56 = arith.addi %mul3A_11, %mul3A_55 : i32
      %dma_start3A_57 = tpu.memref_slice %arg3[%add3A_56] : memref<320000xi32, #tpu.memory_space<hbm>> -> memref<80xi32, #tpu.memory_space<hbm>>
      %dma_start3A_58 = tpu.memref_slice %arg3[%add3A_56] : memref<320000xi32, #tpu.memory_space<hbm>> -> memref<80xi32, #tpu.memory_space<hbm>>
      tpu.enqueue_dma source(%dma_start3A_58 : memref<80xi32, #tpu.memory_space<hbm>>) target(%arg9 : memref<80xi32, #tpu.memory_space<vmem>>) target_semaphore(%arg18 : memref<!tpu.dma_semaphore, #tpu.memory_space<semaphore_mem>>)
      %add3A_59 = arith.constant 1 : i32
      %add3A_60 = arith.addi %mul3A_46, %add3A_59 : i32
      %min3A_61 = arith.constant 124 : i32
      %min3A_62 = arith.minsi %add3A_60, %min3A_61 : i32
      %mul3A_63 = arith.constant 80 : i32
      %mul3A_64 = arith.muli %min3A_62, %mul3A_63 : i32
      %add3A_65 = arith.addi %mul3A_11, %mul3A_64 : i32
      %dma_wait3A_66 = tpu.memref_slice %arg3[%add3A_65] : memref<320000xi32, #tpu.memory_space<hbm>> -> memref<80xi32, #tpu.memory_space<hbm>>
      %dma_wait3A_67 = tpu.memref_slice %arg3[%add3A_65] : memref<320000xi32, #tpu.memory_space<hbm>> -> memref<80xi32, #tpu.memory_space<hbm>>
      tpu.wait_dma2 semaphore(%arg19 : memref<!tpu.dma_semaphore, #tpu.memory_space<semaphore_mem>>) src(%dma_wait3A_67 : memref<80xi32, #tpu.memory_space<hbm>>) dst(%arg10 : memref<80xi32, #tpu.memory_space<vmem>>)
      %dma_start3A_68 = arith.constant 0 : i32
      %dma_start3A_69 = arith.constant 0 : i32
      %dma_start3A_70 = tpu.memref_slice %arg2[%dma_start3A_68, %dma_start3A_69] : memref<10000x128xf32, #tpu.memory_space<hbm>> -> memref<10000x128xf32, #tpu.memory_space<hbm>>
      tpu.enqueue_indirect_dma source(%dma_start3A_70 : memref<10000x128xf32, #tpu.memory_space<hbm>>) target(%arg13 : memref<80x128xf32, #tpu.memory_space<vmem>>) offsets(%arg10 : memref<80xi32, #tpu.memory_space<vmem>>) semaphore(%arg17 : memref<!tpu.dma_semaphore, #tpu.memory_space<semaphore_mem>>)
      "tpu.region"() ({
        %run_scoped3A_97 = tpu.sem_alloc : memref<!tpu.dma_semaphore, #tpu.memory_space<semaphore_mem>>
        %dma_start3A_98 = arith.constant 0 : i32
        %dma_start3A_99 = tpu.memref_slice %arg11[%mul3A_46, %dma_start3A_98] : memref<125x80xi32, #tpu.memory_space<vmem>> -> memref<1x80xi32, #tpu.memory_space<vmem>>
        %dma_start3A_100 = tpu.memref_squeeze %dma_start3A_99 : memref<1x80xi32, #tpu.memory_space<vmem>> -> memref<80xi32, #tpu.memory_space<vmem>>
        %dma_start3A_101 = arith.constant 0 : i32
        %dma_start3A_102 = arith.constant 0 : i32
        %dma_start3A_103 = tpu.memref_slice %arg15[%dma_start3A_101, %dma_start3A_102] : memref<10240x128xf32, #tpu.memory_space<vmem_shared>> -> memref<10240x128xf32, #tpu.memory_space<vmem_shared>>
        tpu.enqueue_indirect_dma source(%arg12 : memref<80x128xf32, #tpu.memory_space<vmem>>) target(%dma_start3A_103 : memref<10240x128xf32, #tpu.memory_space<vmem_shared>>) offsets(%dma_start3A_100 : memref<80xi32, #tpu.memory_space<vmem>>) semaphore(%run_scoped3A_97 : memref<!tpu.dma_semaphore, #tpu.memory_space<semaphore_mem>>) {add = true}
        %dma_wait3A_104 = arith.constant 0 : i32
        %dma_wait3A_105 = tpu.memref_slice %arg11[%mul3A_46, %dma_wait3A_104] : memref<125x80xi32, #tpu.memory_space<vmem>> -> memref<1x80xi32, #tpu.memory_space<vmem>>
        %dma_wait3A_106 = tpu.memref_squeeze %dma_wait3A_105 : memref<1x80xi32, #tpu.memory_space<vmem>> -> memref<80xi32, #tpu.memory_space<vmem>>
        %dma_wait3A_107 = arith.constant 0 : i32
        %dma_wait3A_108 = arith.constant 0 : i32
        %dma_wait3A_109 = tpu.memref_slice %arg15[%dma_wait3A_107, %dma_wait3A_108] : memref<10240x128xf32, #tpu.memory_space<vmem_shared>> -> memref<10240x128xf32, #tpu.memory_space<vmem_shared>>
        tpu.wait_indirect_dma semaphore(%run_scoped3A_97 : memref<!tpu.dma_semaphore, #tpu.memory_space<semaphore_mem>>) src(%arg12 : memref<80x128xf32, #tpu.memory_space<vmem>>) dst(%dma_wait3A_109 : memref<10240x128xf32, #tpu.memory_space<vmem_shared>>)
        tpu.yield
      }) : () -> ()
      %add3A_71 = arith.constant 1 : i32
      %add3A_72 = arith.addi %mul3A_46, %add3A_71 : i32
      %dma_wait3A_73 = arith.constant 0 : i32
      %dma_wait3A_74 = arith.constant 0 : i32
      %dma_wait3A_75 = tpu.memref_slice %arg2[%dma_wait3A_73, %dma_wait3A_74] : memref<10000x128xf32, #tpu.memory_space<hbm>> -> memref<10000x128xf32, #tpu.memory_space<hbm>>
      tpu.wait_indirect_dma semaphore(%arg17 : memref<!tpu.dma_semaphore, #tpu.memory_space<semaphore_mem>>) src(%dma_wait3A_75 : memref<10000x128xf32, #tpu.memory_space<hbm>>) dst(%arg13 : memref<80x128xf32, #tpu.memory_space<vmem>>)
      %add3A_76 = arith.constant 2 : i32
      %add3A_77 = arith.addi %add3A_72, %add3A_76 : i32
      %min3A_78 = arith.constant 124 : i32
      %min3A_79 = arith.minsi %add3A_77, %min3A_78 : i32
      %mul3A_80 = arith.constant 80 : i32
      %mul3A_81 = arith.muli %min3A_79, %mul3A_80 : i32
      %add3A_82 = arith.addi %mul3A_11, %mul3A_81 : i32
      %dma_start3A_83 = tpu.memref_slice %arg3[%add3A_82] : memref<320000xi32, #tpu.memory_space<hbm>> -> memref<80xi32, #tpu.memory_space<hbm>>
      %dma_start3A_84 = tpu.memref_slice %arg3[%add3A_82] : memref<320000xi32, #tpu.memory_space<hbm>> -> memref<80xi32, #tpu.memory_space<hbm>>
      tpu.enqueue_dma source(%dma_start3A_84 : memref<80xi32, #tpu.memory_space<hbm>>) target(%arg10 : memref<80xi32, #tpu.memory_space<vmem>>) target_semaphore(%arg19 : memref<!tpu.dma_semaphore, #tpu.memory_space<semaphore_mem>>)
      %add3A_85 = arith.constant 1 : i32
      %add3A_86 = arith.addi %add3A_72, %add3A_85 : i32
      %min3A_87 = arith.constant 124 : i32
      %min3A_88 = arith.minsi %add3A_86, %min3A_87 : i32
      %mul3A_89 = arith.constant 80 : i32
      %mul3A_90 = arith.muli %min3A_88, %mul3A_89 : i32
      %add3A_91 = arith.addi %mul3A_11, %mul3A_90 : i32
      %dma_wait3A_92 = tpu.memref_slice %arg3[%add3A_91] : memref<320000xi32, #tpu.memory_space<hbm>> -> memref<80xi32, #tpu.memory_space<hbm>>
      %dma_wait3A_93 = tpu.memref_slice %arg3[%add3A_91] : memref<320000xi32, #tpu.memory_space<hbm>> -> memref<80xi32, #tpu.memory_space<hbm>>
      tpu.wait_dma2 semaphore(%arg18 : memref<!tpu.dma_semaphore, #tpu.memory_space<semaphore_mem>>) src(%dma_wait3A_93 : memref<80xi32, #tpu.memory_space<hbm>>) dst(%arg9 : memref<80xi32, #tpu.memory_space<vmem>>)
      %dma_start3A_94 = arith.constant 0 : i32
      %dma_start3A_95 = arith.constant 0 : i32
      %dma_start3A_96 = tpu.memref_slice %arg2[%dma_start3A_94, %dma_start3A_95] : memref<10000x128xf32, #tpu.memory_space<hbm>> -> memref<10000x128xf32, #tpu.memory_space<hbm>>
      tpu.enqueue_indirect_dma source(%dma_start3A_96 : memref<10000x128xf32, #tpu.memory_space<hbm>>) target(%arg12 : memref<80x128xf32, #tpu.memory_space<vmem>>) offsets(%arg9 : memref<80xi32, #tpu.memory_space<vmem>>) semaphore(%arg16 : memref<!tpu.dma_semaphore, #tpu.memory_space<semaphore_mem>>)
      "tpu.region"() ({
        %run_scoped3A_97 = tpu.sem_alloc : memref<!tpu.dma_semaphore, #tpu.memory_space<semaphore_mem>>
        %dma_start3A_98 = arith.constant 0 : i32
        %dma_start3A_99 = tpu.memref_slice %arg11[%add3A_72, %dma_start3A_98] : memref<125x80xi32, #tpu.memory_space<vmem>> -> memref<1x80xi32, #tpu.memory_space<vmem>>
        %dma_start3A_100 = tpu.memref_squeeze %dma_start3A_99 : memref<1x80xi32, #tpu.memory_space<vmem>> -> memref<80xi32, #tpu.memory_space<vmem>>
        %dma_start3A_101 = arith.constant 0 : i32
        %dma_start3A_102 = arith.constant 0 : i32
        %dma_start3A_103 = tpu.memref_slice %arg15[%dma_start3A_101, %dma_start3A_102] : memref<10240x128xf32, #tpu.memory_space<vmem_shared>> -> memref<10240x128xf32, #tpu.memory_space<vmem_shared>>
        tpu.enqueue_indirect_dma source(%arg13 : memref<80x128xf32, #tpu.memory_space<vmem>>) target(%dma_start3A_103 : memref<10240x128xf32, #tpu.memory_space<vmem_shared>>) offsets(%dma_start3A_100 : memref<80xi32, #tpu.memory_space<vmem>>) semaphore(%run_scoped3A_97 : memref<!tpu.dma_semaphore, #tpu.memory_space<semaphore_mem>>) {add = true}
        %dma_wait3A_104 = arith.constant 0 : i32
        %dma_wait3A_105 = tpu.memref_slice %arg11[%add3A_72, %dma_wait3A_104] : memref<125x80xi32, #tpu.memory_space<vmem>> -> memref<1x80xi32, #tpu.memory_space<vmem>>
        %dma_wait3A_106 = tpu.memref_squeeze %dma_wait3A_105 : memref<1x80xi32, #tpu.memory_space<vmem>> -> memref<80xi32, #tpu.memory_space<vmem>>
        %dma_wait3A_107 = arith.constant 0 : i32
        %dma_wait3A_108 = arith.constant 0 : i32
        %dma_wait3A_109 = tpu.memref_slice %arg15[%dma_wait3A_107, %dma_wait3A_108] : memref<10240x128xf32, #tpu.memory_space<vmem_shared>> -> memref<10240x128xf32, #tpu.memory_space<vmem_shared>>
        tpu.wait_indirect_dma semaphore(%run_scoped3A_97 : memref<!tpu.dma_semaphore, #tpu.memory_space<semaphore_mem>>) src(%arg13 : memref<80x128xf32, #tpu.memory_space<vmem>>) dst(%dma_wait3A_109 : memref<10240x128xf32, #tpu.memory_space<vmem_shared>>)
        tpu.yield
      }) : () -> ()
    }
    %scan3A_32 = arith.constant 62 : i32
    %dma_wait3A = arith.constant 0 : i32
    %dma_wait3A_33 = arith.constant 0 : i32
    %dma_wait3A_34 = tpu.memref_slice %arg2[%dma_wait3A, %dma_wait3A_33] : memref<10000x128xf32, #tpu.memory_space<hbm>> -> memref<10000x128xf32, #tpu.memory_space<hbm>>
    tpu.wait_indirect_dma semaphore(%arg16 : memref<!tpu.dma_semaphore, #tpu.memory_space<semaphore_mem>>) src(%dma_wait3A_34 : memref<10000x128xf32, #tpu.memory_space<hbm>>) dst(%arg12 : memref<80x128xf32, #tpu.memory_space<vmem>>)
    %run_scoped3A = arith.constant 124 : i32
    "tpu.region"() ({
      %run_scoped3A_44 = tpu.sem_alloc : memref<!tpu.dma_semaphore, #tpu.memory_space<semaphore_mem>>
      %dma_start3A_45 = arith.constant 0 : i32
      %dma_start3A_46 = tpu.memref_slice %arg11[%run_scoped3A, %dma_start3A_45] : memref<125x80xi32, #tpu.memory_space<vmem>> -> memref<1x80xi32, #tpu.memory_space<vmem>>
      %dma_start3A_47 = tpu.memref_squeeze %dma_start3A_46 : memref<1x80xi32, #tpu.memory_space<vmem>> -> memref<80xi32, #tpu.memory_space<vmem>>
      %dma_start3A_48 = arith.constant 0 : i32
      %dma_start3A_49 = arith.constant 0 : i32
      %dma_start3A_50 = tpu.memref_slice %arg15[%dma_start3A_48, %dma_start3A_49] : memref<10240x128xf32, #tpu.memory_space<vmem_shared>> -> memref<10240x128xf32, #tpu.memory_space<vmem_shared>>
      tpu.enqueue_indirect_dma source(%arg12 : memref<80x128xf32, #tpu.memory_space<vmem>>) target(%dma_start3A_50 : memref<10240x128xf32, #tpu.memory_space<vmem_shared>>) offsets(%dma_start3A_47 : memref<80xi32, #tpu.memory_space<vmem>>) semaphore(%run_scoped3A_44 : memref<!tpu.dma_semaphore, #tpu.memory_space<semaphore_mem>>) {add = true}
      %dma_wait3A_51 = arith.constant 0 : i32
      %dma_wait3A_52 = tpu.memref_slice %arg11[%run_scoped3A, %dma_wait3A_51] : memref<125x80xi32, #tpu.memory_space<vmem>> -> memref<1x80xi32, #tpu.memory_space<vmem>>
      %dma_wait3A_53 = tpu.memref_squeeze %dma_wait3A_52 : memref<1x80xi32, #tpu.memory_space<vmem>> -> memref<80xi32, #tpu.memory_space<vmem>>
      %dma_wait3A_54 = arith.constant 0 : i32
      %dma_wait3A_55 = arith.constant 0 : i32
      %dma_wait3A_56 = tpu.memref_slice %arg15[%dma_wait3A_54, %dma_wait3A_55] : memref<10240x128xf32, #tpu.memory_space<vmem_shared>> -> memref<10240x128xf32, #tpu.memory_space<vmem_shared>>
      tpu.wait_indirect_dma semaphore(%run_scoped3A_44 : memref<!tpu.dma_semaphore, #tpu.memory_space<semaphore_mem>>) src(%arg12 : memref<80x128xf32, #tpu.memory_space<vmem>>) dst(%dma_wait3A_56 : memref<10240x128xf32, #tpu.memory_space<vmem_shared>>)
      tpu.yield
    }) : () -> ()
    %min3A_35 = arith.constant 124 : i32
    %min3A_36 = arith.constant 124 : i32
    %min3A_37 = arith.minsi %min3A_35, %min3A_36 : i32
    %mul3A_38 = arith.constant 80 : i32
    %mul3A_39 = arith.muli %min3A_37, %mul3A_38 : i32
    %add3A_40 = arith.addi %mul3A_11, %mul3A_39 : i32
    %dma_wait3A_41 = tpu.memref_slice %arg3[%add3A_40] : memref<320000xi32, #tpu.memory_space<hbm>> -> memref<80xi32, #tpu.memory_space<hbm>>
    %dma_wait3A_42 = tpu.memref_slice %arg3[%add3A_40] : memref<320000xi32, #tpu.memory_space<hbm>> -> memref<80xi32, #tpu.memory_space<hbm>>
    tpu.wait_dma2 semaphore(%arg19 : memref<!tpu.dma_semaphore, #tpu.memory_space<semaphore_mem>>) src(%dma_wait3A_42 : memref<80xi32, #tpu.memory_space<hbm>>) dst(%arg10 : memref<80xi32, #tpu.memory_space<vmem>>)
    %barrier3A_43 = arith.constant 0 : index
    tpu.barrier barrier_id(%barrier3A_43)
    "tpu.region"() ({
      %run_scoped3A_44 = tpu.sem_alloc : memref<!tpu.dma_semaphore, #tpu.memory_space<semaphore_mem>>
      %dma_start3A_45 = arith.constant 0 : i32
      %dma_start3A_46 = tpu.memref_slice %arg7[%arg0, %mul3A_2, %dma_start3A_45] : memref<2x10240x128xf32, #tpu.memory_space<hbm>> -> memref<1x640x128xf32, #tpu.memory_space<hbm>>
      %dma_start3A_47 = tpu.memref_squeeze %dma_start3A_46 : memref<1x640x128xf32, #tpu.memory_space<hbm>> -> memref<640x128xf32, #tpu.memory_space<hbm>>
      %dma_start3A_48 = arith.constant 0 : i32
      %dma_start3A_49 = tpu.memref_slice %arg15[%mul3A_2, %dma_start3A_48] : memref<10240x128xf32, #tpu.memory_space<vmem_shared>> -> memref<640x128xf32, #tpu.memory_space<vmem_shared>>
      tpu.enqueue_dma source(%dma_start3A_49 : memref<640x128xf32, #tpu.memory_space<vmem_shared>>) target(%dma_start3A_47 : memref<640x128xf32, #tpu.memory_space<hbm>>) target_semaphore(%run_scoped3A_44 : memref<!tpu.dma_semaphore, #tpu.memory_space<semaphore_mem>>)
      %dma_wait3A_50 = arith.constant 0 : i32
      %dma_wait3A_51 = tpu.memref_slice %arg7[%arg0, %mul3A_2, %dma_wait3A_50] : memref<2x10240x128xf32, #tpu.memory_space<hbm>> -> memref<1x640x128xf32, #tpu.memory_space<hbm>>
      %dma_wait3A_52 = tpu.memref_squeeze %dma_wait3A_51 : memref<1x640x128xf32, #tpu.memory_space<hbm>> -> memref<640x128xf32, #tpu.memory_space<hbm>>
      %dma_wait3A_53 = arith.constant 0 : i32
      %dma_wait3A_54 = tpu.memref_slice %arg15[%mul3A_2, %dma_wait3A_53] : memref<10240x128xf32, #tpu.memory_space<vmem_shared>> -> memref<640x128xf32, #tpu.memory_space<vmem_shared>>
      tpu.wait_dma2 semaphore(%run_scoped3A_44 : memref<!tpu.dma_semaphore, #tpu.memory_space<semaphore_mem>>) src(%dma_wait3A_54 : memref<640x128xf32, #tpu.memory_space<vmem_shared>>) dst(%dma_wait3A_52 : memref<640x128xf32, #tpu.memory_space<hbm>>)
      tpu.yield
    }) : () -> ()
    return
  }
}

module attributes {stable_mosaic.version = 14 : i64} {
  func.func @_h0_body(%arg0: i32, %arg1: memref<1000x128xf32, #tpu.memory_space<vmem>>, %arg2: memref<1000x16xf32, #tpu.memory_space<vmem>>, %arg3: memref<128x128xf32, #tpu.memory_space<vmem>>, %arg4: memref<16x128xf32, #tpu.memory_space<vmem>>, %arg5: memref<1000x128xf32, #tpu.memory_space<vmem>>) attributes {dimension_semantics = [#tpu.dimension_semantics<arbitrary>], iteration_bounds = array<i64: 10>, scalar_prefetch = 0 : i64, scratch_operands = 0 : i64, tpu.core_type = #tpu.core_type<tc>, window_params = [{transform_indices = @transform_0, window_bounds = array<i64: 1000, 128>}, {transform_indices = @transform_1, window_bounds = array<i64: 1000, 16>}, {pipeline_mode = #tpu.pipeline_mode<synchronous>, transform_indices = @transform_2, window_bounds = array<i64: 128, 128>}, {pipeline_mode = #tpu.pipeline_mode<synchronous>, transform_indices = @transform_3, window_bounds = array<i64: 16, 128>}, {transform_indices = @transform_4, window_bounds = array<i64: 1000, 128>}]} {
    %get3A = arith.constant 0 : index
    %get3A_0 = arith.constant 0 : index
    %get3A_1 = vector.load %arg1[%get3A, %get3A_0] : memref<1000x128xf32, #tpu.memory_space<vmem>>, vector<1000x128xf32>
    %get3A_2 = arith.constant 0 : index
    %get3A_3 = arith.constant 0 : index
    %get3A_4 = vector.load %arg3[%get3A_2, %get3A_3] : memref<128x128xf32, #tpu.memory_space<vmem>>, vector<128x128xf32>
    %dot_general3A = arith.constant dense<0.000000e+00> : vector<1000x128xf32>
    %dot_general3A_5 = tpu.matmul %get3A_1, %get3A_4, %dot_general3A {dimension_numbers = #tpu.dot_dimension_numbers<[1], [0], [0], [1], [0, 0, 1, 1], [], []>, transpose_lhs_hint = false} : vector<1000x128xf32>, vector<128x128xf32>, vector<1000x128xf32> -> vector<1000x128xf32>
    %get3A_6 = arith.constant 0 : index
    %get3A_7 = arith.constant 0 : index
    %get3A_8 = vector.load %arg2[%get3A_6, %get3A_7] : memref<1000x16xf32, #tpu.memory_space<vmem>>, vector<1000x16xf32>
    %get3A_9 = arith.constant 0 : index
    %get3A_10 = arith.constant 0 : index
    %get3A_11 = vector.load %arg4[%get3A_9, %get3A_10] : memref<16x128xf32, #tpu.memory_space<vmem>>, vector<16x128xf32>
    %dot_general3A_12 = arith.constant dense<0.000000e+00> : vector<1000x128xf32>
    %dot_general3A_13 = tpu.matmul %get3A_8, %get3A_11, %dot_general3A_12 {dimension_numbers = #tpu.dot_dimension_numbers<[1], [0], [0], [1], [0, 0, 1, 1], [], []>, transpose_lhs_hint = false} : vector<1000x16xf32>, vector<16x128xf32>, vector<1000x128xf32> -> vector<1000x128xf32>
    %add3A = arith.addf %dot_general3A_5, %dot_general3A_13 : vector<1000x128xf32>
    %swap3A = arith.constant 0 : index
    %swap3A_14 = arith.constant 0 : index
    %swap3A_15 = vector.load %arg5[%swap3A, %swap3A_14] : memref<1000x128xf32, #tpu.memory_space<vmem>>, vector<1000x128xf32>
    tpu.vector_store %arg5[%swap3A, %swap3A_14], %add3A {strides = array<i32>} : memref<1000x128xf32, #tpu.memory_space<vmem>>, vector<1000x128xf32>,
    return
  }
  func.func @transform_0(%arg0: i32) -> (i32, i32) {
    %c0_i32 = arith.constant 0 : i32
    %c0_i32_0 = arith.constant 0 : i32
    return %arg0, %c0_i32 : i32, i32
  }
  func.func @transform_1(%arg0: i32) -> (i32, i32) {
    %c0_i32 = arith.constant 0 : i32
    %c0_i32_0 = arith.constant 0 : i32
    return %arg0, %c0_i32 : i32, i32
  }
  func.func @transform_2(%arg0: i32) -> (i32, i32) {
    %c0_i32 = arith.constant 0 : i32
    %c0_i32_0 = arith.constant 0 : i32
    %c0_i32_1 = arith.constant 0 : i32
    return %c0_i32, %c0_i32_0 : i32, i32
  }
  func.func @transform_3(%arg0: i32) -> (i32, i32) {
    %c0_i32 = arith.constant 0 : i32
    %c0_i32_0 = arith.constant 0 : i32
    %c0_i32_1 = arith.constant 0 : i32
    return %c0_i32, %c0_i32_0 : i32, i32
  }
  func.func @transform_4(%arg0: i32) -> (i32, i32) {
    %c0_i32 = arith.constant 0 : i32
    %c0_i32_0 = arith.constant 0 : i32
    return %arg0, %c0_i32 : i32, i32
  }
}

module attributes {stable_mosaic.version = 14 : i64} {
  func.func @_pool_route_body(%arg0: i32, %arg1: memref<2x1000x128xf32, #tpu.memory_space<vmem>>, %arg2: memref<2x1000x128xf32, #tpu.memory_space<vmem>>, %arg3: memref<1000x128xf32, #tpu.memory_space<vmem>>, %arg4: memref<128x128xf32, #tpu.memory_space<vmem>>, %arg5: memref<128x128xf32, #tpu.memory_space<vmem>>, %arg6: memref<1000x1xf32, #tpu.memory_space<vmem>>, %arg7: memref<128x256xf32, #tpu.memory_space<vmem>>, %arg8: memref<1x256xf32, #tpu.memory_space<vmem>>, %arg9: memref<256x128xf32, #tpu.memory_space<vmem>>, %arg10: memref<1x128xf32, #tpu.memory_space<vmem>>, %arg11: memref<4x32x64xf32, #tpu.memory_space<vmem>>, %arg12: memref<4x64x32xf32, #tpu.memory_space<vmem>>, %arg13: memref<1x64xf32, #tpu.memory_space<vmem>>, %arg14: memref<128x256xf32, #tpu.memory_space<vmem>>, %arg15: memref<1x256xf32, #tpu.memory_space<vmem>>, %arg16: memref<256x128xf32, #tpu.memory_space<vmem>>, %arg17: memref<1x128xf32, #tpu.memory_space<vmem>>, %arg18: memref<1x1xf32, #tpu.memory_space<vmem>>, %arg19: memref<512x10xf32, #tpu.memory_space<vmem>>, %arg20: memref<512x32xi32, #tpu.memory_space<vmem>>, %arg21: memref<512x128xf32, #tpu.memory_space<vmem>>, %arg22: memref<512x128xf32, #tpu.memory_space<vmem>>) attributes {dimension_semantics = [#tpu.dimension_semantics<arbitrary>], iteration_bounds = array<i64: 10>, scalar_prefetch = 0 : i64, scratch_operands = 2 : i64, tpu.core_type = #tpu.core_type<tc>, window_params = [{transform_indices = @transform_0, window_bounds = array<i64: 2, 1000, 128>}, {transform_indices = @transform_1, window_bounds = array<i64: 2, 1000, 128>}, {transform_indices = @transform_2, window_bounds = array<i64: 1000, 128>}, {pipeline_mode = #tpu.pipeline_mode<synchronous>, transform_indices = @transform_3, window_bounds = array<i64: 128, 128>}, {pipeline_mode = #tpu.pipeline_mode<synchronous>, transform_indices = @transform_4, window_bounds = array<i64: 128, 128>}, {transform_indices = @transform_5, window_bounds = array<i64: 1000, 1>}, {pipeline_mode = #tpu.pipeline_mode<synchronous>, transform_indices = @transform_6, window_bounds = array<i64: 128, 256>}, {pipeline_mode = #tpu.pipeline_mode<synchronous>, transform_indices = @transform_7, window_bounds = array<i64: 1, 256>}, {pipeline_mode = #tpu.pipeline_mode<synchronous>, transform_indices = @transform_8, window_bounds = array<i64: 256, 128>}, {pipeline_mode = #tpu.pipeline_mode<synchronous>, transform_indices = @transform_9, window_bounds = array<i64: 1, 128>}, {pipeline_mode = #tpu.pipeline_mode<synchronous>, transform_indices = @transform_10, window_bounds = array<i64: 4, 32, 64>}, {pipeline_mode = #tpu.pipeline_mode<synchronous>, transform_indices = @transform_11, window_bounds = array<i64: 4, 64, 32>}, {pipeline_mode = #tpu.pipeline_mode<synchronous>, transform_indices = @transform_12, window_bounds = array<i64: 1, 64>}, {pipeline_mode = #tpu.pipeline_mode<synchronous>, transform_indices = @transform_13, window_bounds = array<i64: 128, 256>}, {pipeline_mode = #tpu.pipeline_mode<synchronous>, transform_indices = @transform_14, window_bounds = array<i64: 1, 256>}, {pipeline_mode = #tpu.pipeline_mode<synchronous>, transform_indices = @transform_15, window_bounds = array<i64: 256, 128>}, {pipeline_mode = #tpu.pipeline_mode<synchronous>, transform_indices = @transform_16, window_bounds = array<i64: 1, 128>}, {pipeline_mode = #tpu.pipeline_mode<synchronous>, transform_indices = @transform_17, window_bounds = array<i64: 1, 1>}, {pipeline_mode = #tpu.pipeline_mode<synchronous>, transform_indices = @transform_18, window_bounds = array<i64: 512, 10>}, {pipeline_mode = #tpu.pipeline_mode<synchronous>, transform_indices = @transform_19, window_bounds = array<i64: 512, 32>}]} {
    %get3A = arith.constant 0 : index
    %get3A_0 = arith.constant 0 : index
    %get3A_1 = arith.constant 0 : index
    %get3A_2 = vector.load %arg2[%get3A, %get3A_0, %get3A_1] : memref<2x1000x128xf32, #tpu.memory_space<vmem>>, vector<1x1000x128xf32>
    %get3A_3 = vector.shape_cast %get3A_2 : vector<1x1000x128xf32> to vector<1000x128xf32>
    %get3A_4 = arith.constant 1 : index
    %get3A_5 = arith.constant 0 : index
    %get3A_6 = arith.constant 0 : index
    %get3A_7 = vector.load %arg2[%get3A_4, %get3A_5, %get3A_6] : memref<2x1000x128xf32, #tpu.memory_space<vmem>>, vector<1x1000x128xf32>
    %get3A_8 = vector.shape_cast %get3A_7 : vector<1x1000x128xf32> to vector<1000x128xf32>
    %add3A = arith.addf %get3A_3, %get3A_8 : vector<1000x128xf32>
    %max3A = arith.constant 1.000000e+00 : f32
    %max3A_9 = vector.broadcast %max3A : f32 to vector<1000x128xf32>
    %max3A_10 = arith.maximumf %add3A, %max3A_9 : vector<1000x128xf32>
    %get3A_11 = arith.constant 0 : index
    %get3A_12 = arith.constant 0 : index
    %get3A_13 = arith.constant 0 : index
    %get3A_14 = vector.load %arg1[%get3A_11, %get3A_12, %get3A_13] : memref<2x1000x128xf32, #tpu.memory_space<vmem>>, vector<1x1000x128xf32>
    %get3A_15 = vector.shape_cast %get3A_14 : vector<1x1000x128xf32> to vector<1000x128xf32>
    %get3A_16 = arith.constant 1 : index
    %get3A_17 = arith.constant 0 : index
    %get3A_18 = arith.constant 0 : index
    %get3A_19 = vector.load %arg1[%get3A_16, %get3A_17, %get3A_18] : memref<2x1000x128xf32, #tpu.memory_space<vmem>>, vector<1x1000x128xf32>
    %get3A_20 = vector.shape_cast %get3A_19 : vector<1x1000x128xf32> to vector<1000x128xf32>
    %add3A_21 = arith.addf %get3A_15, %get3A_20 : vector<1000x128xf32>
    %div3A = arith.divf %add3A_21, %max3A_10 : vector<1000x128xf32>
    %get3A_22 = arith.constant 0 : index
    %get3A_23 = arith.constant 0 : index
    %get3A_24 = vector.load %arg4[%get3A_22, %get3A_23] : memref<128x128xf32, #tpu.memory_space<vmem>>, vector<128x128xf32>
    %dot_general3A = arith.constant dense<0.000000e+00> : vector<1000x128xf32>
    %dot_general3A_25 = tpu.matmul %div3A, %get3A_24, %dot_general3A {dimension_numbers = #tpu.dot_dimension_numbers<[1], [0], [0], [1], [0, 0, 1, 1], [], []>, transpose_lhs_hint = false} : vector<1000x128xf32>, vector<128x128xf32>, vector<1000x128xf32> -> vector<1000x128xf32>
    %get3A_26 = arith.constant 0 : index
    %get3A_27 = arith.constant 0 : index
    %get3A_28 = vector.load %arg3[%get3A_26, %get3A_27] : memref<1000x128xf32, #tpu.memory_space<vmem>>, vector<1000x128xf32>
    %get3A_29 = arith.constant 0 : index
    %get3A_30 = arith.constant 0 : index
    %get3A_31 = vector.load %arg5[%get3A_29, %get3A_30] : memref<128x128xf32, #tpu.memory_space<vmem>>, vector<128x128xf32>
    %dot_general3A_32 = arith.constant dense<0.000000e+00> : vector<1000x128xf32>
    %dot_general3A_33 = tpu.matmul %get3A_28, %get3A_31, %dot_general3A_32 {dimension_numbers = #tpu.dot_dimension_numbers<[1], [0], [0], [1], [0, 0, 1, 1], [], []>, transpose_lhs_hint = false} : vector<1000x128xf32>, vector<128x128xf32>, vector<1000x128xf32> -> vector<1000x128xf32>
    %add3A_34 = arith.addf %dot_general3A_25, %dot_general3A_33 : vector<1000x128xf32>
    %max3A_35 = arith.constant 0.000000e+00 : f32
    %max3A_36 = vector.broadcast %max3A_35 : f32 to vector<1000x128xf32>
    %max3A_37 = arith.maximumf %add3A_34, %max3A_36 : vector<1000x128xf32>
    %get3A_38 = arith.constant 0 : index
    %get3A_39 = arith.constant 0 : index
    %get3A_40 = vector.load %arg6[%get3A_38, %get3A_39] : memref<1000x1xf32, #tpu.memory_space<vmem>>, vector<1000x1xf32>
    %iota3A = tpu.iota {dimensions = array<i32: 1>} : vector<1000x512xi32>
    %convert_element_type3A = arith.sitofp %iota3A : vector<1000x512xi32> to vector<1000x512xf32>
    %eq3A = vector.broadcast %get3A_40 : vector<1000x1xf32> to vector<1000x512xf32>
    %eq3A_41 = arith.cmpf oeq, %eq3A, %convert_element_type3A : vector<1000x512xf32>
    %convert_element_type3A_42 = arith.extui %eq3A_41 : vector<1000x512xi1> to vector<1000x512xi32>
    %convert_element_type3A_43 = arith.sitofp %convert_element_type3A_42 : vector<1000x512xi32> to vector<1000x512xf32>
    %dot_general3A_44 = arith.constant dense<0.000000e+00> : vector<512x128xf32>
    %dot_general3A_45 = tpu.matmul %convert_element_type3A_43, %max3A_37, %dot_general3A_44 {dimension_numbers = #tpu.dot_dimension_numbers<[0], [0], [1], [1], [0, 1, 1, 1], [], []>, precision = #tpu.contract_precision<fp32>, transpose_lhs_hint = false} : vector<1000x512xf32>, vector<1000x128xf32>, vector<512x128xf32> -> vector<512x128xf32>
    %broadcast_in_dim3A = arith.constant 1.000000e+00 : f32
    %broadcast_in_dim3A_46 = vector.broadcast %broadcast_in_dim3A : f32 to vector<1000x128xf32>
    %dot_general3A_47 = arith.constant dense<0.000000e+00> : vector<512x128xf32>
    %dot_general3A_48 = tpu.matmul %convert_element_type3A_43, %broadcast_in_dim3A_46, %dot_general3A_47 {dimension_numbers = #tpu.dot_dimension_numbers<[0], [0], [1], [1], [0, 1, 1, 1], [], []>, precision = #tpu.contract_precision<fp32>, transpose_lhs_hint = false} : vector<1000x512xf32>, vector<1000x128xf32>, vector<512x128xf32> -> vector<512x128xf32>
    %eq3A_49 = arith.constant 0 : i32
    %eq3A_50 = arith.cmpi eq, %arg0, %eq3A_49 : i32
    %convert_element_type3A_51 = arith.extui %eq3A_50 : i1 to i32
    %cond3A = arith.constant 0 : i32
    %cond3A_52 = arith.cmpi ne, %convert_element_type3A_51, %cond3A : i32
    scf.if %cond3A_52 {
      %broadcast_in_dim3A_71 = arith.constant 0.000000e+00 : f32
      %broadcast_in_dim3A_72 = vector.broadcast %broadcast_in_dim3A_71 : f32 to vector<512x128xf32>
      %swap3A_73 = arith.constant 0 : index
      %swap3A_74 = arith.constant 0 : index
      %swap3A_75 = vector.load %arg21[%swap3A_73, %swap3A_74] : memref<512x128xf32, #tpu.memory_space<vmem>>, vector<512x128xf32>
      tpu.vector_store %arg21[%swap3A_73, %swap3A_74], %broadcast_in_dim3A_72 {strides = array<i32>} : memref<512x128xf32, #tpu.memory_space<vmem>>, vector<512x128xf32>,
      %broadcast_in_dim3A_76 = arith.constant 0.000000e+00 : f32
      %broadcast_in_dim3A_77 = vector.broadcast %broadcast_in_dim3A_76 : f32 to vector<512x128xf32>
      %swap3A_78 = arith.constant 0 : index
      %swap3A_79 = arith.constant 0 : index
      %swap3A_80 = vector.load %arg22[%swap3A_78, %swap3A_79] : memref<512x128xf32, #tpu.memory_space<vmem>>, vector<512x128xf32>
      tpu.vector_store %arg22[%swap3A_78, %swap3A_79], %broadcast_in_dim3A_77 {strides = array<i32>} : memref<512x128xf32, #tpu.memory_space<vmem>>, vector<512x128xf32>,
    } else {
    }
    %get3A_53 = arith.constant 0 : index
    %get3A_54 = arith.constant 0 : index
    %get3A_55 = vector.load %arg21[%get3A_53, %get3A_54] : memref<512x128xf32, #tpu.memory_space<vmem>>, vector<512x128xf32>
    %add3A_56 = arith.addf %get3A_55, %dot_general3A_45 : vector<512x128xf32>
    %swap3A = arith.constant 0 : index
    %swap3A_57 = arith.constant 0 : index
    %swap3A_58 = vector.load %arg21[%swap3A, %swap3A_57] : memref<512x128xf32, #tpu.memory_space<vmem>>, vector<512x128xf32>
    tpu.vector_store %arg21[%swap3A, %swap3A_57], %add3A_56 {strides = array<i32>} : memref<512x128xf32, #tpu.memory_space<vmem>>, vector<512x128xf32>,
    %get3A_59 = arith.constant 0 : index
    %get3A_60 = arith.constant 0 : index
    %get3A_61 = vector.load %arg22[%get3A_59, %get3A_60] : memref<512x128xf32, #tpu.memory_space<vmem>>, vector<512x128xf32>
    %add3A_62 = arith.addf %get3A_61, %dot_general3A_48 : vector<512x128xf32>
    %swap3A_63 = arith.constant 0 : index
    %swap3A_64 = arith.constant 0 : index
    %swap3A_65 = vector.load %arg22[%swap3A_63, %swap3A_64] : memref<512x128xf32, #tpu.memory_space<vmem>>, vector<512x128xf32>
    tpu.vector_store %arg22[%swap3A_63, %swap3A_64], %add3A_62 {strides = array<i32>} : memref<512x128xf32, #tpu.memory_space<vmem>>, vector<512x128xf32>,
    %eq3A_66 = arith.constant 9 : i32
    %eq3A_67 = arith.cmpi eq, %arg0, %eq3A_66 : i32
    %convert_element_type3A_68 = arith.extui %eq3A_67 : i1 to i32
    %cond3A_69 = arith.constant 0 : i32
    %cond3A_70 = arith.cmpi ne, %convert_element_type3A_68, %cond3A_69 : i32
    scf.if %cond3A_70 {
      %get3A_71 = arith.constant 0 : index
      %get3A_72 = arith.constant 0 : index
      %get3A_73 = vector.load %arg21[%get3A_71, %get3A_72] : memref<512x128xf32, #tpu.memory_space<vmem>>, vector<512x128xf32>
      %get3A_74 = arith.constant 0 : index
      %get3A_75 = arith.constant 0 : index
      %get3A_76 = vector.load %arg22[%get3A_74, %get3A_75] : memref<512x128xf32, #tpu.memory_space<vmem>>, vector<512x128xf32>
      %max3A_77 = arith.constant 1.000000e+00 : f32
      %max3A_78 = vector.broadcast %max3A_77 : f32 to vector<512x128xf32>
      %max3A_79 = arith.maximumf %get3A_76, %max3A_78 : vector<512x128xf32>
      %div3A_80 = arith.divf %get3A_73, %max3A_79 : vector<512x128xf32>
      %get3A_81 = arith.constant 0 : index
      %get3A_82 = arith.constant 0 : index
      %get3A_83 = vector.load %arg7[%get3A_81, %get3A_82] : memref<128x256xf32, #tpu.memory_space<vmem>>, vector<128x256xf32>
      %dot_general3A_84 = arith.constant dense<0.000000e+00> : vector<512x256xf32>
      %dot_general3A_85 = tpu.matmul %div3A_80, %get3A_83, %dot_general3A_84 {dimension_numbers = #tpu.dot_dimension_numbers<[1], [0], [0], [1], [0, 0, 1, 1], [], []>, transpose_lhs_hint = false} : vector<512x128xf32>, vector<128x256xf32>, vector<512x256xf32> -> vector<512x256xf32>
      %get3A_86 = arith.constant 0 : index
      %get3A_87 = arith.constant 0 : index
      %get3A_88 = vector.load %arg8[%get3A_86, %get3A_87] : memref<1x256xf32, #tpu.memory_space<vmem>>, vector<1x256xf32>
      %add3A_89 = vector.broadcast %get3A_88 : vector<1x256xf32> to vector<512x256xf32>
      %add3A_90 = arith.addf %dot_general3A_85, %add3A_89 : vector<512x256xf32>
      %max3A_91 = arith.constant 0.000000e+00 : f32
      %max3A_92 = vector.broadcast %max3A_91 : f32 to vector<512x256xf32>
      %max3A_93 = arith.maximumf %add3A_90, %max3A_92 : vector<512x256xf32>
      %get3A_94 = arith.constant 0 : index
      %get3A_95 = arith.constant 0 : index
      %get3A_96 = vector.load %arg9[%get3A_94, %get3A_95] : memref<256x128xf32, #tpu.memory_space<vmem>>, vector<256x128xf32>
      %dot_general3A_97 = arith.constant dense<0.000000e+00> : vector<512x128xf32>
      %dot_general3A_98 = tpu.matmul %max3A_93, %get3A_96, %dot_general3A_97 {dimension_numbers = #tpu.dot_dimension_numbers<[1], [0], [0], [1], [0, 0, 1, 1], [], []>, transpose_lhs_hint = false} : vector<512x256xf32>, vector<256x128xf32>, vector<512x128xf32> -> vector<512x128xf32>
      %get3A_99 = arith.constant 0 : index
      %get3A_100 = arith.constant 0 : index
      %get3A_101 = vector.load %arg10[%get3A_99, %get3A_100] : memref<1x128xf32, #tpu.memory_space<vmem>>, vector<1x128xf32>
      %add3A_102 = vector.broadcast %get3A_101 : vector<1x128xf32> to vector<512x128xf32>
      %add3A_103 = arith.addf %dot_general3A_98, %add3A_102 : vector<512x128xf32>
      %iota3A_104 = tpu.iota {dimensions = array<i32: 1>} : vector<512x64xi32>
      %iota3A_105 = tpu.iota {dimensions = array<i32: 1>} : vector<512x32xi32>
      %broadcast_in_dim3A_106 = arith.constant 0 : i32
      %broadcast_in_dim3A_107 = vector.broadcast %broadcast_in_dim3A_106 : i32 to vector<512x32xi32>
      %slice3A = vector.extract_strided_slice %add3A_103 {offsets = [0, 0], sizes = [512, 32], strides = [1, 1]} : vector<512x128xf32> to vector<512x32xf32>
      %get3A_108 = arith.constant 0 : index
      %get3A_109 = arith.constant 0 : index
      %get3A_110 = arith.constant 0 : index
      %get3A_111 = vector.load %arg11[%get3A_108, %get3A_109, %get3A_110] : memref<4x32x64xf32, #tpu.memory_space<vmem>>, vector<1x32x64xf32>
      %get3A_112 = vector.shape_cast %get3A_111 : vector<1x32x64xf32> to vector<32x64xf32>
      %dot_general3A_113 = arith.constant dense<0.000000e+00> : vector<512x64xf32>
      %dot_general3A_114 = tpu.matmul %slice3A, %get3A_112, %dot_general3A_113 {dimension_numbers = #tpu.dot_dimension_numbers<[1], [0], [0], [1], [0, 0, 1, 1], [], []>, transpose_lhs_hint = false} : vector<512x32xf32>, vector<32x64xf32>, vector<512x64xf32> -> vector<512x64xf32>
      %mul3A = arith.constant 0.176776692 : f32
      %mul3A_115 = vector.broadcast %mul3A : f32 to vector<512x64xf32>
      %mul3A_116 = arith.mulf %dot_general3A_114, %mul3A_115 : vector<512x64xf32>
      %get3A_117 = arith.constant 0 : index
      %get3A_118 = arith.constant 0 : index
      %get3A_119 = vector.load %arg13[%get3A_117, %get3A_118] : memref<1x64xf32, #tpu.memory_space<vmem>>, vector<1x64xf32>
      %add3A_120 = vector.broadcast %get3A_119 : vector<1x64xf32> to vector<512x64xf32>
      %add3A_121 = arith.addf %mul3A_116, %add3A_120 : vector<512x64xf32>
      %reduce_max3A = arith.constant dense<0xFF800000> : vector<512xf32>
      %reduce_max3A_122 = vector.multi_reduction <maximumf>, %add3A_121, %reduce_max3A [1] : vector<512x64xf32> to vector<512xf32>
      %broadcast_in_dim3A_123 = vector.shape_cast %reduce_max3A_122 : vector<512xf32> to vector<512x1xf32>
      %eq3A_124 = vector.broadcast %broadcast_in_dim3A_123 : vector<512x1xf32> to vector<512x64xf32>
      %eq3A_125 = arith.cmpf oeq, %add3A_121, %eq3A_124 : vector<512x64xf32>
      %jit3A = arith.constant 64 : i32
      %broadcast_in_dim3A_126 = vector.broadcast %jit3A : i32 to vector<512x64xi32>
      %select_n3A = arith.select %eq3A_125, %iota3A_104, %broadcast_in_dim3A_126 : vector<512x64xi1>, vector<512x64xi32>
      %reduce_min3A = arith.constant dense<2147483647> : vector<512xi32>
      %reduce_min3A_127 = vector.multi_reduction <minsi>, %select_n3A, %reduce_min3A [1] : vector<512x64xi32> to vector<512xi32>
      %broadcast_in_dim3A_128 = vector.shape_cast %reduce_min3A_127 : vector<512xi32> to vector<512x1xi32>
      %eq3A_129 = vector.broadcast %broadcast_in_dim3A_128 : vector<512x1xi32> to vector<512x64xi32>
      %eq3A_130 = arith.cmpi eq, %iota3A_104, %eq3A_129 : vector<512x64xi32>
      %jit3A_131 = arith.constant 0.000000e+00 : f32
      %broadcast_in_dim3A_132 = vector.broadcast %jit3A_131 : f32 to vector<512x64xf32>
      %select_n3A_133 = arith.select %eq3A_130, %mul3A_116, %broadcast_in_dim3A_132 : vector<512x64xi1>, vector<512x64xf32>
      %reduce_sum3A = arith.constant dense<0.000000e+00> : vector<512xf32>
      %reduce_sum3A_134 = vector.multi_reduction <add>, %select_n3A_133, %reduce_sum3A [1] : vector<512x64xf32> to vector<512xf32>
      %broadcast_in_dim3A_135 = vector.shape_cast %reduce_sum3A_134 : vector<512xf32> to vector<512x1xf32>
      %jit3A_136 = arith.constant -3.000000e+38 : f32
      %broadcast_in_dim3A_137 = vector.broadcast %jit3A_136 : f32 to vector<512x64xf32>
      %select_n3A_138 = arith.select %eq3A_130, %broadcast_in_dim3A_137, %add3A_121 : vector<512x64xi1>, vector<512x64xf32>
      %reduce_max3A_139 = arith.constant dense<0xFF800000> : vector<512xf32>
      %reduce_max3A_140 = vector.multi_reduction <maximumf>, %select_n3A_138, %reduce_max3A_139 [1] : vector<512x64xf32> to vector<512xf32>
      %broadcast_in_dim3A_141 = vector.shape_cast %reduce_max3A_140 : vector<512xf32> to vector<512x1xf32>
      %eq3A_142 = vector.broadcast %broadcast_in_dim3A_141 : vector<512x1xf32> to vector<512x64xf32>
      %eq3A_143 = arith.cmpf oeq, %select_n3A_138, %eq3A_142 : vector<512x64xf32>
      %jit3A_144 = arith.constant 64 : i32
      %broadcast_in_dim3A_145 = vector.broadcast %jit3A_144 : i32 to vector<512x64xi32>
      %select_n3A_146 = arith.select %eq3A_143, %iota3A_104, %broadcast_in_dim3A_145 : vector<512x64xi1>, vector<512x64xi32>
      %reduce_min3A_147 = arith.constant dense<2147483647> : vector<512xi32>
      %reduce_min3A_148 = vector.multi_reduction <minsi>, %select_n3A_146, %reduce_min3A_147 [1] : vector<512x64xi32> to vector<512xi32>
      %broadcast_in_dim3A_149 = vector.shape_cast %reduce_min3A_148 : vector<512xi32> to vector<512x1xi32>
      %eq3A_150 = vector.broadcast %broadcast_in_dim3A_149 : vector<512x1xi32> to vector<512x64xi32>
      %eq3A_151 = arith.cmpi eq, %iota3A_104, %eq3A_150 : vector<512x64xi32>
      %jit3A_152 = arith.constant 0.000000e+00 : f32
      %broadcast_in_dim3A_153 = vector.broadcast %jit3A_152 : f32 to vector<512x64xf32>
      %select_n3A_154 = arith.select %eq3A_151, %mul3A_116, %broadcast_in_dim3A_153 : vector<512x64xi1>, vector<512x64xf32>
      %reduce_sum3A_155 = arith.constant dense<0.000000e+00> : vector<512xf32>
      %reduce_sum3A_156 = vector.multi_reduction <add>, %select_n3A_154, %reduce_sum3A_155 [1] : vector<512x64xf32> to vector<512xf32>
      %broadcast_in_dim3A_157 = vector.shape_cast %reduce_sum3A_156 : vector<512xf32> to vector<512x1xf32>
      %jit3A_158 = arith.constant -3.000000e+38 : f32
      %broadcast_in_dim3A_159 = vector.broadcast %jit3A_158 : f32 to vector<512x64xf32>
      %select_n3A_160 = arith.select %eq3A_151, %broadcast_in_dim3A_159, %select_n3A_138 : vector<512x64xi1>, vector<512x64xf32>
      %reduce_max3A_161 = arith.constant dense<0xFF800000> : vector<512xf32>
      %reduce_max3A_162 = vector.multi_reduction <maximumf>, %select_n3A_160, %reduce_max3A_161 [1] : vector<512x64xf32> to vector<512xf32>
      %broadcast_in_dim3A_163 = vector.shape_cast %reduce_max3A_162 : vector<512xf32> to vector<512x1xf32>
      %eq3A_164 = vector.broadcast %broadcast_in_dim3A_163 : vector<512x1xf32> to vector<512x64xf32>
      %eq3A_165 = arith.cmpf oeq, %select_n3A_160, %eq3A_164 : vector<512x64xf32>
      %jit3A_166 = arith.constant 64 : i32
      %broadcast_in_dim3A_167 = vector.broadcast %jit3A_166 : i32 to vector<512x64xi32>
      %select_n3A_168 = arith.select %eq3A_165, %iota3A_104, %broadcast_in_dim3A_167 : vector<512x64xi1>, vector<512x64xi32>
      %reduce_min3A_169 = arith.constant dense<2147483647> : vector<512xi32>
      %reduce_min3A_170 = vector.multi_reduction <minsi>, %select_n3A_168, %reduce_min3A_169 [1] : vector<512x64xi32> to vector<512xi32>
      %broadcast_in_dim3A_171 = vector.shape_cast %reduce_min3A_170 : vector<512xi32> to vector<512x1xi32>
      %eq3A_172 = vector.broadcast %broadcast_in_dim3A_171 : vector<512x1xi32> to vector<512x64xi32>
      %eq3A_173 = arith.cmpi eq, %iota3A_104, %eq3A_172 : vector<512x64xi32>
      %jit3A_174 = arith.constant 0.000000e+00 : f32
      %broadcast_in_dim3A_175 = vector.broadcast %jit3A_174 : f32 to vector<512x64xf32>
      %select_n3A_176 = arith.select %eq3A_173, %mul3A_116, %broadcast_in_dim3A_175 : vector<512x64xi1>, vector<512x64xf32>
      %reduce_sum3A_177 = arith.constant dense<0.000000e+00> : vector<512xf32>
      %reduce_sum3A_178 = vector.multi_reduction <add>, %select_n3A_176, %reduce_sum3A_177 [1] : vector<512x64xf32> to vector<512xf32>
      %broadcast_in_dim3A_179 = vector.shape_cast %reduce_sum3A_178 : vector<512xf32> to vector<512x1xf32>
      %jit3A_180 = arith.constant -3.000000e+38 : f32
      %broadcast_in_dim3A_181 = vector.broadcast %jit3A_180 : f32 to vector<512x64xf32>
      %select_n3A_182 = arith.select %eq3A_173, %broadcast_in_dim3A_181, %select_n3A_160 : vector<512x64xi1>, vector<512x64xf32>
      %reduce_max3A_183 = arith.constant dense<0xFF800000> : vector<512xf32>
      %reduce_max3A_184 = vector.multi_reduction <maximumf>, %select_n3A_182, %reduce_max3A_183 [1] : vector<512x64xf32> to vector<512xf32>
      %broadcast_in_dim3A_185 = vector.shape_cast %reduce_max3A_184 : vector<512xf32> to vector<512x1xf32>
      %eq3A_186 = vector.broadcast %broadcast_in_dim3A_185 : vector<512x1xf32> to vector<512x64xf32>
      %eq3A_187 = arith.cmpf oeq, %select_n3A_182, %eq3A_186 : vector<512x64xf32>
      %jit3A_188 = arith.constant 64 : i32
      %broadcast_in_dim3A_189 = vector.broadcast %jit3A_188 : i32 to vector<512x64xi32>
      %select_n3A_190 = arith.select %eq3A_187, %iota3A_104, %broadcast_in_dim3A_189 : vector<512x64xi1>, vector<512x64xi32>
      %reduce_min3A_191 = arith.constant dense<2147483647> : vector<512xi32>
      %reduce_min3A_192 = vector.multi_reduction <minsi>, %select_n3A_190, %reduce_min3A_191 [1] : vector<512x64xi32> to vector<512xi32>
      %broadcast_in_dim3A_193 = vector.shape_cast %reduce_min3A_192 : vector<512xi32> to vector<512x1xi32>
      %eq3A_194 = vector.broadcast %broadcast_in_dim3A_193 : vector<512x1xi32> to vector<512x64xi32>
      %eq3A_195 = arith.cmpi eq, %iota3A_104, %eq3A_194 : vector<512x64xi32>
      %jit3A_196 = arith.constant 0.000000e+00 : f32
      %broadcast_in_dim3A_197 = vector.broadcast %jit3A_196 : f32 to vector<512x64xf32>
      %select_n3A_198 = arith.select %eq3A_195, %mul3A_116, %broadcast_in_dim3A_197 : vector<512x64xi1>, vector<512x64xf32>
      %reduce_sum3A_199 = arith.constant dense<0.000000e+00> : vector<512xf32>
      %reduce_sum3A_200 = vector.multi_reduction <add>, %select_n3A_198, %reduce_sum3A_199 [1] : vector<512x64xf32> to vector<512xf32>
      %broadcast_in_dim3A_201 = vector.shape_cast %reduce_sum3A_200 : vector<512xf32> to vector<512x1xf32>
      %jit3A_202 = arith.constant -3.000000e+38 : f32
      %broadcast_in_dim3A_203 = vector.broadcast %jit3A_202 : f32 to vector<512x64xf32>
      %select_n3A_204 = arith.select %eq3A_195, %broadcast_in_dim3A_203, %select_n3A_182 : vector<512x64xi1>, vector<512x64xf32>
      %reduce_max3A_205 = arith.constant dense<0xFF800000> : vector<512xf32>
      %reduce_max3A_206 = vector.multi_reduction <maximumf>, %select_n3A_204, %reduce_max3A_205 [1] : vector<512x64xf32> to vector<512xf32>
      %broadcast_in_dim3A_207 = vector.shape_cast %reduce_max3A_206 : vector<512xf32> to vector<512x1xf32>
      %eq3A_208 = vector.broadcast %broadcast_in_dim3A_207 : vector<512x1xf32> to vector<512x64xf32>
      %eq3A_209 = arith.cmpf oeq, %select_n3A_204, %eq3A_208 : vector<512x64xf32>
      %jit3A_210 = arith.constant 64 : i32
      %broadcast_in_dim3A_211 = vector.broadcast %jit3A_210 : i32 to vector<512x64xi32>
      %select_n3A_212 = arith.select %eq3A_209, %iota3A_104, %broadcast_in_dim3A_211 : vector<512x64xi1>, vector<512x64xi32>
      %reduce_min3A_213 = arith.constant dense<2147483647> : vector<512xi32>
      %reduce_min3A_214 = vector.multi_reduction <minsi>, %select_n3A_212, %reduce_min3A_213 [1] : vector<512x64xi32> to vector<512xi32>
      %broadcast_in_dim3A_215 = vector.shape_cast %reduce_min3A_214 : vector<512xi32> to vector<512x1xi32>
      %eq3A_216 = vector.broadcast %broadcast_in_dim3A_215 : vector<512x1xi32> to vector<512x64xi32>
      %eq3A_217 = arith.cmpi eq, %iota3A_104, %eq3A_216 : vector<512x64xi32>
      %jit3A_218 = arith.constant 0.000000e+00 : f32
      %broadcast_in_dim3A_219 = vector.broadcast %jit3A_218 : f32 to vector<512x64xf32>
      %select_n3A_220 = arith.select %eq3A_217, %mul3A_116, %broadcast_in_dim3A_219 : vector<512x64xi1>, vector<512x64xf32>
      %reduce_sum3A_221 = arith.constant dense<0.000000e+00> : vector<512xf32>
      %reduce_sum3A_222 = vector.multi_reduction <add>, %select_n3A_220, %reduce_sum3A_221 [1] : vector<512x64xf32> to vector<512xf32>
      %broadcast_in_dim3A_223 = vector.shape_cast %reduce_sum3A_222 : vector<512xf32> to vector<512x1xf32>
      %jit3A_224 = arith.constant -3.000000e+38 : f32
      %broadcast_in_dim3A_225 = vector.broadcast %jit3A_224 : f32 to vector<512x64xf32>
      %select_n3A_226 = arith.select %eq3A_217, %broadcast_in_dim3A_225, %select_n3A_204 : vector<512x64xi1>, vector<512x64xf32>
      %reduce_max3A_227 = arith.constant dense<0xFF800000> : vector<512xf32>
      %reduce_max3A_228 = vector.multi_reduction <maximumf>, %select_n3A_226, %reduce_max3A_227 [1] : vector<512x64xf32> to vector<512xf32>
      %broadcast_in_dim3A_229 = vector.shape_cast %reduce_max3A_228 : vector<512xf32> to vector<512x1xf32>
      %eq3A_230 = vector.broadcast %broadcast_in_dim3A_229 : vector<512x1xf32> to vector<512x64xf32>
      %eq3A_231 = arith.cmpf oeq, %select_n3A_226, %eq3A_230 : vector<512x64xf32>
      %jit3A_232 = arith.constant 64 : i32
      %broadcast_in_dim3A_233 = vector.broadcast %jit3A_232 : i32 to vector<512x64xi32>
      %select_n3A_234 = arith.select %eq3A_231, %iota3A_104, %broadcast_in_dim3A_233 : vector<512x64xi1>, vector<512x64xi32>
      %reduce_min3A_235 = arith.constant dense<2147483647> : vector<512xi32>
      %reduce_min3A_236 = vector.multi_reduction <minsi>, %select_n3A_234, %reduce_min3A_235 [1] : vector<512x64xi32> to vector<512xi32>
      %broadcast_in_dim3A_237 = vector.shape_cast %reduce_min3A_236 : vector<512xi32> to vector<512x1xi32>
      %eq3A_238 = vector.broadcast %broadcast_in_dim3A_237 : vector<512x1xi32> to vector<512x64xi32>
      %eq3A_239 = arith.cmpi eq, %iota3A_104, %eq3A_238 : vector<512x64xi32>
      %jit3A_240 = arith.constant 0.000000e+00 : f32
      %broadcast_in_dim3A_241 = vector.broadcast %jit3A_240 : f32 to vector<512x64xf32>
      %select_n3A_242 = arith.select %eq3A_239, %mul3A_116, %broadcast_in_dim3A_241 : vector<512x64xi1>, vector<512x64xf32>
      %reduce_sum3A_243 = arith.constant dense<0.000000e+00> : vector<512xf32>
      %reduce_sum3A_244 = vector.multi_reduction <add>, %select_n3A_242, %reduce_sum3A_243 [1] : vector<512x64xf32> to vector<512xf32>
      %broadcast_in_dim3A_245 = vector.shape_cast %reduce_sum3A_244 : vector<512xf32> to vector<512x1xf32>
      %jit3A_246 = arith.constant -3.000000e+38 : f32
      %broadcast_in_dim3A_247 = vector.broadcast %jit3A_246 : f32 to vector<512x64xf32>
      %select_n3A_248 = arith.select %eq3A_239, %broadcast_in_dim3A_247, %select_n3A_226 : vector<512x64xi1>, vector<512x64xf32>
      %reduce_max3A_249 = arith.constant dense<0xFF800000> : vector<512xf32>
      %reduce_max3A_250 = vector.multi_reduction <maximumf>, %select_n3A_248, %reduce_max3A_249 [1] : vector<512x64xf32> to vector<512xf32>
      %broadcast_in_dim3A_251 = vector.shape_cast %reduce_max3A_250 : vector<512xf32> to vector<512x1xf32>
      %eq3A_252 = vector.broadcast %broadcast_in_dim3A_251 : vector<512x1xf32> to vector<512x64xf32>
      %eq3A_253 = arith.cmpf oeq, %select_n3A_248, %eq3A_252 : vector<512x64xf32>
      %jit3A_254 = arith.constant 64 : i32
      %broadcast_in_dim3A_255 = vector.broadcast %jit3A_254 : i32 to vector<512x64xi32>
      %select_n3A_256 = arith.select %eq3A_253, %iota3A_104, %broadcast_in_dim3A_255 : vector<512x64xi1>, vector<512x64xi32>
      %reduce_min3A_257 = arith.constant dense<2147483647> : vector<512xi32>
      %reduce_min3A_258 = vector.multi_reduction <minsi>, %select_n3A_256, %reduce_min3A_257 [1] : vector<512x64xi32> to vector<512xi32>
      %broadcast_in_dim3A_259 = vector.shape_cast %reduce_min3A_258 : vector<512xi32> to vector<512x1xi32>
      %eq3A_260 = vector.broadcast %broadcast_in_dim3A_259 : vector<512x1xi32> to vector<512x64xi32>
      %eq3A_261 = arith.cmpi eq, %iota3A_104, %eq3A_260 : vector<512x64xi32>
      %jit3A_262 = arith.constant 0.000000e+00 : f32
      %broadcast_in_dim3A_263 = vector.broadcast %jit3A_262 : f32 to vector<512x64xf32>
      %select_n3A_264 = arith.select %eq3A_261, %mul3A_116, %broadcast_in_dim3A_263 : vector<512x64xi1>, vector<512x64xf32>
      %reduce_sum3A_265 = arith.constant dense<0.000000e+00> : vector<512xf32>
      %reduce_sum3A_266 = vector.multi_reduction <add>, %select_n3A_264, %reduce_sum3A_265 [1] : vector<512x64xf32> to vector<512xf32>
      %broadcast_in_dim3A_267 = vector.shape_cast %reduce_sum3A_266 : vector<512xf32> to vector<512x1xf32>
      %jit3A_268 = arith.constant -3.000000e+38 : f32
      %broadcast_in_dim3A_269 = vector.broadcast %jit3A_268 : f32 to vector<512x64xf32>
      %select_n3A_270 = arith.select %eq3A_261, %broadcast_in_dim3A_269, %select_n3A_248 : vector<512x64xi1>, vector<512x64xf32>
      %reduce_max3A_271 = arith.constant dense<0xFF800000> : vector<512xf32>
      %reduce_max3A_272 = vector.multi_reduction <maximumf>, %select_n3A_270, %reduce_max3A_271 [1] : vector<512x64xf32> to vector<512xf32>
      %broadcast_in_dim3A_273 = vector.shape_cast %reduce_max3A_272 : vector<512xf32> to vector<512x1xf32>
      %eq3A_274 = vector.broadcast %broadcast_in_dim3A_273 : vector<512x1xf32> to vector<512x64xf32>
      %eq3A_275 = arith.cmpf oeq, %select_n3A_270, %eq3A_274 : vector<512x64xf32>
      %jit3A_276 = arith.constant 64 : i32
      %broadcast_in_dim3A_277 = vector.broadcast %jit3A_276 : i32 to vector<512x64xi32>
      %select_n3A_278 = arith.select %eq3A_275, %iota3A_104, %broadcast_in_dim3A_277 : vector<512x64xi1>, vector<512x64xi32>
      %reduce_min3A_279 = arith.constant dense<2147483647> : vector<512xi32>
      %reduce_min3A_280 = vector.multi_reduction <minsi>, %select_n3A_278, %reduce_min3A_279 [1] : vector<512x64xi32> to vector<512xi32>
      %broadcast_in_dim3A_281 = vector.shape_cast %reduce_min3A_280 : vector<512xi32> to vector<512x1xi32>
      %eq3A_282 = vector.broadcast %broadcast_in_dim3A_281 : vector<512x1xi32> to vector<512x64xi32>
      %eq3A_283 = arith.cmpi eq, %iota3A_104, %eq3A_282 : vector<512x64xi32>
      %jit3A_284 = arith.constant 0.000000e+00 : f32
      %broadcast_in_dim3A_285 = vector.broadcast %jit3A_284 : f32 to vector<512x64xf32>
      %select_n3A_286 = arith.select %eq3A_283, %mul3A_116, %broadcast_in_dim3A_285 : vector<512x64xi1>, vector<512x64xf32>
      %reduce_sum3A_287 = arith.constant dense<0.000000e+00> : vector<512xf32>
      %reduce_sum3A_288 = vector.multi_reduction <add>, %select_n3A_286, %reduce_sum3A_287 [1] : vector<512x64xf32> to vector<512xf32>
      %broadcast_in_dim3A_289 = vector.shape_cast %reduce_sum3A_288 : vector<512xf32> to vector<512x1xf32>
      %max3A_290 = arith.maximumf %broadcast_in_dim3A_135, %broadcast_in_dim3A_157 : vector<512x1xf32>
      %max3A_291 = arith.maximumf %max3A_290, %broadcast_in_dim3A_179 : vector<512x1xf32>
      %max3A_292 = arith.maximumf %max3A_291, %broadcast_in_dim3A_201 : vector<512x1xf32>
      %max3A_293 = arith.maximumf %max3A_292, %broadcast_in_dim3A_223 : vector<512x1xf32>
      %max3A_294 = arith.maximumf %max3A_293, %broadcast_in_dim3A_245 : vector<512x1xf32>
      %max3A_295 = arith.maximumf %max3A_294, %broadcast_in_dim3A_267 : vector<512x1xf32>
      %max3A_296 = arith.maximumf %max3A_295, %broadcast_in_dim3A_289 : vector<512x1xf32>
      %sub3A = arith.subf %broadcast_in_dim3A_135, %max3A_296 : vector<512x1xf32>
      %exp3A = math.exp %sub3A : vector<512x1xf32>
      %sub3A_297 = arith.subf %broadcast_in_dim3A_157, %max3A_296 : vector<512x1xf32>
      %exp3A_298 = math.exp %sub3A_297 : vector<512x1xf32>
      %sub3A_299 = arith.subf %broadcast_in_dim3A_179, %max3A_296 : vector<512x1xf32>
      %exp3A_300 = math.exp %sub3A_299 : vector<512x1xf32>
      %sub3A_301 = arith.subf %broadcast_in_dim3A_201, %max3A_296 : vector<512x1xf32>
      %exp3A_302 = math.exp %sub3A_301 : vector<512x1xf32>
      %sub3A_303 = arith.subf %broadcast_in_dim3A_223, %max3A_296 : vector<512x1xf32>
      %exp3A_304 = math.exp %sub3A_303 : vector<512x1xf32>
      %sub3A_305 = arith.subf %broadcast_in_dim3A_245, %max3A_296 : vector<512x1xf32>
      %exp3A_306 = math.exp %sub3A_305 : vector<512x1xf32>
      %sub3A_307 = arith.subf %broadcast_in_dim3A_267, %max3A_296 : vector<512x1xf32>
      %exp3A_308 = math.exp %sub3A_307 : vector<512x1xf32>
      %sub3A_309 = arith.subf %broadcast_in_dim3A_289, %max3A_296 : vector<512x1xf32>
      %exp3A_310 = math.exp %sub3A_309 : vector<512x1xf32>
      %add3A_311 = arith.addf %exp3A, %exp3A_298 : vector<512x1xf32>
      %add3A_312 = arith.addf %add3A_311, %exp3A_300 : vector<512x1xf32>
      %add3A_313 = arith.addf %add3A_312, %exp3A_302 : vector<512x1xf32>
      %add3A_314 = arith.addf %add3A_313, %exp3A_304 : vector<512x1xf32>
      %add3A_315 = arith.addf %add3A_314, %exp3A_306 : vector<512x1xf32>
      %add3A_316 = arith.addf %add3A_315, %exp3A_308 : vector<512x1xf32>
      %add3A_317 = arith.addf %add3A_316, %exp3A_310 : vector<512x1xf32>
      %div3A_318 = arith.constant 1.000000e+00 : f32
      %div3A_319 = vector.broadcast %div3A_318 : f32 to vector<512x1xf32>
      %div3A_320 = arith.divf %div3A_319, %add3A_317 : vector<512x1xf32>
      %broadcast_in_dim3A_321 = arith.constant 0.000000e+00 : f32
      %broadcast_in_dim3A_322 = vector.broadcast %broadcast_in_dim3A_321 : f32 to vector<512x64xf32>
      %mul3A_323 = arith.mulf %exp3A, %div3A_320 : vector<512x1xf32>
      %jit3A_324 = arith.constant 0.000000e+00 : f32
      %broadcast_in_dim3A_325 = vector.shape_cast %mul3A_323 : vector<512x1xf32> to vector<512x1xf32>
      %broadcast_in_dim3A_326 = vector.broadcast %broadcast_in_dim3A_325 : vector<512x1xf32> to vector<512x64xf32>
      %broadcast_in_dim3A_327 = vector.broadcast %jit3A_324 : f32 to vector<512x64xf32>
      %select_n3A_328 = arith.select %eq3A_130, %broadcast_in_dim3A_326, %broadcast_in_dim3A_327 : vector<512x64xi1>, vector<512x64xf32>
      %add3A_329 = arith.addf %broadcast_in_dim3A_322, %select_n3A_328 : vector<512x64xf32>
      %mul3A_330 = arith.mulf %exp3A_298, %div3A_320 : vector<512x1xf32>
      %jit3A_331 = arith.constant 0.000000e+00 : f32
      %broadcast_in_dim3A_332 = vector.shape_cast %mul3A_330 : vector<512x1xf32> to vector<512x1xf32>
      %broadcast_in_dim3A_333 = vector.broadcast %broadcast_in_dim3A_332 : vector<512x1xf32> to vector<512x64xf32>
      %broadcast_in_dim3A_334 = vector.broadcast %jit3A_331 : f32 to vector<512x64xf32>
      %select_n3A_335 = arith.select %eq3A_151, %broadcast_in_dim3A_333, %broadcast_in_dim3A_334 : vector<512x64xi1>, vector<512x64xf32>
      %add3A_336 = arith.addf %add3A_329, %select_n3A_335 : vector<512x64xf32>
      %mul3A_337 = arith.mulf %exp3A_300, %div3A_320 : vector<512x1xf32>
      %jit3A_338 = arith.constant 0.000000e+00 : f32
      %broadcast_in_dim3A_339 = vector.shape_cast %mul3A_337 : vector<512x1xf32> to vector<512x1xf32>
      %broadcast_in_dim3A_340 = vector.broadcast %broadcast_in_dim3A_339 : vector<512x1xf32> to vector<512x64xf32>
      %broadcast_in_dim3A_341 = vector.broadcast %jit3A_338 : f32 to vector<512x64xf32>
      %select_n3A_342 = arith.select %eq3A_173, %broadcast_in_dim3A_340, %broadcast_in_dim3A_341 : vector<512x64xi1>, vector<512x64xf32>
      %add3A_343 = arith.addf %add3A_336, %select_n3A_342 : vector<512x64xf32>
      %mul3A_344 = arith.mulf %exp3A_302, %div3A_320 : vector<512x1xf32>
      %jit3A_345 = arith.constant 0.000000e+00 : f32
      %broadcast_in_dim3A_346 = vector.shape_cast %mul3A_344 : vector<512x1xf32> to vector<512x1xf32>
      %broadcast_in_dim3A_347 = vector.broadcast %broadcast_in_dim3A_346 : vector<512x1xf32> to vector<512x64xf32>
      %broadcast_in_dim3A_348 = vector.broadcast %jit3A_345 : f32 to vector<512x64xf32>
      %select_n3A_349 = arith.select %eq3A_195, %broadcast_in_dim3A_347, %broadcast_in_dim3A_348 : vector<512x64xi1>, vector<512x64xf32>
      %add3A_350 = arith.addf %add3A_343, %select_n3A_349 : vector<512x64xf32>
      %mul3A_351 = arith.mulf %exp3A_304, %div3A_320 : vector<512x1xf32>
      %jit3A_352 = arith.constant 0.000000e+00 : f32
      %broadcast_in_dim3A_353 = vector.shape_cast %mul3A_351 : vector<512x1xf32> to vector<512x1xf32>
      %broadcast_in_dim3A_354 = vector.broadcast %broadcast_in_dim3A_353 : vector<512x1xf32> to vector<512x64xf32>
      %broadcast_in_dim3A_355 = vector.broadcast %jit3A_352 : f32 to vector<512x64xf32>
      %select_n3A_356 = arith.select %eq3A_217, %broadcast_in_dim3A_354, %broadcast_in_dim3A_355 : vector<512x64xi1>, vector<512x64xf32>
      %add3A_357 = arith.addf %add3A_350, %select_n3A_356 : vector<512x64xf32>
      %mul3A_358 = arith.mulf %exp3A_306, %div3A_320 : vector<512x1xf32>
      %jit3A_359 = arith.constant 0.000000e+00 : f32
      %broadcast_in_dim3A_360 = vector.shape_cast %mul3A_358 : vector<512x1xf32> to vector<512x1xf32>
      %broadcast_in_dim3A_361 = vector.broadcast %broadcast_in_dim3A_360 : vector<512x1xf32> to vector<512x64xf32>
      %broadcast_in_dim3A_362 = vector.broadcast %jit3A_359 : f32 to vector<512x64xf32>
      %select_n3A_363 = arith.select %eq3A_239, %broadcast_in_dim3A_361, %broadcast_in_dim3A_362 : vector<512x64xi1>, vector<512x64xf32>
      %add3A_364 = arith.addf %add3A_357, %select_n3A_363 : vector<512x64xf32>
      %mul3A_365 = arith.mulf %exp3A_308, %div3A_320 : vector<512x1xf32>
      %jit3A_366 = arith.constant 0.000000e+00 : f32
      %broadcast_in_dim3A_367 = vector.shape_cast %mul3A_365 : vector<512x1xf32> to vector<512x1xf32>
      %broadcast_in_dim3A_368 = vector.broadcast %broadcast_in_dim3A_367 : vector<512x1xf32> to vector<512x64xf32>
      %broadcast_in_dim3A_369 = vector.broadcast %jit3A_366 : f32 to vector<512x64xf32>
      %select_n3A_370 = arith.select %eq3A_261, %broadcast_in_dim3A_368, %broadcast_in_dim3A_369 : vector<512x64xi1>, vector<512x64xf32>
      %add3A_371 = arith.addf %add3A_364, %select_n3A_370 : vector<512x64xf32>
      %mul3A_372 = arith.mulf %exp3A_310, %div3A_320 : vector<512x1xf32>
      %jit3A_373 = arith.constant 0.000000e+00 : f32
      %broadcast_in_dim3A_374 = vector.shape_cast %mul3A_372 : vector<512x1xf32> to vector<512x1xf32>
      %broadcast_in_dim3A_375 = vector.broadcast %broadcast_in_dim3A_374 : vector<512x1xf32> to vector<512x64xf32>
      %broadcast_in_dim3A_376 = vector.broadcast %jit3A_373 : f32 to vector<512x64xf32>
      %select_n3A_377 = arith.select %eq3A_283, %broadcast_in_dim3A_375, %broadcast_in_dim3A_376 : vector<512x64xi1>, vector<512x64xf32>
      %add3A_378 = arith.addf %add3A_371, %select_n3A_377 : vector<512x64xf32>
      %get3A_379 = arith.constant 0 : index
      %get3A_380 = arith.constant 0 : index
      %get3A_381 = arith.constant 0 : index
      %get3A_382 = vector.load %arg12[%get3A_379, %get3A_380, %get3A_381] : memref<4x64x32xf32, #tpu.memory_space<vmem>>, vector<1x64x32xf32>
      %get3A_383 = vector.shape_cast %get3A_382 : vector<1x64x32xf32> to vector<64x32xf32>
      %dot_general3A_384 = arith.constant dense<0.000000e+00> : vector<512x32xf32>
      %dot_general3A_385 = tpu.matmul %add3A_378, %get3A_383, %dot_general3A_384 {dimension_numbers = #tpu.dot_dimension_numbers<[1], [0], [0], [1], [0, 0, 1, 1], [], []>, precision = #tpu.contract_precision<fp32>, transpose_lhs_hint = false} : vector<512x64xf32>, vector<64x32xf32>, vector<512x32xf32> -> vector<512x32xf32>
      %eq3A_386 = arith.constant 0 : i32
      %eq3A_387 = vector.broadcast %eq3A_386 : i32 to vector<512x32xi32>
      %eq3A_388 = arith.cmpi eq, %iota3A_105, %eq3A_387 : vector<512x32xi32>
      %broadcast_in_dim3A_389 = vector.shape_cast %broadcast_in_dim3A_128 : vector<512x1xi32> to vector<512x1xi32>
      %broadcast_in_dim3A_390 = vector.broadcast %broadcast_in_dim3A_389 : vector<512x1xi32> to vector<512x32xi32>
      %select_n3A_391 = arith.select %eq3A_388, %broadcast_in_dim3A_390, %broadcast_in_dim3A_107 : vector<512x32xi1>, vector<512x32xi32>
      %eq3A_392 = arith.constant 1 : i32
      %eq3A_393 = vector.broadcast %eq3A_392 : i32 to vector<512x32xi32>
      %eq3A_394 = arith.cmpi eq, %iota3A_105, %eq3A_393 : vector<512x32xi32>
      %broadcast_in_dim3A_395 = vector.shape_cast %broadcast_in_dim3A_149 : vector<512x1xi32> to vector<512x1xi32>
      %broadcast_in_dim3A_396 = vector.broadcast %broadcast_in_dim3A_395 : vector<512x1xi32> to vector<512x32xi32>
      %select_n3A_397 = arith.select %eq3A_394, %broadcast_in_dim3A_396, %select_n3A_391 : vector<512x32xi1>, vector<512x32xi32>
      %eq3A_398 = arith.constant 2 : i32
      %eq3A_399 = vector.broadcast %eq3A_398 : i32 to vector<512x32xi32>
      %eq3A_400 = arith.cmpi eq, %iota3A_105, %eq3A_399 : vector<512x32xi32>
      %broadcast_in_dim3A_401 = vector.shape_cast %broadcast_in_dim3A_171 : vector<512x1xi32> to vector<512x1xi32>
      %broadcast_in_dim3A_402 = vector.broadcast %broadcast_in_dim3A_401 : vector<512x1xi32> to vector<512x32xi32>
      %select_n3A_403 = arith.select %eq3A_400, %broadcast_in_dim3A_402, %select_n3A_397 : vector<512x32xi1>, vector<512x32xi32>
      %eq3A_404 = arith.constant 3 : i32
      %eq3A_405 = vector.broadcast %eq3A_404 : i32 to vector<512x32xi32>
      %eq3A_406 = arith.cmpi eq, %iota3A_105, %eq3A_405 : vector<512x32xi32>
      %broadcast_in_dim3A_407 = vector.shape_cast %broadcast_in_dim3A_193 : vector<512x1xi32> to vector<512x1xi32>
      %broadcast_in_dim3A_408 = vector.broadcast %broadcast_in_dim3A_407 : vector<512x1xi32> to vector<512x32xi32>
      %select_n3A_409 = arith.select %eq3A_406, %broadcast_in_dim3A_408, %select_n3A_403 : vector<512x32xi1>, vector<512x32xi32>
      %eq3A_410 = arith.constant 4 : i32
      %eq3A_411 = vector.broadcast %eq3A_410 : i32 to vector<512x32xi32>
      %eq3A_412 = arith.cmpi eq, %iota3A_105, %eq3A_411 : vector<512x32xi32>
      %broadcast_in_dim3A_413 = vector.shape_cast %broadcast_in_dim3A_215 : vector<512x1xi32> to vector<512x1xi32>
      %broadcast_in_dim3A_414 = vector.broadcast %broadcast_in_dim3A_413 : vector<512x1xi32> to vector<512x32xi32>
      %select_n3A_415 = arith.select %eq3A_412, %broadcast_in_dim3A_414, %select_n3A_409 : vector<512x32xi1>, vector<512x32xi32>
      %eq3A_416 = arith.constant 5 : i32
      %eq3A_417 = vector.broadcast %eq3A_416 : i32 to vector<512x32xi32>
      %eq3A_418 = arith.cmpi eq, %iota3A_105, %eq3A_417 : vector<512x32xi32>
      %broadcast_in_dim3A_419 = vector.shape_cast %broadcast_in_dim3A_237 : vector<512x1xi32> to vector<512x1xi32>
      %broadcast_in_dim3A_420 = vector.broadcast %broadcast_in_dim3A_419 : vector<512x1xi32> to vector<512x32xi32>
      %select_n3A_421 = arith.select %eq3A_418, %broadcast_in_dim3A_420, %select_n3A_415 : vector<512x32xi1>, vector<512x32xi32>
      %eq3A_422 = arith.constant 6 : i32
      %eq3A_423 = vector.broadcast %eq3A_422 : i32 to vector<512x32xi32>
      %eq3A_424 = arith.cmpi eq, %iota3A_105, %eq3A_423 : vector<512x32xi32>
      %broadcast_in_dim3A_425 = vector.shape_cast %broadcast_in_dim3A_259 : vector<512x1xi32> to vector<512x1xi32>
      %broadcast_in_dim3A_426 = vector.broadcast %broadcast_in_dim3A_425 : vector<512x1xi32> to vector<512x32xi32>
      %select_n3A_427 = arith.select %eq3A_424, %broadcast_in_dim3A_426, %select_n3A_421 : vector<512x32xi1>, vector<512x32xi32>
      %eq3A_428 = arith.constant 7 : i32
      %eq3A_429 = vector.broadcast %eq3A_428 : i32 to vector<512x32xi32>
      %eq3A_430 = arith.cmpi eq, %iota3A_105, %eq3A_429 : vector<512x32xi32>
      %broadcast_in_dim3A_431 = vector.shape_cast %broadcast_in_dim3A_281 : vector<512x1xi32> to vector<512x1xi32>
      %broadcast_in_dim3A_432 = vector.broadcast %broadcast_in_dim3A_431 : vector<512x1xi32> to vector<512x32xi32>
      %select_n3A_433 = arith.select %eq3A_430, %broadcast_in_dim3A_432, %select_n3A_427 : vector<512x32xi1>, vector<512x32xi32>
      %slice3A_434 = vector.extract_strided_slice %add3A_103 {offsets = [0, 32], sizes = [512, 32], strides = [1, 1]} : vector<512x128xf32> to vector<512x32xf32>
      %get3A_435 = arith.constant 1 : index
      %get3A_436 = arith.constant 0 : index
      %get3A_437 = arith.constant 0 : index
      %get3A_438 = vector.load %arg11[%get3A_435, %get3A_436, %get3A_437] : memref<4x32x64xf32, #tpu.memory_space<vmem>>, vector<1x32x64xf32>
      %get3A_439 = vector.shape_cast %get3A_438 : vector<1x32x64xf32> to vector<32x64xf32>
      %dot_general3A_440 = arith.constant dense<0.000000e+00> : vector<512x64xf32>
      %dot_general3A_441 = tpu.matmul %slice3A_434, %get3A_439, %dot_general3A_440 {dimension_numbers = #tpu.dot_dimension_numbers<[1], [0], [0], [1], [0, 0, 1, 1], [], []>, transpose_lhs_hint = false} : vector<512x32xf32>, vector<32x64xf32>, vector<512x64xf32> -> vector<512x64xf32>
      %mul3A_442 = arith.constant 0.176776692 : f32
      %mul3A_443 = vector.broadcast %mul3A_442 : f32 to vector<512x64xf32>
      %mul3A_444 = arith.mulf %dot_general3A_441, %mul3A_443 : vector<512x64xf32>
      %get3A_445 = arith.constant 0 : index
      %get3A_446 = arith.constant 0 : index
      %get3A_447 = vector.load %arg13[%get3A_445, %get3A_446] : memref<1x64xf32, #tpu.memory_space<vmem>>, vector<1x64xf32>
      %add3A_448 = vector.broadcast %get3A_447 : vector<1x64xf32> to vector<512x64xf32>
      %add3A_449 = arith.addf %mul3A_444, %add3A_448 : vector<512x64xf32>
      %reduce_max3A_450 = arith.constant dense<0xFF800000> : vector<512xf32>
      %reduce_max3A_451 = vector.multi_reduction <maximumf>, %add3A_449, %reduce_max3A_450 [1] : vector<512x64xf32> to vector<512xf32>
      %broadcast_in_dim3A_452 = vector.shape_cast %reduce_max3A_451 : vector<512xf32> to vector<512x1xf32>
      %eq3A_453 = vector.broadcast %broadcast_in_dim3A_452 : vector<512x1xf32> to vector<512x64xf32>
      %eq3A_454 = arith.cmpf oeq, %add3A_449, %eq3A_453 : vector<512x64xf32>
      %jit3A_455 = arith.constant 64 : i32
      %broadcast_in_dim3A_456 = vector.broadcast %jit3A_455 : i32 to vector<512x64xi32>
      %select_n3A_457 = arith.select %eq3A_454, %iota3A_104, %broadcast_in_dim3A_456 : vector<512x64xi1>, vector<512x64xi32>
      %reduce_min3A_458 = arith.constant dense<2147483647> : vector<512xi32>
      %reduce_min3A_459 = vector.multi_reduction <minsi>, %select_n3A_457, %reduce_min3A_458 [1] : vector<512x64xi32> to vector<512xi32>
      %broadcast_in_dim3A_460 = vector.shape_cast %reduce_min3A_459 : vector<512xi32> to vector<512x1xi32>
      %eq3A_461 = vector.broadcast %broadcast_in_dim3A_460 : vector<512x1xi32> to vector<512x64xi32>
      %eq3A_462 = arith.cmpi eq, %iota3A_104, %eq3A_461 : vector<512x64xi32>
      %jit3A_463 = arith.constant 0.000000e+00 : f32
      %broadcast_in_dim3A_464 = vector.broadcast %jit3A_463 : f32 to vector<512x64xf32>
      %select_n3A_465 = arith.select %eq3A_462, %mul3A_444, %broadcast_in_dim3A_464 : vector<512x64xi1>, vector<512x64xf32>
      %reduce_sum3A_466 = arith.constant dense<0.000000e+00> : vector<512xf32>
      %reduce_sum3A_467 = vector.multi_reduction <add>, %select_n3A_465, %reduce_sum3A_466 [1] : vector<512x64xf32> to vector<512xf32>
      %broadcast_in_dim3A_468 = vector.shape_cast %reduce_sum3A_467 : vector<512xf32> to vector<512x1xf32>
      %jit3A_469 = arith.constant -3.000000e+38 : f32
      %broadcast_in_dim3A_470 = vector.broadcast %jit3A_469 : f32 to vector<512x64xf32>
      %select_n3A_471 = arith.select %eq3A_462, %broadcast_in_dim3A_470, %add3A_449 : vector<512x64xi1>, vector<512x64xf32>
      %reduce_max3A_472 = arith.constant dense<0xFF800000> : vector<512xf32>
      %reduce_max3A_473 = vector.multi_reduction <maximumf>, %select_n3A_471, %reduce_max3A_472 [1] : vector<512x64xf32> to vector<512xf32>
      %broadcast_in_dim3A_474 = vector.shape_cast %reduce_max3A_473 : vector<512xf32> to vector<512x1xf32>
      %eq3A_475 = vector.broadcast %broadcast_in_dim3A_474 : vector<512x1xf32> to vector<512x64xf32>
      %eq3A_476 = arith.cmpf oeq, %select_n3A_471, %eq3A_475 : vector<512x64xf32>
      %jit3A_477 = arith.constant 64 : i32
      %broadcast_in_dim3A_478 = vector.broadcast %jit3A_477 : i32 to vector<512x64xi32>
      %select_n3A_479 = arith.select %eq3A_476, %iota3A_104, %broadcast_in_dim3A_478 : vector<512x64xi1>, vector<512x64xi32>
      %reduce_min3A_480 = arith.constant dense<2147483647> : vector<512xi32>
      %reduce_min3A_481 = vector.multi_reduction <minsi>, %select_n3A_479, %reduce_min3A_480 [1] : vector<512x64xi32> to vector<512xi32>
      %broadcast_in_dim3A_482 = vector.shape_cast %reduce_min3A_481 : vector<512xi32> to vector<512x1xi32>
      %eq3A_483 = vector.broadcast %broadcast_in_dim3A_482 : vector<512x1xi32> to vector<512x64xi32>
      %eq3A_484 = arith.cmpi eq, %iota3A_104, %eq3A_483 : vector<512x64xi32>
      %jit3A_485 = arith.constant 0.000000e+00 : f32
      %broadcast_in_dim3A_486 = vector.broadcast %jit3A_485 : f32 to vector<512x64xf32>
      %select_n3A_487 = arith.select %eq3A_484, %mul3A_444, %broadcast_in_dim3A_486 : vector<512x64xi1>, vector<512x64xf32>
      %reduce_sum3A_488 = arith.constant dense<0.000000e+00> : vector<512xf32>
      %reduce_sum3A_489 = vector.multi_reduction <add>, %select_n3A_487, %reduce_sum3A_488 [1] : vector<512x64xf32> to vector<512xf32>
      %broadcast_in_dim3A_490 = vector.shape_cast %reduce_sum3A_489 : vector<512xf32> to vector<512x1xf32>
      %jit3A_491 = arith.constant -3.000000e+38 : f32
      %broadcast_in_dim3A_492 = vector.broadcast %jit3A_491 : f32 to vector<512x64xf32>
      %select_n3A_493 = arith.select %eq3A_484, %broadcast_in_dim3A_492, %select_n3A_471 : vector<512x64xi1>, vector<512x64xf32>
      %reduce_max3A_494 = arith.constant dense<0xFF800000> : vector<512xf32>
      %reduce_max3A_495 = vector.multi_reduction <maximumf>, %select_n3A_493, %reduce_max3A_494 [1] : vector<512x64xf32> to vector<512xf32>
      %broadcast_in_dim3A_496 = vector.shape_cast %reduce_max3A_495 : vector<512xf32> to vector<512x1xf32>
      %eq3A_497 = vector.broadcast %broadcast_in_dim3A_496 : vector<512x1xf32> to vector<512x64xf32>
      %eq3A_498 = arith.cmpf oeq, %select_n3A_493, %eq3A_497 : vector<512x64xf32>
      %jit3A_499 = arith.constant 64 : i32
      %broadcast_in_dim3A_500 = vector.broadcast %jit3A_499 : i32 to vector<512x64xi32>
      %select_n3A_501 = arith.select %eq3A_498, %iota3A_104, %broadcast_in_dim3A_500 : vector<512x64xi1>, vector<512x64xi32>
      %reduce_min3A_502 = arith.constant dense<2147483647> : vector<512xi32>
      %reduce_min3A_503 = vector.multi_reduction <minsi>, %select_n3A_501, %reduce_min3A_502 [1] : vector<512x64xi32> to vector<512xi32>
      %broadcast_in_dim3A_504 = vector.shape_cast %reduce_min3A_503 : vector<512xi32> to vector<512x1xi32>
      %eq3A_505 = vector.broadcast %broadcast_in_dim3A_504 : vector<512x1xi32> to vector<512x64xi32>
      %eq3A_506 = arith.cmpi eq, %iota3A_104, %eq3A_505 : vector<512x64xi32>
      %jit3A_507 = arith.constant 0.000000e+00 : f32
      %broadcast_in_dim3A_508 = vector.broadcast %jit3A_507 : f32 to vector<512x64xf32>
      %select_n3A_509 = arith.select %eq3A_506, %mul3A_444, %broadcast_in_dim3A_508 : vector<512x64xi1>, vector<512x64xf32>
      %reduce_sum3A_510 = arith.constant dense<0.000000e+00> : vector<512xf32>
      %reduce_sum3A_511 = vector.multi_reduction <add>, %select_n3A_509, %reduce_sum3A_510 [1] : vector<512x64xf32> to vector<512xf32>
      %broadcast_in_dim3A_512 = vector.shape_cast %reduce_sum3A_511 : vector<512xf32> to vector<512x1xf32>
      %jit3A_513 = arith.constant -3.000000e+38 : f32
      %broadcast_in_dim3A_514 = vector.broadcast %jit3A_513 : f32 to vector<512x64xf32>
      %select_n3A_515 = arith.select %eq3A_506, %broadcast_in_dim3A_514, %select_n3A_493 : vector<512x64xi1>, vector<512x64xf32>
      %reduce_max3A_516 = arith.constant dense<0xFF800000> : vector<512xf32>
      %reduce_max3A_517 = vector.multi_reduction <maximumf>, %select_n3A_515, %reduce_max3A_516 [1] : vector<512x64xf32> to vector<512xf32>
      %broadcast_in_dim3A_518 = vector.shape_cast %reduce_max3A_517 : vector<512xf32> to vector<512x1xf32>
      %eq3A_519 = vector.broadcast %broadcast_in_dim3A_518 : vector<512x1xf32> to vector<512x64xf32>
      %eq3A_520 = arith.cmpf oeq, %select_n3A_515, %eq3A_519 : vector<512x64xf32>
      %jit3A_521 = arith.constant 64 : i32
      %broadcast_in_dim3A_522 = vector.broadcast %jit3A_521 : i32 to vector<512x64xi32>
      %select_n3A_523 = arith.select %eq3A_520, %iota3A_104, %broadcast_in_dim3A_522 : vector<512x64xi1>, vector<512x64xi32>
      %reduce_min3A_524 = arith.constant dense<2147483647> : vector<512xi32>
      %reduce_min3A_525 = vector.multi_reduction <minsi>, %select_n3A_523, %reduce_min3A_524 [1] : vector<512x64xi32> to vector<512xi32>
      %broadcast_in_dim3A_526 = vector.shape_cast %reduce_min3A_525 : vector<512xi32> to vector<512x1xi32>
      %eq3A_527 = vector.broadcast %broadcast_in_dim3A_526 : vector<512x1xi32> to vector<512x64xi32>
      %eq3A_528 = arith.cmpi eq, %iota3A_104, %eq3A_527 : vector<512x64xi32>
      %jit3A_529 = arith.constant 0.000000e+00 : f32
      %broadcast_in_dim3A_530 = vector.broadcast %jit3A_529 : f32 to vector<512x64xf32>
      %select_n3A_531 = arith.select %eq3A_528, %mul3A_444, %broadcast_in_dim3A_530 : vector<512x64xi1>, vector<512x64xf32>
      %reduce_sum3A_532 = arith.constant dense<0.000000e+00> : vector<512xf32>
      %reduce_sum3A_533 = vector.multi_reduction <add>, %select_n3A_531, %reduce_sum3A_532 [1] : vector<512x64xf32> to vector<512xf32>
      %broadcast_in_dim3A_534 = vector.shape_cast %reduce_sum3A_533 : vector<512xf32> to vector<512x1xf32>
      %jit3A_535 = arith.constant -3.000000e+38 : f32
      %broadcast_in_dim3A_536 = vector.broadcast %jit3A_535 : f32 to vector<512x64xf32>
      %select_n3A_537 = arith.select %eq3A_528, %broadcast_in_dim3A_536, %select_n3A_515 : vector<512x64xi1>, vector<512x64xf32>
      %reduce_max3A_538 = arith.constant dense<0xFF800000> : vector<512xf32>
      %reduce_max3A_539 = vector.multi_reduction <maximumf>, %select_n3A_537, %reduce_max3A_538 [1] : vector<512x64xf32> to vector<512xf32>
      %broadcast_in_dim3A_540 = vector.shape_cast %reduce_max3A_539 : vector<512xf32> to vector<512x1xf32>
      %eq3A_541 = vector.broadcast %broadcast_in_dim3A_540 : vector<512x1xf32> to vector<512x64xf32>
      %eq3A_542 = arith.cmpf oeq, %select_n3A_537, %eq3A_541 : vector<512x64xf32>
      %jit3A_543 = arith.constant 64 : i32
      %broadcast_in_dim3A_544 = vector.broadcast %jit3A_543 : i32 to vector<512x64xi32>
      %select_n3A_545 = arith.select %eq3A_542, %iota3A_104, %broadcast_in_dim3A_544 : vector<512x64xi1>, vector<512x64xi32>
      %reduce_min3A_546 = arith.constant dense<2147483647> : vector<512xi32>
      %reduce_min3A_547 = vector.multi_reduction <minsi>, %select_n3A_545, %reduce_min3A_546 [1] : vector<512x64xi32> to vector<512xi32>
      %broadcast_in_dim3A_548 = vector.shape_cast %reduce_min3A_547 : vector<512xi32> to vector<512x1xi32>
      %eq3A_549 = vector.broadcast %broadcast_in_dim3A_548 : vector<512x1xi32> to vector<512x64xi32>
      %eq3A_550 = arith.cmpi eq, %iota3A_104, %eq3A_549 : vector<512x64xi32>
      %jit3A_551 = arith.constant 0.000000e+00 : f32
      %broadcast_in_dim3A_552 = vector.broadcast %jit3A_551 : f32 to vector<512x64xf32>
      %select_n3A_553 = arith.select %eq3A_550, %mul3A_444, %broadcast_in_dim3A_552 : vector<512x64xi1>, vector<512x64xf32>
      %reduce_sum3A_554 = arith.constant dense<0.000000e+00> : vector<512xf32>
      %reduce_sum3A_555 = vector.multi_reduction <add>, %select_n3A_553, %reduce_sum3A_554 [1] : vector<512x64xf32> to vector<512xf32>
      %broadcast_in_dim3A_556 = vector.shape_cast %reduce_sum3A_555 : vector<512xf32> to vector<512x1xf32>
      %jit3A_557 = arith.constant -3.000000e+38 : f32
      %broadcast_in_dim3A_558 = vector.broadcast %jit3A_557 : f32 to vector<512x64xf32>
      %select_n3A_559 = arith.select %eq3A_550, %broadcast_in_dim3A_558, %select_n3A_537 : vector<512x64xi1>, vector<512x64xf32>
      %reduce_max3A_560 = arith.constant dense<0xFF800000> : vector<512xf32>
      %reduce_max3A_561 = vector.multi_reduction <maximumf>, %select_n3A_559, %reduce_max3A_560 [1] : vector<512x64xf32> to vector<512xf32>
      %broadcast_in_dim3A_562 = vector.shape_cast %reduce_max3A_561 : vector<512xf32> to vector<512x1xf32>
      %eq3A_563 = vector.broadcast %broadcast_in_dim3A_562 : vector<512x1xf32> to vector<512x64xf32>
      %eq3A_564 = arith.cmpf oeq, %select_n3A_559, %eq3A_563 : vector<512x64xf32>
      %jit3A_565 = arith.constant 64 : i32
      %broadcast_in_dim3A_566 = vector.broadcast %jit3A_565 : i32 to vector<512x64xi32>
      %select_n3A_567 = arith.select %eq3A_564, %iota3A_104, %broadcast_in_dim3A_566 : vector<512x64xi1>, vector<512x64xi32>
      %reduce_min3A_568 = arith.constant dense<2147483647> : vector<512xi32>
      %reduce_min3A_569 = vector.multi_reduction <minsi>, %select_n3A_567, %reduce_min3A_568 [1] : vector<512x64xi32> to vector<512xi32>
      %broadcast_in_dim3A_570 = vector.shape_cast %reduce_min3A_569 : vector<512xi32> to vector<512x1xi32>
      %eq3A_571 = vector.broadcast %broadcast_in_dim3A_570 : vector<512x1xi32> to vector<512x64xi32>
      %eq3A_572 = arith.cmpi eq, %iota3A_104, %eq3A_571 : vector<512x64xi32>
      %jit3A_573 = arith.constant 0.000000e+00 : f32
      %broadcast_in_dim3A_574 = vector.broadcast %jit3A_573 : f32 to vector<512x64xf32>
      %select_n3A_575 = arith.select %eq3A_572, %mul3A_444, %broadcast_in_dim3A_574 : vector<512x64xi1>, vector<512x64xf32>
      %reduce_sum3A_576 = arith.constant dense<0.000000e+00> : vector<512xf32>
      %reduce_sum3A_577 = vector.multi_reduction <add>, %select_n3A_575, %reduce_sum3A_576 [1] : vector<512x64xf32> to vector<512xf32>
      %broadcast_in_dim3A_578 = vector.shape_cast %reduce_sum3A_577 : vector<512xf32> to vector<512x1xf32>
      %jit3A_579 = arith.constant -3.000000e+38 : f32
      %broadcast_in_dim3A_580 = vector.broadcast %jit3A_579 : f32 to vector<512x64xf32>
      %select_n3A_581 = arith.select %eq3A_572, %broadcast_in_dim3A_580, %select_n3A_559 : vector<512x64xi1>, vector<512x64xf32>
      %reduce_max3A_582 = arith.constant dense<0xFF800000> : vector<512xf32>
      %reduce_max3A_583 = vector.multi_reduction <maximumf>, %select_n3A_581, %reduce_max3A_582 [1] : vector<512x64xf32> to vector<512xf32>
      %broadcast_in_dim3A_584 = vector.shape_cast %reduce_max3A_583 : vector<512xf32> to vector<512x1xf32>
      %eq3A_585 = vector.broadcast %broadcast_in_dim3A_584 : vector<512x1xf32> to vector<512x64xf32>
      %eq3A_586 = arith.cmpf oeq, %select_n3A_581, %eq3A_585 : vector<512x64xf32>
      %jit3A_587 = arith.constant 64 : i32
      %broadcast_in_dim3A_588 = vector.broadcast %jit3A_587 : i32 to vector<512x64xi32>
      %select_n3A_589 = arith.select %eq3A_586, %iota3A_104, %broadcast_in_dim3A_588 : vector<512x64xi1>, vector<512x64xi32>
      %reduce_min3A_590 = arith.constant dense<2147483647> : vector<512xi32>
      %reduce_min3A_591 = vector.multi_reduction <minsi>, %select_n3A_589, %reduce_min3A_590 [1] : vector<512x64xi32> to vector<512xi32>
      %broadcast_in_dim3A_592 = vector.shape_cast %reduce_min3A_591 : vector<512xi32> to vector<512x1xi32>
      %eq3A_593 = vector.broadcast %broadcast_in_dim3A_592 : vector<512x1xi32> to vector<512x64xi32>
      %eq3A_594 = arith.cmpi eq, %iota3A_104, %eq3A_593 : vector<512x64xi32>
      %jit3A_595 = arith.constant 0.000000e+00 : f32
      %broadcast_in_dim3A_596 = vector.broadcast %jit3A_595 : f32 to vector<512x64xf32>
      %select_n3A_597 = arith.select %eq3A_594, %mul3A_444, %broadcast_in_dim3A_596 : vector<512x64xi1>, vector<512x64xf32>
      %reduce_sum3A_598 = arith.constant dense<0.000000e+00> : vector<512xf32>
      %reduce_sum3A_599 = vector.multi_reduction <add>, %select_n3A_597, %reduce_sum3A_598 [1] : vector<512x64xf32> to vector<512xf32>
      %broadcast_in_dim3A_600 = vector.shape_cast %reduce_sum3A_599 : vector<512xf32> to vector<512x1xf32>
      %jit3A_601 = arith.constant -3.000000e+38 : f32
      %broadcast_in_dim3A_602 = vector.broadcast %jit3A_601 : f32 to vector<512x64xf32>
      %select_n3A_603 = arith.select %eq3A_594, %broadcast_in_dim3A_602, %select_n3A_581 : vector<512x64xi1>, vector<512x64xf32>
      %reduce_max3A_604 = arith.constant dense<0xFF800000> : vector<512xf32>
      %reduce_max3A_605 = vector.multi_reduction <maximumf>, %select_n3A_603, %reduce_max3A_604 [1] : vector<512x64xf32> to vector<512xf32>
      %broadcast_in_dim3A_606 = vector.shape_cast %reduce_max3A_605 : vector<512xf32> to vector<512x1xf32>
      %eq3A_607 = vector.broadcast %broadcast_in_dim3A_606 : vector<512x1xf32> to vector<512x64xf32>
      %eq3A_608 = arith.cmpf oeq, %select_n3A_603, %eq3A_607 : vector<512x64xf32>
      %jit3A_609 = arith.constant 64 : i32
      %broadcast_in_dim3A_610 = vector.broadcast %jit3A_609 : i32 to vector<512x64xi32>
      %select_n3A_611 = arith.select %eq3A_608, %iota3A_104, %broadcast_in_dim3A_610 : vector<512x64xi1>, vector<512x64xi32>
      %reduce_min3A_612 = arith.constant dense<2147483647> : vector<512xi32>
      %reduce_min3A_613 = vector.multi_reduction <minsi>, %select_n3A_611, %reduce_min3A_612 [1] : vector<512x64xi32> to vector<512xi32>
      %broadcast_in_dim3A_614 = vector.shape_cast %reduce_min3A_613 : vector<512xi32> to vector<512x1xi32>
      %eq3A_615 = vector.broadcast %broadcast_in_dim3A_614 : vector<512x1xi32> to vector<512x64xi32>
      %eq3A_616 = arith.cmpi eq, %iota3A_104, %eq3A_615 : vector<512x64xi32>
      %jit3A_617 = arith.constant 0.000000e+00 : f32
      %broadcast_in_dim3A_618 = vector.broadcast %jit3A_617 : f32 to vector<512x64xf32>
      %select_n3A_619 = arith.select %eq3A_616, %mul3A_444, %broadcast_in_dim3A_618 : vector<512x64xi1>, vector<512x64xf32>
      %reduce_sum3A_620 = arith.constant dense<0.000000e+00> : vector<512xf32>
      %reduce_sum3A_621 = vector.multi_reduction <add>, %select_n3A_619, %reduce_sum3A_620 [1] : vector<512x64xf32> to vector<512xf32>
      %broadcast_in_dim3A_622 = vector.shape_cast %reduce_sum3A_621 : vector<512xf32> to vector<512x1xf32>
      %max3A_623 = arith.maximumf %broadcast_in_dim3A_468, %broadcast_in_dim3A_490 : vector<512x1xf32>
      %max3A_624 = arith.maximumf %max3A_623, %broadcast_in_dim3A_512 : vector<512x1xf32>
      %max3A_625 = arith.maximumf %max3A_624, %broadcast_in_dim3A_534 : vector<512x1xf32>
      %max3A_626 = arith.maximumf %max3A_625, %broadcast_in_dim3A_556 : vector<512x1xf32>
      %max3A_627 = arith.maximumf %max3A_626, %broadcast_in_dim3A_578 : vector<512x1xf32>
      %max3A_628 = arith.maximumf %max3A_627, %broadcast_in_dim3A_600 : vector<512x1xf32>
      %max3A_629 = arith.maximumf %max3A_628, %broadcast_in_dim3A_622 : vector<512x1xf32>
      %sub3A_630 = arith.subf %broadcast_in_dim3A_468, %max3A_629 : vector<512x1xf32>
      %exp3A_631 = math.exp %sub3A_630 : vector<512x1xf32>
      %sub3A_632 = arith.subf %broadcast_in_dim3A_490, %max3A_629 : vector<512x1xf32>
      %exp3A_633 = math.exp %sub3A_632 : vector<512x1xf32>
      %sub3A_634 = arith.subf %broadcast_in_dim3A_512, %max3A_629 : vector<512x1xf32>
      %exp3A_635 = math.exp %sub3A_634 : vector<512x1xf32>
      %sub3A_636 = arith.subf %broadcast_in_dim3A_534, %max3A_629 : vector<512x1xf32>
      %exp3A_637 = math.exp %sub3A_636 : vector<512x1xf32>
      %sub3A_638 = arith.subf %broadcast_in_dim3A_556, %max3A_629 : vector<512x1xf32>
      %exp3A_639 = math.exp %sub3A_638 : vector<512x1xf32>
      %sub3A_640 = arith.subf %broadcast_in_dim3A_578, %max3A_629 : vector<512x1xf32>
      %exp3A_641 = math.exp %sub3A_640 : vector<512x1xf32>
      %sub3A_642 = arith.subf %broadcast_in_dim3A_600, %max3A_629 : vector<512x1xf32>
      %exp3A_643 = math.exp %sub3A_642 : vector<512x1xf32>
      %sub3A_644 = arith.subf %broadcast_in_dim3A_622, %max3A_629 : vector<512x1xf32>
      %exp3A_645 = math.exp %sub3A_644 : vector<512x1xf32>
      %add3A_646 = arith.addf %exp3A_631, %exp3A_633 : vector<512x1xf32>
      %add3A_647 = arith.addf %add3A_646, %exp3A_635 : vector<512x1xf32>
      %add3A_648 = arith.addf %add3A_647, %exp3A_637 : vector<512x1xf32>
      %add3A_649 = arith.addf %add3A_648, %exp3A_639 : vector<512x1xf32>
      %add3A_650 = arith.addf %add3A_649, %exp3A_641 : vector<512x1xf32>
      %add3A_651 = arith.addf %add3A_650, %exp3A_643 : vector<512x1xf32>
      %add3A_652 = arith.addf %add3A_651, %exp3A_645 : vector<512x1xf32>
      %div3A_653 = arith.constant 1.000000e+00 : f32
      %div3A_654 = vector.broadcast %div3A_653 : f32 to vector<512x1xf32>
      %div3A_655 = arith.divf %div3A_654, %add3A_652 : vector<512x1xf32>
      %broadcast_in_dim3A_656 = arith.constant 0.000000e+00 : f32
      %broadcast_in_dim3A_657 = vector.broadcast %broadcast_in_dim3A_656 : f32 to vector<512x64xf32>
      %mul3A_658 = arith.mulf %exp3A_631, %div3A_655 : vector<512x1xf32>
      %jit3A_659 = arith.constant 0.000000e+00 : f32
      %broadcast_in_dim3A_660 = vector.shape_cast %mul3A_658 : vector<512x1xf32> to vector<512x1xf32>
      %broadcast_in_dim3A_661 = vector.broadcast %broadcast_in_dim3A_660 : vector<512x1xf32> to vector<512x64xf32>
      %broadcast_in_dim3A_662 = vector.broadcast %jit3A_659 : f32 to vector<512x64xf32>
      %select_n3A_663 = arith.select %eq3A_462, %broadcast_in_dim3A_661, %broadcast_in_dim3A_662 : vector<512x64xi1>, vector<512x64xf32>
      %add3A_664 = arith.addf %broadcast_in_dim3A_657, %select_n3A_663 : vector<512x64xf32>
      %mul3A_665 = arith.mulf %exp3A_633, %div3A_655 : vector<512x1xf32>
      %jit3A_666 = arith.constant 0.000000e+00 : f32
      %broadcast_in_dim3A_667 = vector.shape_cast %mul3A_665 : vector<512x1xf32> to vector<512x1xf32>
      %broadcast_in_dim3A_668 = vector.broadcast %broadcast_in_dim3A_667 : vector<512x1xf32> to vector<512x64xf32>
      %broadcast_in_dim3A_669 = vector.broadcast %jit3A_666 : f32 to vector<512x64xf32>
      %select_n3A_670 = arith.select %eq3A_484, %broadcast_in_dim3A_668, %broadcast_in_dim3A_669 : vector<512x64xi1>, vector<512x64xf32>
      %add3A_671 = arith.addf %add3A_664, %select_n3A_670 : vector<512x64xf32>
      %mul3A_672 = arith.mulf %exp3A_635, %div3A_655 : vector<512x1xf32>
      %jit3A_673 = arith.constant 0.000000e+00 : f32
      %broadcast_in_dim3A_674 = vector.shape_cast %mul3A_672 : vector<512x1xf32> to vector<512x1xf32>
      %broadcast_in_dim3A_675 = vector.broadcast %broadcast_in_dim3A_674 : vector<512x1xf32> to vector<512x64xf32>
      %broadcast_in_dim3A_676 = vector.broadcast %jit3A_673 : f32 to vector<512x64xf32>
      %select_n3A_677 = arith.select %eq3A_506, %broadcast_in_dim3A_675, %broadcast_in_dim3A_676 : vector<512x64xi1>, vector<512x64xf32>
      %add3A_678 = arith.addf %add3A_671, %select_n3A_677 : vector<512x64xf32>
      %mul3A_679 = arith.mulf %exp3A_637, %div3A_655 : vector<512x1xf32>
      %jit3A_680 = arith.constant 0.000000e+00 : f32
      %broadcast_in_dim3A_681 = vector.shape_cast %mul3A_679 : vector<512x1xf32> to vector<512x1xf32>
      %broadcast_in_dim3A_682 = vector.broadcast %broadcast_in_dim3A_681 : vector<512x1xf32> to vector<512x64xf32>
      %broadcast_in_dim3A_683 = vector.broadcast %jit3A_680 : f32 to vector<512x64xf32>
      %select_n3A_684 = arith.select %eq3A_528, %broadcast_in_dim3A_682, %broadcast_in_dim3A_683 : vector<512x64xi1>, vector<512x64xf32>
      %add3A_685 = arith.addf %add3A_678, %select_n3A_684 : vector<512x64xf32>
      %mul3A_686 = arith.mulf %exp3A_639, %div3A_655 : vector<512x1xf32>
      %jit3A_687 = arith.constant 0.000000e+00 : f32
      %broadcast_in_dim3A_688 = vector.shape_cast %mul3A_686 : vector<512x1xf32> to vector<512x1xf32>
      %broadcast_in_dim3A_689 = vector.broadcast %broadcast_in_dim3A_688 : vector<512x1xf32> to vector<512x64xf32>
      %broadcast_in_dim3A_690 = vector.broadcast %jit3A_687 : f32 to vector<512x64xf32>
      %select_n3A_691 = arith.select %eq3A_550, %broadcast_in_dim3A_689, %broadcast_in_dim3A_690 : vector<512x64xi1>, vector<512x64xf32>
      %add3A_692 = arith.addf %add3A_685, %select_n3A_691 : vector<512x64xf32>
      %mul3A_693 = arith.mulf %exp3A_641, %div3A_655 : vector<512x1xf32>
      %jit3A_694 = arith.constant 0.000000e+00 : f32
      %broadcast_in_dim3A_695 = vector.shape_cast %mul3A_693 : vector<512x1xf32> to vector<512x1xf32>
      %broadcast_in_dim3A_696 = vector.broadcast %broadcast_in_dim3A_695 : vector<512x1xf32> to vector<512x64xf32>
      %broadcast_in_dim3A_697 = vector.broadcast %jit3A_694 : f32 to vector<512x64xf32>
      %select_n3A_698 = arith.select %eq3A_572, %broadcast_in_dim3A_696, %broadcast_in_dim3A_697 : vector<512x64xi1>, vector<512x64xf32>
      %add3A_699 = arith.addf %add3A_692, %select_n3A_698 : vector<512x64xf32>
      %mul3A_700 = arith.mulf %exp3A_643, %div3A_655 : vector<512x1xf32>
      %jit3A_701 = arith.constant 0.000000e+00 : f32
      %broadcast_in_dim3A_702 = vector.shape_cast %mul3A_700 : vector<512x1xf32> to vector<512x1xf32>
      %broadcast_in_dim3A_703 = vector.broadcast %broadcast_in_dim3A_702 : vector<512x1xf32> to vector<512x64xf32>
      %broadcast_in_dim3A_704 = vector.broadcast %jit3A_701 : f32 to vector<512x64xf32>
      %select_n3A_705 = arith.select %eq3A_594, %broadcast_in_dim3A_703, %broadcast_in_dim3A_704 : vector<512x64xi1>, vector<512x64xf32>
      %add3A_706 = arith.addf %add3A_699, %select_n3A_705 : vector<512x64xf32>
      %mul3A_707 = arith.mulf %exp3A_645, %div3A_655 : vector<512x1xf32>
      %jit3A_708 = arith.constant 0.000000e+00 : f32
      %broadcast_in_dim3A_709 = vector.shape_cast %mul3A_707 : vector<512x1xf32> to vector<512x1xf32>
      %broadcast_in_dim3A_710 = vector.broadcast %broadcast_in_dim3A_709 : vector<512x1xf32> to vector<512x64xf32>
      %broadcast_in_dim3A_711 = vector.broadcast %jit3A_708 : f32 to vector<512x64xf32>
      %select_n3A_712 = arith.select %eq3A_616, %broadcast_in_dim3A_710, %broadcast_in_dim3A_711 : vector<512x64xi1>, vector<512x64xf32>
      %add3A_713 = arith.addf %add3A_706, %select_n3A_712 : vector<512x64xf32>
      %get3A_714 = arith.constant 1 : index
      %get3A_715 = arith.constant 0 : index
      %get3A_716 = arith.constant 0 : index
      %get3A_717 = vector.load %arg12[%get3A_714, %get3A_715, %get3A_716] : memref<4x64x32xf32, #tpu.memory_space<vmem>>, vector<1x64x32xf32>
      %get3A_718 = vector.shape_cast %get3A_717 : vector<1x64x32xf32> to vector<64x32xf32>
      %dot_general3A_719 = arith.constant dense<0.000000e+00> : vector<512x32xf32>
      %dot_general3A_720 = tpu.matmul %add3A_713, %get3A_718, %dot_general3A_719 {dimension_numbers = #tpu.dot_dimension_numbers<[1], [0], [0], [1], [0, 0, 1, 1], [], []>, precision = #tpu.contract_precision<fp32>, transpose_lhs_hint = false} : vector<512x64xf32>, vector<64x32xf32>, vector<512x32xf32> -> vector<512x32xf32>
      %eq3A_721 = arith.constant 8 : i32
      %eq3A_722 = vector.broadcast %eq3A_721 : i32 to vector<512x32xi32>
      %eq3A_723 = arith.cmpi eq, %iota3A_105, %eq3A_722 : vector<512x32xi32>
      %broadcast_in_dim3A_724 = vector.shape_cast %broadcast_in_dim3A_460 : vector<512x1xi32> to vector<512x1xi32>
      %broadcast_in_dim3A_725 = vector.broadcast %broadcast_in_dim3A_724 : vector<512x1xi32> to vector<512x32xi32>
      %select_n3A_726 = arith.select %eq3A_723, %broadcast_in_dim3A_725, %select_n3A_433 : vector<512x32xi1>, vector<512x32xi32>
      %eq3A_727 = arith.constant 9 : i32
      %eq3A_728 = vector.broadcast %eq3A_727 : i32 to vector<512x32xi32>
      %eq3A_729 = arith.cmpi eq, %iota3A_105, %eq3A_728 : vector<512x32xi32>
      %broadcast_in_dim3A_730 = vector.shape_cast %broadcast_in_dim3A_482 : vector<512x1xi32> to vector<512x1xi32>
      %broadcast_in_dim3A_731 = vector.broadcast %broadcast_in_dim3A_730 : vector<512x1xi32> to vector<512x32xi32>
      %select_n3A_732 = arith.select %eq3A_729, %broadcast_in_dim3A_731, %select_n3A_726 : vector<512x32xi1>, vector<512x32xi32>
      %eq3A_733 = arith.constant 10 : i32
      %eq3A_734 = vector.broadcast %eq3A_733 : i32 to vector<512x32xi32>
      %eq3A_735 = arith.cmpi eq, %iota3A_105, %eq3A_734 : vector<512x32xi32>
      %broadcast_in_dim3A_736 = vector.shape_cast %broadcast_in_dim3A_504 : vector<512x1xi32> to vector<512x1xi32>
      %broadcast_in_dim3A_737 = vector.broadcast %broadcast_in_dim3A_736 : vector<512x1xi32> to vector<512x32xi32>
      %select_n3A_738 = arith.select %eq3A_735, %broadcast_in_dim3A_737, %select_n3A_732 : vector<512x32xi1>, vector<512x32xi32>
      %eq3A_739 = arith.constant 11 : i32
      %eq3A_740 = vector.broadcast %eq3A_739 : i32 to vector<512x32xi32>
      %eq3A_741 = arith.cmpi eq, %iota3A_105, %eq3A_740 : vector<512x32xi32>
      %broadcast_in_dim3A_742 = vector.shape_cast %broadcast_in_dim3A_526 : vector<512x1xi32> to vector<512x1xi32>
      %broadcast_in_dim3A_743 = vector.broadcast %broadcast_in_dim3A_742 : vector<512x1xi32> to vector<512x32xi32>
      %select_n3A_744 = arith.select %eq3A_741, %broadcast_in_dim3A_743, %select_n3A_738 : vector<512x32xi1>, vector<512x32xi32>
      %eq3A_745 = arith.constant 12 : i32
      %eq3A_746 = vector.broadcast %eq3A_745 : i32 to vector<512x32xi32>
      %eq3A_747 = arith.cmpi eq, %iota3A_105, %eq3A_746 : vector<512x32xi32>
      %broadcast_in_dim3A_748 = vector.shape_cast %broadcast_in_dim3A_548 : vector<512x1xi32> to vector<512x1xi32>
      %broadcast_in_dim3A_749 = vector.broadcast %broadcast_in_dim3A_748 : vector<512x1xi32> to vector<512x32xi32>
      %select_n3A_750 = arith.select %eq3A_747, %broadcast_in_dim3A_749, %select_n3A_744 : vector<512x32xi1>, vector<512x32xi32>
      %eq3A_751 = arith.constant 13 : i32
      %eq3A_752 = vector.broadcast %eq3A_751 : i32 to vector<512x32xi32>
      %eq3A_753 = arith.cmpi eq, %iota3A_105, %eq3A_752 : vector<512x32xi32>
      %broadcast_in_dim3A_754 = vector.shape_cast %broadcast_in_dim3A_570 : vector<512x1xi32> to vector<512x1xi32>
      %broadcast_in_dim3A_755 = vector.broadcast %broadcast_in_dim3A_754 : vector<512x1xi32> to vector<512x32xi32>
      %select_n3A_756 = arith.select %eq3A_753, %broadcast_in_dim3A_755, %select_n3A_750 : vector<512x32xi1>, vector<512x32xi32>
      %eq3A_757 = arith.constant 14 : i32
      %eq3A_758 = vector.broadcast %eq3A_757 : i32 to vector<512x32xi32>
      %eq3A_759 = arith.cmpi eq, %iota3A_105, %eq3A_758 : vector<512x32xi32>
      %broadcast_in_dim3A_760 = vector.shape_cast %broadcast_in_dim3A_592 : vector<512x1xi32> to vector<512x1xi32>
      %broadcast_in_dim3A_761 = vector.broadcast %broadcast_in_dim3A_760 : vector<512x1xi32> to vector<512x32xi32>
      %select_n3A_762 = arith.select %eq3A_759, %broadcast_in_dim3A_761, %select_n3A_756 : vector<512x32xi1>, vector<512x32xi32>
      %eq3A_763 = arith.constant 15 : i32
      %eq3A_764 = vector.broadcast %eq3A_763 : i32 to vector<512x32xi32>
      %eq3A_765 = arith.cmpi eq, %iota3A_105, %eq3A_764 : vector<512x32xi32>
      %broadcast_in_dim3A_766 = vector.shape_cast %broadcast_in_dim3A_614 : vector<512x1xi32> to vector<512x1xi32>
      %broadcast_in_dim3A_767 = vector.broadcast %broadcast_in_dim3A_766 : vector<512x1xi32> to vector<512x32xi32>
      %select_n3A_768 = arith.select %eq3A_765, %broadcast_in_dim3A_767, %select_n3A_762 : vector<512x32xi1>, vector<512x32xi32>
      %slice3A_769 = vector.extract_strided_slice %add3A_103 {offsets = [0, 64], sizes = [512, 32], strides = [1, 1]} : vector<512x128xf32> to vector<512x32xf32>
      %get3A_770 = arith.constant 2 : index
      %get3A_771 = arith.constant 0 : index
      %get3A_772 = arith.constant 0 : index
      %get3A_773 = vector.load %arg11[%get3A_770, %get3A_771, %get3A_772] : memref<4x32x64xf32, #tpu.memory_space<vmem>>, vector<1x32x64xf32>
      %get3A_774 = vector.shape_cast %get3A_773 : vector<1x32x64xf32> to vector<32x64xf32>
      %dot_general3A_775 = arith.constant dense<0.000000e+00> : vector<512x64xf32>
      %dot_general3A_776 = tpu.matmul %slice3A_769, %get3A_774, %dot_general3A_775 {dimension_numbers = #tpu.dot_dimension_numbers<[1], [0], [0], [1], [0, 0, 1, 1], [], []>, transpose_lhs_hint = false} : vector<512x32xf32>, vector<32x64xf32>, vector<512x64xf32> -> vector<512x64xf32>
      %mul3A_777 = arith.constant 0.176776692 : f32
      %mul3A_778 = vector.broadcast %mul3A_777 : f32 to vector<512x64xf32>
      %mul3A_779 = arith.mulf %dot_general3A_776, %mul3A_778 : vector<512x64xf32>
      %get3A_780 = arith.constant 0 : index
      %get3A_781 = arith.constant 0 : index
      %get3A_782 = vector.load %arg13[%get3A_780, %get3A_781] : memref<1x64xf32, #tpu.memory_space<vmem>>, vector<1x64xf32>
      %add3A_783 = vector.broadcast %get3A_782 : vector<1x64xf32> to vector<512x64xf32>
      %add3A_784 = arith.addf %mul3A_779, %add3A_783 : vector<512x64xf32>
      %reduce_max3A_785 = arith.constant dense<0xFF800000> : vector<512xf32>
      %reduce_max3A_786 = vector.multi_reduction <maximumf>, %add3A_784, %reduce_max3A_785 [1] : vector<512x64xf32> to vector<512xf32>
      %broadcast_in_dim3A_787 = vector.shape_cast %reduce_max3A_786 : vector<512xf32> to vector<512x1xf32>
      %eq3A_788 = vector.broadcast %broadcast_in_dim3A_787 : vector<512x1xf32> to vector<512x64xf32>
      %eq3A_789 = arith.cmpf oeq, %add3A_784, %eq3A_788 : vector<512x64xf32>
      %jit3A_790 = arith.constant 64 : i32
      %broadcast_in_dim3A_791 = vector.broadcast %jit3A_790 : i32 to vector<512x64xi32>
      %select_n3A_792 = arith.select %eq3A_789, %iota3A_104, %broadcast_in_dim3A_791 : vector<512x64xi1>, vector<512x64xi32>
      %reduce_min3A_793 = arith.constant dense<2147483647> : vector<512xi32>
      %reduce_min3A_794 = vector.multi_reduction <minsi>, %select_n3A_792, %reduce_min3A_793 [1] : vector<512x64xi32> to vector<512xi32>
      %broadcast_in_dim3A_795 = vector.shape_cast %reduce_min3A_794 : vector<512xi32> to vector<512x1xi32>
      %eq3A_796 = vector.broadcast %broadcast_in_dim3A_795 : vector<512x1xi32> to vector<512x64xi32>
      %eq3A_797 = arith.cmpi eq, %iota3A_104, %eq3A_796 : vector<512x64xi32>
      %jit3A_798 = arith.constant 0.000000e+00 : f32
      %broadcast_in_dim3A_799 = vector.broadcast %jit3A_798 : f32 to vector<512x64xf32>
      %select_n3A_800 = arith.select %eq3A_797, %mul3A_779, %broadcast_in_dim3A_799 : vector<512x64xi1>, vector<512x64xf32>
      %reduce_sum3A_801 = arith.constant dense<0.000000e+00> : vector<512xf32>
      %reduce_sum3A_802 = vector.multi_reduction <add>, %select_n3A_800, %reduce_sum3A_801 [1] : vector<512x64xf32> to vector<512xf32>
      %broadcast_in_dim3A_803 = vector.shape_cast %reduce_sum3A_802 : vector<512xf32> to vector<512x1xf32>
      %jit3A_804 = arith.constant -3.000000e+38 : f32
      %broadcast_in_dim3A_805 = vector.broadcast %jit3A_804 : f32 to vector<512x64xf32>
      %select_n3A_806 = arith.select %eq3A_797, %broadcast_in_dim3A_805, %add3A_784 : vector<512x64xi1>, vector<512x64xf32>
      %reduce_max3A_807 = arith.constant dense<0xFF800000> : vector<512xf32>
      %reduce_max3A_808 = vector.multi_reduction <maximumf>, %select_n3A_806, %reduce_max3A_807 [1] : vector<512x64xf32> to vector<512xf32>
      %broadcast_in_dim3A_809 = vector.shape_cast %reduce_max3A_808 : vector<512xf32> to vector<512x1xf32>
      %eq3A_810 = vector.broadcast %broadcast_in_dim3A_809 : vector<512x1xf32> to vector<512x64xf32>
      %eq3A_811 = arith.cmpf oeq, %select_n3A_806, %eq3A_810 : vector<512x64xf32>
      %jit3A_812 = arith.constant 64 : i32
      %broadcast_in_dim3A_813 = vector.broadcast %jit3A_812 : i32 to vector<512x64xi32>
      %select_n3A_814 = arith.select %eq3A_811, %iota3A_104, %broadcast_in_dim3A_813 : vector<512x64xi1>, vector<512x64xi32>
      %reduce_min3A_815 = arith.constant dense<2147483647> : vector<512xi32>
      %reduce_min3A_816 = vector.multi_reduction <minsi>, %select_n3A_814, %reduce_min3A_815 [1] : vector<512x64xi32> to vector<512xi32>
      %broadcast_in_dim3A_817 = vector.shape_cast %reduce_min3A_816 : vector<512xi32> to vector<512x1xi32>
      %eq3A_818 = vector.broadcast %broadcast_in_dim3A_817 : vector<512x1xi32> to vector<512x64xi32>
      %eq3A_819 = arith.cmpi eq, %iota3A_104, %eq3A_818 : vector<512x64xi32>
      %jit3A_820 = arith.constant 0.000000e+00 : f32
      %broadcast_in_dim3A_821 = vector.broadcast %jit3A_820 : f32 to vector<512x64xf32>
      %select_n3A_822 = arith.select %eq3A_819, %mul3A_779, %broadcast_in_dim3A_821 : vector<512x64xi1>, vector<512x64xf32>
      %reduce_sum3A_823 = arith.constant dense<0.000000e+00> : vector<512xf32>
      %reduce_sum3A_824 = vector.multi_reduction <add>, %select_n3A_822, %reduce_sum3A_823 [1] : vector<512x64xf32> to vector<512xf32>
      %broadcast_in_dim3A_825 = vector.shape_cast %reduce_sum3A_824 : vector<512xf32> to vector<512x1xf32>
      %jit3A_826 = arith.constant -3.000000e+38 : f32
      %broadcast_in_dim3A_827 = vector.broadcast %jit3A_826 : f32 to vector<512x64xf32>
      %select_n3A_828 = arith.select %eq3A_819, %broadcast_in_dim3A_827, %select_n3A_806 : vector<512x64xi1>, vector<512x64xf32>
      %reduce_max3A_829 = arith.constant dense<0xFF800000> : vector<512xf32>
      %reduce_max3A_830 = vector.multi_reduction <maximumf>, %select_n3A_828, %reduce_max3A_829 [1] : vector<512x64xf32> to vector<512xf32>
      %broadcast_in_dim3A_831 = vector.shape_cast %reduce_max3A_830 : vector<512xf32> to vector<512x1xf32>
      %eq3A_832 = vector.broadcast %broadcast_in_dim3A_831 : vector<512x1xf32> to vector<512x64xf32>
      %eq3A_833 = arith.cmpf oeq, %select_n3A_828, %eq3A_832 : vector<512x64xf32>
      %jit3A_834 = arith.constant 64 : i32
      %broadcast_in_dim3A_835 = vector.broadcast %jit3A_834 : i32 to vector<512x64xi32>
      %select_n3A_836 = arith.select %eq3A_833, %iota3A_104, %broadcast_in_dim3A_835 : vector<512x64xi1>, vector<512x64xi32>
      %reduce_min3A_837 = arith.constant dense<2147483647> : vector<512xi32>
      %reduce_min3A_838 = vector.multi_reduction <minsi>, %select_n3A_836, %reduce_min3A_837 [1] : vector<512x64xi32> to vector<512xi32>
      %broadcast_in_dim3A_839 = vector.shape_cast %reduce_min3A_838 : vector<512xi32> to vector<512x1xi32>
      %eq3A_840 = vector.broadcast %broadcast_in_dim3A_839 : vector<512x1xi32> to vector<512x64xi32>
      %eq3A_841 = arith.cmpi eq, %iota3A_104, %eq3A_840 : vector<512x64xi32>
      %jit3A_842 = arith.constant 0.000000e+00 : f32
      %broadcast_in_dim3A_843 = vector.broadcast %jit3A_842 : f32 to vector<512x64xf32>
      %select_n3A_844 = arith.select %eq3A_841, %mul3A_779, %broadcast_in_dim3A_843 : vector<512x64xi1>, vector<512x64xf32>
      %reduce_sum3A_845 = arith.constant dense<0.000000e+00> : vector<512xf32>
      %reduce_sum3A_846 = vector.multi_reduction <add>, %select_n3A_844, %reduce_sum3A_845 [1] : vector<512x64xf32> to vector<512xf32>
      %broadcast_in_dim3A_847 = vector.shape_cast %reduce_sum3A_846 : vector<512xf32> to vector<512x1xf32>
      %jit3A_848 = arith.constant -3.000000e+38 : f32
      %broadcast_in_dim3A_849 = vector.broadcast %jit3A_848 : f32 to vector<512x64xf32>
      %select_n3A_850 = arith.select %eq3A_841, %broadcast_in_dim3A_849, %select_n3A_828 : vector<512x64xi1>, vector<512x64xf32>
      %reduce_max3A_851 = arith.constant dense<0xFF800000> : vector<512xf32>
      %reduce_max3A_852 = vector.multi_reduction <maximumf>, %select_n3A_850, %reduce_max3A_851 [1] : vector<512x64xf32> to vector<512xf32>
      %broadcast_in_dim3A_853 = vector.shape_cast %reduce_max3A_852 : vector<512xf32> to vector<512x1xf32>
      %eq3A_854 = vector.broadcast %broadcast_in_dim3A_853 : vector<512x1xf32> to vector<512x64xf32>
      %eq3A_855 = arith.cmpf oeq, %select_n3A_850, %eq3A_854 : vector<512x64xf32>
      %jit3A_856 = arith.constant 64 : i32
      %broadcast_in_dim3A_857 = vector.broadcast %jit3A_856 : i32 to vector<512x64xi32>
      %select_n3A_858 = arith.select %eq3A_855, %iota3A_104, %broadcast_in_dim3A_857 : vector<512x64xi1>, vector<512x64xi32>
      %reduce_min3A_859 = arith.constant dense<2147483647> : vector<512xi32>
      %reduce_min3A_860 = vector.multi_reduction <minsi>, %select_n3A_858, %reduce_min3A_859 [1] : vector<512x64xi32> to vector<512xi32>
      %broadcast_in_dim3A_861 = vector.shape_cast %reduce_min3A_860 : vector<512xi32> to vector<512x1xi32>
      %eq3A_862 = vector.broadcast %broadcast_in_dim3A_861 : vector<512x1xi32> to vector<512x64xi32>
      %eq3A_863 = arith.cmpi eq, %iota3A_104, %eq3A_862 : vector<512x64xi32>
      %jit3A_864 = arith.constant 0.000000e+00 : f32
      %broadcast_in_dim3A_865 = vector.broadcast %jit3A_864 : f32 to vector<512x64xf32>
      %select_n3A_866 = arith.select %eq3A_863, %mul3A_779, %broadcast_in_dim3A_865 : vector<512x64xi1>, vector<512x64xf32>
      %reduce_sum3A_867 = arith.constant dense<0.000000e+00> : vector<512xf32>
      %reduce_sum3A_868 = vector.multi_reduction <add>, %select_n3A_866, %reduce_sum3A_867 [1] : vector<512x64xf32> to vector<512xf32>
      %broadcast_in_dim3A_869 = vector.shape_cast %reduce_sum3A_868 : vector<512xf32> to vector<512x1xf32>
      %jit3A_870 = arith.constant -3.000000e+38 : f32
      %broadcast_in_dim3A_871 = vector.broadcast %jit3A_870 : f32 to vector<512x64xf32>
      %select_n3A_872 = arith.select %eq3A_863, %broadcast_in_dim3A_871, %select_n3A_850 : vector<512x64xi1>, vector<512x64xf32>
      %reduce_max3A_873 = arith.constant dense<0xFF800000> : vector<512xf32>
      %reduce_max3A_874 = vector.multi_reduction <maximumf>, %select_n3A_872, %reduce_max3A_873 [1] : vector<512x64xf32> to vector<512xf32>
      %broadcast_in_dim3A_875 = vector.shape_cast %reduce_max3A_874 : vector<512xf32> to vector<512x1xf32>
      %eq3A_876 = vector.broadcast %broadcast_in_dim3A_875 : vector<512x1xf32> to vector<512x64xf32>
      %eq3A_877 = arith.cmpf oeq, %select_n3A_872, %eq3A_876 : vector<512x64xf32>
      %jit3A_878 = arith.constant 64 : i32
      %broadcast_in_dim3A_879 = vector.broadcast %jit3A_878 : i32 to vector<512x64xi32>
      %select_n3A_880 = arith.select %eq3A_877, %iota3A_104, %broadcast_in_dim3A_879 : vector<512x64xi1>, vector<512x64xi32>
      %reduce_min3A_881 = arith.constant dense<2147483647> : vector<512xi32>
      %reduce_min3A_882 = vector.multi_reduction <minsi>, %select_n3A_880, %reduce_min3A_881 [1] : vector<512x64xi32> to vector<512xi32>
      %broadcast_in_dim3A_883 = vector.shape_cast %reduce_min3A_882 : vector<512xi32> to vector<512x1xi32>
      %eq3A_884 = vector.broadcast %broadcast_in_dim3A_883 : vector<512x1xi32> to vector<512x64xi32>
      %eq3A_885 = arith.cmpi eq, %iota3A_104, %eq3A_884 : vector<512x64xi32>
      %jit3A_886 = arith.constant 0.000000e+00 : f32
      %broadcast_in_dim3A_887 = vector.broadcast %jit3A_886 : f32 to vector<512x64xf32>
      %select_n3A_888 = arith.select %eq3A_885, %mul3A_779, %broadcast_in_dim3A_887 : vector<512x64xi1>, vector<512x64xf32>
      %reduce_sum3A_889 = arith.constant dense<0.000000e+00> : vector<512xf32>
      %reduce_sum3A_890 = vector.multi_reduction <add>, %select_n3A_888, %reduce_sum3A_889 [1] : vector<512x64xf32> to vector<512xf32>
      %broadcast_in_dim3A_891 = vector.shape_cast %reduce_sum3A_890 : vector<512xf32> to vector<512x1xf32>
      %jit3A_892 = arith.constant -3.000000e+38 : f32
      %broadcast_in_dim3A_893 = vector.broadcast %jit3A_892 : f32 to vector<512x64xf32>
      %select_n3A_894 = arith.select %eq3A_885, %broadcast_in_dim3A_893, %select_n3A_872 : vector<512x64xi1>, vector<512x64xf32>
      %reduce_max3A_895 = arith.constant dense<0xFF800000> : vector<512xf32>
      %reduce_max3A_896 = vector.multi_reduction <maximumf>, %select_n3A_894, %reduce_max3A_895 [1] : vector<512x64xf32> to vector<512xf32>
      %broadcast_in_dim3A_897 = vector.shape_cast %reduce_max3A_896 : vector<512xf32> to vector<512x1xf32>
      %eq3A_898 = vector.broadcast %broadcast_in_dim3A_897 : vector<512x1xf32> to vector<512x64xf32>
      %eq3A_899 = arith.cmpf oeq, %select_n3A_894, %eq3A_898 : vector<512x64xf32>
      %jit3A_900 = arith.constant 64 : i32
      %broadcast_in_dim3A_901 = vector.broadcast %jit3A_900 : i32 to vector<512x64xi32>
      %select_n3A_902 = arith.select %eq3A_899, %iota3A_104, %broadcast_in_dim3A_901 : vector<512x64xi1>, vector<512x64xi32>
      %reduce_min3A_903 = arith.constant dense<2147483647> : vector<512xi32>
      %reduce_min3A_904 = vector.multi_reduction <minsi>, %select_n3A_902, %reduce_min3A_903 [1] : vector<512x64xi32> to vector<512xi32>
      %broadcast_in_dim3A_905 = vector.shape_cast %reduce_min3A_904 : vector<512xi32> to vector<512x1xi32>
      %eq3A_906 = vector.broadcast %broadcast_in_dim3A_905 : vector<512x1xi32> to vector<512x64xi32>
      %eq3A_907 = arith.cmpi eq, %iota3A_104, %eq3A_906 : vector<512x64xi32>
      %jit3A_908 = arith.constant 0.000000e+00 : f32
      %broadcast_in_dim3A_909 = vector.broadcast %jit3A_908 : f32 to vector<512x64xf32>
      %select_n3A_910 = arith.select %eq3A_907, %mul3A_779, %broadcast_in_dim3A_909 : vector<512x64xi1>, vector<512x64xf32>
      %reduce_sum3A_911 = arith.constant dense<0.000000e+00> : vector<512xf32>
      %reduce_sum3A_912 = vector.multi_reduction <add>, %select_n3A_910, %reduce_sum3A_911 [1] : vector<512x64xf32> to vector<512xf32>
      %broadcast_in_dim3A_913 = vector.shape_cast %reduce_sum3A_912 : vector<512xf32> to vector<512x1xf32>
      %jit3A_914 = arith.constant -3.000000e+38 : f32
      %broadcast_in_dim3A_915 = vector.broadcast %jit3A_914 : f32 to vector<512x64xf32>
      %select_n3A_916 = arith.select %eq3A_907, %broadcast_in_dim3A_915, %select_n3A_894 : vector<512x64xi1>, vector<512x64xf32>
      %reduce_max3A_917 = arith.constant dense<0xFF800000> : vector<512xf32>
      %reduce_max3A_918 = vector.multi_reduction <maximumf>, %select_n3A_916, %reduce_max3A_917 [1] : vector<512x64xf32> to vector<512xf32>
      %broadcast_in_dim3A_919 = vector.shape_cast %reduce_max3A_918 : vector<512xf32> to vector<512x1xf32>
      %eq3A_920 = vector.broadcast %broadcast_in_dim3A_919 : vector<512x1xf32> to vector<512x64xf32>
      %eq3A_921 = arith.cmpf oeq, %select_n3A_916, %eq3A_920 : vector<512x64xf32>
      %jit3A_922 = arith.constant 64 : i32
      %broadcast_in_dim3A_923 = vector.broadcast %jit3A_922 : i32 to vector<512x64xi32>
      %select_n3A_924 = arith.select %eq3A_921, %iota3A_104, %broadcast_in_dim3A_923 : vector<512x64xi1>, vector<512x64xi32>
      %reduce_min3A_925 = arith.constant dense<2147483647> : vector<512xi32>
      %reduce_min3A_926 = vector.multi_reduction <minsi>, %select_n3A_924, %reduce_min3A_925 [1] : vector<512x64xi32> to vector<512xi32>
      %broadcast_in_dim3A_927 = vector.shape_cast %reduce_min3A_926 : vector<512xi32> to vector<512x1xi32>
      %eq3A_928 = vector.broadcast %broadcast_in_dim3A_927 : vector<512x1xi32> to vector<512x64xi32>
      %eq3A_929 = arith.cmpi eq, %iota3A_104, %eq3A_928 : vector<512x64xi32>
      %jit3A_930 = arith.constant 0.000000e+00 : f32
      %broadcast_in_dim3A_931 = vector.broadcast %jit3A_930 : f32 to vector<512x64xf32>
      %select_n3A_932 = arith.select %eq3A_929, %mul3A_779, %broadcast_in_dim3A_931 : vector<512x64xi1>, vector<512x64xf32>
      %reduce_sum3A_933 = arith.constant dense<0.000000e+00> : vector<512xf32>
      %reduce_sum3A_934 = vector.multi_reduction <add>, %select_n3A_932, %reduce_sum3A_933 [1] : vector<512x64xf32> to vector<512xf32>
      %broadcast_in_dim3A_935 = vector.shape_cast %reduce_sum3A_934 : vector<512xf32> to vector<512x1xf32>
      %jit3A_936 = arith.constant -3.000000e+38 : f32
      %broadcast_in_dim3A_937 = vector.broadcast %jit3A_936 : f32 to vector<512x64xf32>
      %select_n3A_938 = arith.select %eq3A_929, %broadcast_in_dim3A_937, %select_n3A_916 : vector<512x64xi1>, vector<512x64xf32>
      %reduce_max3A_939 = arith.constant dense<0xFF800000> : vector<512xf32>
      %reduce_max3A_940 = vector.multi_reduction <maximumf>, %select_n3A_938, %reduce_max3A_939 [1] : vector<512x64xf32> to vector<512xf32>
      %broadcast_in_dim3A_941 = vector.shape_cast %reduce_max3A_940 : vector<512xf32> to vector<512x1xf32>
      %eq3A_942 = vector.broadcast %broadcast_in_dim3A_941 : vector<512x1xf32> to vector<512x64xf32>
      %eq3A_943 = arith.cmpf oeq, %select_n3A_938, %eq3A_942 : vector<512x64xf32>
      %jit3A_944 = arith.constant 64 : i32
      %broadcast_in_dim3A_945 = vector.broadcast %jit3A_944 : i32 to vector<512x64xi32>
      %select_n3A_946 = arith.select %eq3A_943, %iota3A_104, %broadcast_in_dim3A_945 : vector<512x64xi1>, vector<512x64xi32>
      %reduce_min3A_947 = arith.constant dense<2147483647> : vector<512xi32>
      %reduce_min3A_948 = vector.multi_reduction <minsi>, %select_n3A_946, %reduce_min3A_947 [1] : vector<512x64xi32> to vector<512xi32>
      %broadcast_in_dim3A_949 = vector.shape_cast %reduce_min3A_948 : vector<512xi32> to vector<512x1xi32>
      %eq3A_950 = vector.broadcast %broadcast_in_dim3A_949 : vector<512x1xi32> to vector<512x64xi32>
      %eq3A_951 = arith.cmpi eq, %iota3A_104, %eq3A_950 : vector<512x64xi32>
      %jit3A_952 = arith.constant 0.000000e+00 : f32
      %broadcast_in_dim3A_953 = vector.broadcast %jit3A_952 : f32 to vector<512x64xf32>
      %select_n3A_954 = arith.select %eq3A_951, %mul3A_779, %broadcast_in_dim3A_953 : vector<512x64xi1>, vector<512x64xf32>
      %reduce_sum3A_955 = arith.constant dense<0.000000e+00> : vector<512xf32>
      %reduce_sum3A_956 = vector.multi_reduction <add>, %select_n3A_954, %reduce_sum3A_955 [1] : vector<512x64xf32> to vector<512xf32>
      %broadcast_in_dim3A_957 = vector.shape_cast %reduce_sum3A_956 : vector<512xf32> to vector<512x1xf32>
      %max3A_958 = arith.maximumf %broadcast_in_dim3A_803, %broadcast_in_dim3A_825 : vector<512x1xf32>
      %max3A_959 = arith.maximumf %max3A_958, %broadcast_in_dim3A_847 : vector<512x1xf32>
      %max3A_960 = arith.maximumf %max3A_959, %broadcast_in_dim3A_869 : vector<512x1xf32>
      %max3A_961 = arith.maximumf %max3A_960, %broadcast_in_dim3A_891 : vector<512x1xf32>
      %max3A_962 = arith.maximumf %max3A_961, %broadcast_in_dim3A_913 : vector<512x1xf32>
      %max3A_963 = arith.maximumf %max3A_962, %broadcast_in_dim3A_935 : vector<512x1xf32>
      %max3A_964 = arith.maximumf %max3A_963, %broadcast_in_dim3A_957 : vector<512x1xf32>
      %sub3A_965 = arith.subf %broadcast_in_dim3A_803, %max3A_964 : vector<512x1xf32>
      %exp3A_966 = math.exp %sub3A_965 : vector<512x1xf32>
      %sub3A_967 = arith.subf %broadcast_in_dim3A_825, %max3A_964 : vector<512x1xf32>
      %exp3A_968 = math.exp %sub3A_967 : vector<512x1xf32>
      %sub3A_969 = arith.subf %broadcast_in_dim3A_847, %max3A_964 : vector<512x1xf32>
      %exp3A_970 = math.exp %sub3A_969 : vector<512x1xf32>
      %sub3A_971 = arith.subf %broadcast_in_dim3A_869, %max3A_964 : vector<512x1xf32>
      %exp3A_972 = math.exp %sub3A_971 : vector<512x1xf32>
      %sub3A_973 = arith.subf %broadcast_in_dim3A_891, %max3A_964 : vector<512x1xf32>
      %exp3A_974 = math.exp %sub3A_973 : vector<512x1xf32>
      %sub3A_975 = arith.subf %broadcast_in_dim3A_913, %max3A_964 : vector<512x1xf32>
      %exp3A_976 = math.exp %sub3A_975 : vector<512x1xf32>
      %sub3A_977 = arith.subf %broadcast_in_dim3A_935, %max3A_964 : vector<512x1xf32>
      %exp3A_978 = math.exp %sub3A_977 : vector<512x1xf32>
      %sub3A_979 = arith.subf %broadcast_in_dim3A_957, %max3A_964 : vector<512x1xf32>
      %exp3A_980 = math.exp %sub3A_979 : vector<512x1xf32>
      %add3A_981 = arith.addf %exp3A_966, %exp3A_968 : vector<512x1xf32>
      %add3A_982 = arith.addf %add3A_981, %exp3A_970 : vector<512x1xf32>
      %add3A_983 = arith.addf %add3A_982, %exp3A_972 : vector<512x1xf32>
      %add3A_984 = arith.addf %add3A_983, %exp3A_974 : vector<512x1xf32>
      %add3A_985 = arith.addf %add3A_984, %exp3A_976 : vector<512x1xf32>
      %add3A_986 = arith.addf %add3A_985, %exp3A_978 : vector<512x1xf32>
      %add3A_987 = arith.addf %add3A_986, %exp3A_980 : vector<512x1xf32>
      %div3A_988 = arith.constant 1.000000e+00 : f32
      %div3A_989 = vector.broadcast %div3A_988 : f32 to vector<512x1xf32>
      %div3A_990 = arith.divf %div3A_989, %add3A_987 : vector<512x1xf32>
      %broadcast_in_dim3A_991 = arith.constant 0.000000e+00 : f32
      %broadcast_in_dim3A_992 = vector.broadcast %broadcast_in_dim3A_991 : f32 to vector<512x64xf32>
      %mul3A_993 = arith.mulf %exp3A_966, %div3A_990 : vector<512x1xf32>
      %jit3A_994 = arith.constant 0.000000e+00 : f32
      %broadcast_in_dim3A_995 = vector.shape_cast %mul3A_993 : vector<512x1xf32> to vector<512x1xf32>
      %broadcast_in_dim3A_996 = vector.broadcast %broadcast_in_dim3A_995 : vector<512x1xf32> to vector<512x64xf32>
      %broadcast_in_dim3A_997 = vector.broadcast %jit3A_994 : f32 to vector<512x64xf32>
      %select_n3A_998 = arith.select %eq3A_797, %broadcast_in_dim3A_996, %broadcast_in_dim3A_997 : vector<512x64xi1>, vector<512x64xf32>
      %add3A_999 = arith.addf %broadcast_in_dim3A_992, %select_n3A_998 : vector<512x64xf32>
      %mul3A_1000 = arith.mulf %exp3A_968, %div3A_990 : vector<512x1xf32>
      %jit3A_1001 = arith.constant 0.000000e+00 : f32
      %broadcast_in_dim3A_1002 = vector.shape_cast %mul3A_1000 : vector<512x1xf32> to vector<512x1xf32>
      %broadcast_in_dim3A_1003 = vector.broadcast %broadcast_in_dim3A_1002 : vector<512x1xf32> to vector<512x64xf32>
      %broadcast_in_dim3A_1004 = vector.broadcast %jit3A_1001 : f32 to vector<512x64xf32>
      %select_n3A_1005 = arith.select %eq3A_819, %broadcast_in_dim3A_1003, %broadcast_in_dim3A_1004 : vector<512x64xi1>, vector<512x64xf32>
      %add3A_1006 = arith.addf %add3A_999, %select_n3A_1005 : vector<512x64xf32>
      %mul3A_1007 = arith.mulf %exp3A_970, %div3A_990 : vector<512x1xf32>
      %jit3A_1008 = arith.constant 0.000000e+00 : f32
      %broadcast_in_dim3A_1009 = vector.shape_cast %mul3A_1007 : vector<512x1xf32> to vector<512x1xf32>
      %broadcast_in_dim3A_1010 = vector.broadcast %broadcast_in_dim3A_1009 : vector<512x1xf32> to vector<512x64xf32>
      %broadcast_in_dim3A_1011 = vector.broadcast %jit3A_1008 : f32 to vector<512x64xf32>
      %select_n3A_1012 = arith.select %eq3A_841, %broadcast_in_dim3A_1010, %broadcast_in_dim3A_1011 : vector<512x64xi1>, vector<512x64xf32>
      %add3A_1013 = arith.addf %add3A_1006, %select_n3A_1012 : vector<512x64xf32>
      %mul3A_1014 = arith.mulf %exp3A_972, %div3A_990 : vector<512x1xf32>
      %jit3A_1015 = arith.constant 0.000000e+00 : f32
      %broadcast_in_dim3A_1016 = vector.shape_cast %mul3A_1014 : vector<512x1xf32> to vector<512x1xf32>
      %broadcast_in_dim3A_1017 = vector.broadcast %broadcast_in_dim3A_1016 : vector<512x1xf32> to vector<512x64xf32>
      %broadcast_in_dim3A_1018 = vector.broadcast %jit3A_1015 : f32 to vector<512x64xf32>
      %select_n3A_1019 = arith.select %eq3A_863, %broadcast_in_dim3A_1017, %broadcast_in_dim3A_1018 : vector<512x64xi1>, vector<512x64xf32>
      %add3A_1020 = arith.addf %add3A_1013, %select_n3A_1019 : vector<512x64xf32>
      %mul3A_1021 = arith.mulf %exp3A_974, %div3A_990 : vector<512x1xf32>
      %jit3A_1022 = arith.constant 0.000000e+00 : f32
      %broadcast_in_dim3A_1023 = vector.shape_cast %mul3A_1021 : vector<512x1xf32> to vector<512x1xf32>
      %broadcast_in_dim3A_1024 = vector.broadcast %broadcast_in_dim3A_1023 : vector<512x1xf32> to vector<512x64xf32>
      %broadcast_in_dim3A_1025 = vector.broadcast %jit3A_1022 : f32 to vector<512x64xf32>
      %select_n3A_1026 = arith.select %eq3A_885, %broadcast_in_dim3A_1024, %broadcast_in_dim3A_1025 : vector<512x64xi1>, vector<512x64xf32>
      %add3A_1027 = arith.addf %add3A_1020, %select_n3A_1026 : vector<512x64xf32>
      %mul3A_1028 = arith.mulf %exp3A_976, %div3A_990 : vector<512x1xf32>
      %jit3A_1029 = arith.constant 0.000000e+00 : f32
      %broadcast_in_dim3A_1030 = vector.shape_cast %mul3A_1028 : vector<512x1xf32> to vector<512x1xf32>
      %broadcast_in_dim3A_1031 = vector.broadcast %broadcast_in_dim3A_1030 : vector<512x1xf32> to vector<512x64xf32>
      %broadcast_in_dim3A_1032 = vector.broadcast %jit3A_1029 : f32 to vector<512x64xf32>
      %select_n3A_1033 = arith.select %eq3A_907, %broadcast_in_dim3A_1031, %broadcast_in_dim3A_1032 : vector<512x64xi1>, vector<512x64xf32>
      %add3A_1034 = arith.addf %add3A_1027, %select_n3A_1033 : vector<512x64xf32>
      %mul3A_1035 = arith.mulf %exp3A_978, %div3A_990 : vector<512x1xf32>
      %jit3A_1036 = arith.constant 0.000000e+00 : f32
      %broadcast_in_dim3A_1037 = vector.shape_cast %mul3A_1035 : vector<512x1xf32> to vector<512x1xf32>
      %broadcast_in_dim3A_1038 = vector.broadcast %broadcast_in_dim3A_1037 : vector<512x1xf32> to vector<512x64xf32>
      %broadcast_in_dim3A_1039 = vector.broadcast %jit3A_1036 : f32 to vector<512x64xf32>
      %select_n3A_1040 = arith.select %eq3A_929, %broadcast_in_dim3A_1038, %broadcast_in_dim3A_1039 : vector<512x64xi1>, vector<512x64xf32>
      %add3A_1041 = arith.addf %add3A_1034, %select_n3A_1040 : vector<512x64xf32>
      %mul3A_1042 = arith.mulf %exp3A_980, %div3A_990 : vector<512x1xf32>
      %jit3A_1043 = arith.constant 0.000000e+00 : f32
      %broadcast_in_dim3A_1044 = vector.shape_cast %mul3A_1042 : vector<512x1xf32> to vector<512x1xf32>
      %broadcast_in_dim3A_1045 = vector.broadcast %broadcast_in_dim3A_1044 : vector<512x1xf32> to vector<512x64xf32>
      %broadcast_in_dim3A_1046 = vector.broadcast %jit3A_1043 : f32 to vector<512x64xf32>
      %select_n3A_1047 = arith.select %eq3A_951, %broadcast_in_dim3A_1045, %broadcast_in_dim3A_1046 : vector<512x64xi1>, vector<512x64xf32>
      %add3A_1048 = arith.addf %add3A_1041, %select_n3A_1047 : vector<512x64xf32>
      %get3A_1049 = arith.constant 2 : index
      %get3A_1050 = arith.constant 0 : index
      %get3A_1051 = arith.constant 0 : index
      %get3A_1052 = vector.load %arg12[%get3A_1049, %get3A_1050, %get3A_1051] : memref<4x64x32xf32, #tpu.memory_space<vmem>>, vector<1x64x32xf32>
      %get3A_1053 = vector.shape_cast %get3A_1052 : vector<1x64x32xf32> to vector<64x32xf32>
      %dot_general3A_1054 = arith.constant dense<0.000000e+00> : vector<512x32xf32>
      %dot_general3A_1055 = tpu.matmul %add3A_1048, %get3A_1053, %dot_general3A_1054 {dimension_numbers = #tpu.dot_dimension_numbers<[1], [0], [0], [1], [0, 0, 1, 1], [], []>, precision = #tpu.contract_precision<fp32>, transpose_lhs_hint = false} : vector<512x64xf32>, vector<64x32xf32>, vector<512x32xf32> -> vector<512x32xf32>
      %eq3A_1056 = arith.constant 16 : i32
      %eq3A_1057 = vector.broadcast %eq3A_1056 : i32 to vector<512x32xi32>
      %eq3A_1058 = arith.cmpi eq, %iota3A_105, %eq3A_1057 : vector<512x32xi32>
      %broadcast_in_dim3A_1059 = vector.shape_cast %broadcast_in_dim3A_795 : vector<512x1xi32> to vector<512x1xi32>
      %broadcast_in_dim3A_1060 = vector.broadcast %broadcast_in_dim3A_1059 : vector<512x1xi32> to vector<512x32xi32>
      %select_n3A_1061 = arith.select %eq3A_1058, %broadcast_in_dim3A_1060, %select_n3A_768 : vector<512x32xi1>, vector<512x32xi32>
      %eq3A_1062 = arith.constant 17 : i32
      %eq3A_1063 = vector.broadcast %eq3A_1062 : i32 to vector<512x32xi32>
      %eq3A_1064 = arith.cmpi eq, %iota3A_105, %eq3A_1063 : vector<512x32xi32>
      %broadcast_in_dim3A_1065 = vector.shape_cast %broadcast_in_dim3A_817 : vector<512x1xi32> to vector<512x1xi32>
      %broadcast_in_dim3A_1066 = vector.broadcast %broadcast_in_dim3A_1065 : vector<512x1xi32> to vector<512x32xi32>
      %select_n3A_1067 = arith.select %eq3A_1064, %broadcast_in_dim3A_1066, %select_n3A_1061 : vector<512x32xi1>, vector<512x32xi32>
      %eq3A_1068 = arith.constant 18 : i32
      %eq3A_1069 = vector.broadcast %eq3A_1068 : i32 to vector<512x32xi32>
      %eq3A_1070 = arith.cmpi eq, %iota3A_105, %eq3A_1069 : vector<512x32xi32>
      %broadcast_in_dim3A_1071 = vector.shape_cast %broadcast_in_dim3A_839 : vector<512x1xi32> to vector<512x1xi32>
      %broadcast_in_dim3A_1072 = vector.broadcast %broadcast_in_dim3A_1071 : vector<512x1xi32> to vector<512x32xi32>
      %select_n3A_1073 = arith.select %eq3A_1070, %broadcast_in_dim3A_1072, %select_n3A_1067 : vector<512x32xi1>, vector<512x32xi32>
      %eq3A_1074 = arith.constant 19 : i32
      %eq3A_1075 = vector.broadcast %eq3A_1074 : i32 to vector<512x32xi32>
      %eq3A_1076 = arith.cmpi eq, %iota3A_105, %eq3A_1075 : vector<512x32xi32>
      %broadcast_in_dim3A_1077 = vector.shape_cast %broadcast_in_dim3A_861 : vector<512x1xi32> to vector<512x1xi32>
      %broadcast_in_dim3A_1078 = vector.broadcast %broadcast_in_dim3A_1077 : vector<512x1xi32> to vector<512x32xi32>
      %select_n3A_1079 = arith.select %eq3A_1076, %broadcast_in_dim3A_1078, %select_n3A_1073 : vector<512x32xi1>, vector<512x32xi32>
      %eq3A_1080 = arith.constant 20 : i32
      %eq3A_1081 = vector.broadcast %eq3A_1080 : i32 to vector<512x32xi32>
      %eq3A_1082 = arith.cmpi eq, %iota3A_105, %eq3A_1081 : vector<512x32xi32>
      %broadcast_in_dim3A_1083 = vector.shape_cast %broadcast_in_dim3A_883 : vector<512x1xi32> to vector<512x1xi32>
      %broadcast_in_dim3A_1084 = vector.broadcast %broadcast_in_dim3A_1083 : vector<512x1xi32> to vector<512x32xi32>
      %select_n3A_1085 = arith.select %eq3A_1082, %broadcast_in_dim3A_1084, %select_n3A_1079 : vector<512x32xi1>, vector<512x32xi32>
      %eq3A_1086 = arith.constant 21 : i32
      %eq3A_1087 = vector.broadcast %eq3A_1086 : i32 to vector<512x32xi32>
      %eq3A_1088 = arith.cmpi eq, %iota3A_105, %eq3A_1087 : vector<512x32xi32>
      %broadcast_in_dim3A_1089 = vector.shape_cast %broadcast_in_dim3A_905 : vector<512x1xi32> to vector<512x1xi32>
      %broadcast_in_dim3A_1090 = vector.broadcast %broadcast_in_dim3A_1089 : vector<512x1xi32> to vector<512x32xi32>
      %select_n3A_1091 = arith.select %eq3A_1088, %broadcast_in_dim3A_1090, %select_n3A_1085 : vector<512x32xi1>, vector<512x32xi32>
      %eq3A_1092 = arith.constant 22 : i32
      %eq3A_1093 = vector.broadcast %eq3A_1092 : i32 to vector<512x32xi32>
      %eq3A_1094 = arith.cmpi eq, %iota3A_105, %eq3A_1093 : vector<512x32xi32>
      %broadcast_in_dim3A_1095 = vector.shape_cast %broadcast_in_dim3A_927 : vector<512x1xi32> to vector<512x1xi32>
      %broadcast_in_dim3A_1096 = vector.broadcast %broadcast_in_dim3A_1095 : vector<512x1xi32> to vector<512x32xi32>
      %select_n3A_1097 = arith.select %eq3A_1094, %broadcast_in_dim3A_1096, %select_n3A_1091 : vector<512x32xi1>, vector<512x32xi32>
      %eq3A_1098 = arith.constant 23 : i32
      %eq3A_1099 = vector.broadcast %eq3A_1098 : i32 to vector<512x32xi32>
      %eq3A_1100 = arith.cmpi eq, %iota3A_105, %eq3A_1099 : vector<512x32xi32>
      %broadcast_in_dim3A_1101 = vector.shape_cast %broadcast_in_dim3A_949 : vector<512x1xi32> to vector<512x1xi32>
      %broadcast_in_dim3A_1102 = vector.broadcast %broadcast_in_dim3A_1101 : vector<512x1xi32> to vector<512x32xi32>
      %select_n3A_1103 = arith.select %eq3A_1100, %broadcast_in_dim3A_1102, %select_n3A_1097 : vector<512x32xi1>, vector<512x32xi32>
      %slice3A_1104 = vector.extract_strided_slice %add3A_103 {offsets = [0, 96], sizes = [512, 32], strides = [1, 1]} : vector<512x128xf32> to vector<512x32xf32>
      %get3A_1105 = arith.constant 3 : index
      %get3A_1106 = arith.constant 0 : index
      %get3A_1107 = arith.constant 0 : index
      %get3A_1108 = vector.load %arg11[%get3A_1105, %get3A_1106, %get3A_1107] : memref<4x32x64xf32, #tpu.memory_space<vmem>>, vector<1x32x64xf32>
      %get3A_1109 = vector.shape_cast %get3A_1108 : vector<1x32x64xf32> to vector<32x64xf32>
      %dot_general3A_1110 = arith.constant dense<0.000000e+00> : vector<512x64xf32>
      %dot_general3A_1111 = tpu.matmul %slice3A_1104, %get3A_1109, %dot_general3A_1110 {dimension_numbers = #tpu.dot_dimension_numbers<[1], [0], [0], [1], [0, 0, 1, 1], [], []>, transpose_lhs_hint = false} : vector<512x32xf32>, vector<32x64xf32>, vector<512x64xf32> -> vector<512x64xf32>
      %mul3A_1112 = arith.constant 0.176776692 : f32
      %mul3A_1113 = vector.broadcast %mul3A_1112 : f32 to vector<512x64xf32>
      %mul3A_1114 = arith.mulf %dot_general3A_1111, %mul3A_1113 : vector<512x64xf32>
      %get3A_1115 = arith.constant 0 : index
      %get3A_1116 = arith.constant 0 : index
      %get3A_1117 = vector.load %arg13[%get3A_1115, %get3A_1116] : memref<1x64xf32, #tpu.memory_space<vmem>>, vector<1x64xf32>
      %add3A_1118 = vector.broadcast %get3A_1117 : vector<1x64xf32> to vector<512x64xf32>
      %add3A_1119 = arith.addf %mul3A_1114, %add3A_1118 : vector<512x64xf32>
      %reduce_max3A_1120 = arith.constant dense<0xFF800000> : vector<512xf32>
      %reduce_max3A_1121 = vector.multi_reduction <maximumf>, %add3A_1119, %reduce_max3A_1120 [1] : vector<512x64xf32> to vector<512xf32>
      %broadcast_in_dim3A_1122 = vector.shape_cast %reduce_max3A_1121 : vector<512xf32> to vector<512x1xf32>
      %eq3A_1123 = vector.broadcast %broadcast_in_dim3A_1122 : vector<512x1xf32> to vector<512x64xf32>
      %eq3A_1124 = arith.cmpf oeq, %add3A_1119, %eq3A_1123 : vector<512x64xf32>
      %jit3A_1125 = arith.constant 64 : i32
      %broadcast_in_dim3A_1126 = vector.broadcast %jit3A_1125 : i32 to vector<512x64xi32>
      %select_n3A_1127 = arith.select %eq3A_1124, %iota3A_104, %broadcast_in_dim3A_1126 : vector<512x64xi1>, vector<512x64xi32>
      %reduce_min3A_1128 = arith.constant dense<2147483647> : vector<512xi32>
      %reduce_min3A_1129 = vector.multi_reduction <minsi>, %select_n3A_1127, %reduce_min3A_1128 [1] : vector<512x64xi32> to vector<512xi32>
      %broadcast_in_dim3A_1130 = vector.shape_cast %reduce_min3A_1129 : vector<512xi32> to vector<512x1xi32>
      %eq3A_1131 = vector.broadcast %broadcast_in_dim3A_1130 : vector<512x1xi32> to vector<512x64xi32>
      %eq3A_1132 = arith.cmpi eq, %iota3A_104, %eq3A_1131 : vector<512x64xi32>
      %jit3A_1133 = arith.constant 0.000000e+00 : f32
      %broadcast_in_dim3A_1134 = vector.broadcast %jit3A_1133 : f32 to vector<512x64xf32>
      %select_n3A_1135 = arith.select %eq3A_1132, %mul3A_1114, %broadcast_in_dim3A_1134 : vector<512x64xi1>, vector<512x64xf32>
      %reduce_sum3A_1136 = arith.constant dense<0.000000e+00> : vector<512xf32>
      %reduce_sum3A_1137 = vector.multi_reduction <add>, %select_n3A_1135, %reduce_sum3A_1136 [1] : vector<512x64xf32> to vector<512xf32>
      %broadcast_in_dim3A_1138 = vector.shape_cast %reduce_sum3A_1137 : vector<512xf32> to vector<512x1xf32>
      %jit3A_1139 = arith.constant -3.000000e+38 : f32
      %broadcast_in_dim3A_1140 = vector.broadcast %jit3A_1139 : f32 to vector<512x64xf32>
      %select_n3A_1141 = arith.select %eq3A_1132, %broadcast_in_dim3A_1140, %add3A_1119 : vector<512x64xi1>, vector<512x64xf32>
      %reduce_max3A_1142 = arith.constant dense<0xFF800000> : vector<512xf32>
      %reduce_max3A_1143 = vector.multi_reduction <maximumf>, %select_n3A_1141, %reduce_max3A_1142 [1] : vector<512x64xf32> to vector<512xf32>
      %broadcast_in_dim3A_1144 = vector.shape_cast %reduce_max3A_1143 : vector<512xf32> to vector<512x1xf32>
      %eq3A_1145 = vector.broadcast %broadcast_in_dim3A_1144 : vector<512x1xf32> to vector<512x64xf32>
      %eq3A_1146 = arith.cmpf oeq, %select_n3A_1141, %eq3A_1145 : vector<512x64xf32>
      %jit3A_1147 = arith.constant 64 : i32
      %broadcast_in_dim3A_1148 = vector.broadcast %jit3A_1147 : i32 to vector<512x64xi32>
      %select_n3A_1149 = arith.select %eq3A_1146, %iota3A_104, %broadcast_in_dim3A_1148 : vector<512x64xi1>, vector<512x64xi32>
      %reduce_min3A_1150 = arith.constant dense<2147483647> : vector<512xi32>
      %reduce_min3A_1151 = vector.multi_reduction <minsi>, %select_n3A_1149, %reduce_min3A_1150 [1] : vector<512x64xi32> to vector<512xi32>
      %broadcast_in_dim3A_1152 = vector.shape_cast %reduce_min3A_1151 : vector<512xi32> to vector<512x1xi32>
      %eq3A_1153 = vector.broadcast %broadcast_in_dim3A_1152 : vector<512x1xi32> to vector<512x64xi32>
      %eq3A_1154 = arith.cmpi eq, %iota3A_104, %eq3A_1153 : vector<512x64xi32>
      %jit3A_1155 = arith.constant 0.000000e+00 : f32
      %broadcast_in_dim3A_1156 = vector.broadcast %jit3A_1155 : f32 to vector<512x64xf32>
      %select_n3A_1157 = arith.select %eq3A_1154, %mul3A_1114, %broadcast_in_dim3A_1156 : vector<512x64xi1>, vector<512x64xf32>
      %reduce_sum3A_1158 = arith.constant dense<0.000000e+00> : vector<512xf32>
      %reduce_sum3A_1159 = vector.multi_reduction <add>, %select_n3A_1157, %reduce_sum3A_1158 [1] : vector<512x64xf32> to vector<512xf32>
      %broadcast_in_dim3A_1160 = vector.shape_cast %reduce_sum3A_1159 : vector<512xf32> to vector<512x1xf32>
      %jit3A_1161 = arith.constant -3.000000e+38 : f32
      %broadcast_in_dim3A_1162 = vector.broadcast %jit3A_1161 : f32 to vector<512x64xf32>
      %select_n3A_1163 = arith.select %eq3A_1154, %broadcast_in_dim3A_1162, %select_n3A_1141 : vector<512x64xi1>, vector<512x64xf32>
      %reduce_max3A_1164 = arith.constant dense<0xFF800000> : vector<512xf32>
      %reduce_max3A_1165 = vector.multi_reduction <maximumf>, %select_n3A_1163, %reduce_max3A_1164 [1] : vector<512x64xf32> to vector<512xf32>
      %broadcast_in_dim3A_1166 = vector.shape_cast %reduce_max3A_1165 : vector<512xf32> to vector<512x1xf32>
      %eq3A_1167 = vector.broadcast %broadcast_in_dim3A_1166 : vector<512x1xf32> to vector<512x64xf32>
      %eq3A_1168 = arith.cmpf oeq, %select_n3A_1163, %eq3A_1167 : vector<512x64xf32>
      %jit3A_1169 = arith.constant 64 : i32
      %broadcast_in_dim3A_1170 = vector.broadcast %jit3A_1169 : i32 to vector<512x64xi32>
      %select_n3A_1171 = arith.select %eq3A_1168, %iota3A_104, %broadcast_in_dim3A_1170 : vector<512x64xi1>, vector<512x64xi32>
      %reduce_min3A_1172 = arith.constant dense<2147483647> : vector<512xi32>
      %reduce_min3A_1173 = vector.multi_reduction <minsi>, %select_n3A_1171, %reduce_min3A_1172 [1] : vector<512x64xi32> to vector<512xi32>
      %broadcast_in_dim3A_1174 = vector.shape_cast %reduce_min3A_1173 : vector<512xi32> to vector<512x1xi32>
      %eq3A_1175 = vector.broadcast %broadcast_in_dim3A_1174 : vector<512x1xi32> to vector<512x64xi32>
      %eq3A_1176 = arith.cmpi eq, %iota3A_104, %eq3A_1175 : vector<512x64xi32>
      %jit3A_1177 = arith.constant 0.000000e+00 : f32
      %broadcast_in_dim3A_1178 = vector.broadcast %jit3A_1177 : f32 to vector<512x64xf32>
      %select_n3A_1179 = arith.select %eq3A_1176, %mul3A_1114, %broadcast_in_dim3A_1178 : vector<512x64xi1>, vector<512x64xf32>
      %reduce_sum3A_1180 = arith.constant dense<0.000000e+00> : vector<512xf32>
      %reduce_sum3A_1181 = vector.multi_reduction <add>, %select_n3A_1179, %reduce_sum3A_1180 [1] : vector<512x64xf32> to vector<512xf32>
      %broadcast_in_dim3A_1182 = vector.shape_cast %reduce_sum3A_1181 : vector<512xf32> to vector<512x1xf32>
      %jit3A_1183 = arith.constant -3.000000e+38 : f32
      %broadcast_in_dim3A_1184 = vector.broadcast %jit3A_1183 : f32 to vector<512x64xf32>
      %select_n3A_1185 = arith.select %eq3A_1176, %broadcast_in_dim3A_1184, %select_n3A_1163 : vector<512x64xi1>, vector<512x64xf32>
      %reduce_max3A_1186 = arith.constant dense<0xFF800000> : vector<512xf32>
      %reduce_max3A_1187 = vector.multi_reduction <maximumf>, %select_n3A_1185, %reduce_max3A_1186 [1] : vector<512x64xf32> to vector<512xf32>
      %broadcast_in_dim3A_1188 = vector.shape_cast %reduce_max3A_1187 : vector<512xf32> to vector<512x1xf32>
      %eq3A_1189 = vector.broadcast %broadcast_in_dim3A_1188 : vector<512x1xf32> to vector<512x64xf32>
      %eq3A_1190 = arith.cmpf oeq, %select_n3A_1185, %eq3A_1189 : vector<512x64xf32>
      %jit3A_1191 = arith.constant 64 : i32
      %broadcast_in_dim3A_1192 = vector.broadcast %jit3A_1191 : i32 to vector<512x64xi32>
      %select_n3A_1193 = arith.select %eq3A_1190, %iota3A_104, %broadcast_in_dim3A_1192 : vector<512x64xi1>, vector<512x64xi32>
      %reduce_min3A_1194 = arith.constant dense<2147483647> : vector<512xi32>
      %reduce_min3A_1195 = vector.multi_reduction <minsi>, %select_n3A_1193, %reduce_min3A_1194 [1] : vector<512x64xi32> to vector<512xi32>
      %broadcast_in_dim3A_1196 = vector.shape_cast %reduce_min3A_1195 : vector<512xi32> to vector<512x1xi32>
      %eq3A_1197 = vector.broadcast %broadcast_in_dim3A_1196 : vector<512x1xi32> to vector<512x64xi32>
      %eq3A_1198 = arith.cmpi eq, %iota3A_104, %eq3A_1197 : vector<512x64xi32>
      %jit3A_1199 = arith.constant 0.000000e+00 : f32
      %broadcast_in_dim3A_1200 = vector.broadcast %jit3A_1199 : f32 to vector<512x64xf32>
      %select_n3A_1201 = arith.select %eq3A_1198, %mul3A_1114, %broadcast_in_dim3A_1200 : vector<512x64xi1>, vector<512x64xf32>
      %reduce_sum3A_1202 = arith.constant dense<0.000000e+00> : vector<512xf32>
      %reduce_sum3A_1203 = vector.multi_reduction <add>, %select_n3A_1201, %reduce_sum3A_1202 [1] : vector<512x64xf32> to vector<512xf32>
      %broadcast_in_dim3A_1204 = vector.shape_cast %reduce_sum3A_1203 : vector<512xf32> to vector<512x1xf32>
      %jit3A_1205 = arith.constant -3.000000e+38 : f32
      %broadcast_in_dim3A_1206 = vector.broadcast %jit3A_1205 : f32 to vector<512x64xf32>
      %select_n3A_1207 = arith.select %eq3A_1198, %broadcast_in_dim3A_1206, %select_n3A_1185 : vector<512x64xi1>, vector<512x64xf32>
      %reduce_max3A_1208 = arith.constant dense<0xFF800000> : vector<512xf32>
      %reduce_max3A_1209 = vector.multi_reduction <maximumf>, %select_n3A_1207, %reduce_max3A_1208 [1] : vector<512x64xf32> to vector<512xf32>
      %broadcast_in_dim3A_1210 = vector.shape_cast %reduce_max3A_1209 : vector<512xf32> to vector<512x1xf32>
      %eq3A_1211 = vector.broadcast %broadcast_in_dim3A_1210 : vector<512x1xf32> to vector<512x64xf32>
      %eq3A_1212 = arith.cmpf oeq, %select_n3A_1207, %eq3A_1211 : vector<512x64xf32>
      %jit3A_1213 = arith.constant 64 : i32
      %broadcast_in_dim3A_1214 = vector.broadcast %jit3A_1213 : i32 to vector<512x64xi32>
      %select_n3A_1215 = arith.select %eq3A_1212, %iota3A_104, %broadcast_in_dim3A_1214 : vector<512x64xi1>, vector<512x64xi32>
      %reduce_min3A_1216 = arith.constant dense<2147483647> : vector<512xi32>
      %reduce_min3A_1217 = vector.multi_reduction <minsi>, %select_n3A_1215, %reduce_min3A_1216 [1] : vector<512x64xi32> to vector<512xi32>
      %broadcast_in_dim3A_1218 = vector.shape_cast %reduce_min3A_1217 : vector<512xi32> to vector<512x1xi32>
      %eq3A_1219 = vector.broadcast %broadcast_in_dim3A_1218 : vector<512x1xi32> to vector<512x64xi32>
      %eq3A_1220 = arith.cmpi eq, %iota3A_104, %eq3A_1219 : vector<512x64xi32>
      %jit3A_1221 = arith.constant 0.000000e+00 : f32
      %broadcast_in_dim3A_1222 = vector.broadcast %jit3A_1221 : f32 to vector<512x64xf32>
      %select_n3A_1223 = arith.select %eq3A_1220, %mul3A_1114, %broadcast_in_dim3A_1222 : vector<512x64xi1>, vector<512x64xf32>
      %reduce_sum3A_1224 = arith.constant dense<0.000000e+00> : vector<512xf32>
      %reduce_sum3A_1225 = vector.multi_reduction <add>, %select_n3A_1223, %reduce_sum3A_1224 [1] : vector<512x64xf32> to vector<512xf32>
      %broadcast_in_dim3A_1226 = vector.shape_cast %reduce_sum3A_1225 : vector<512xf32> to vector<512x1xf32>
      %jit3A_1227 = arith.constant -3.000000e+38 : f32
      %broadcast_in_dim3A_1228 = vector.broadcast %jit3A_1227 : f32 to vector<512x64xf32>
      %select_n3A_1229 = arith.select %eq3A_1220, %broadcast_in_dim3A_1228, %select_n3A_1207 : vector<512x64xi1>, vector<512x64xf32>
      %reduce_max3A_1230 = arith.constant dense<0xFF800000> : vector<512xf32>
      %reduce_max3A_1231 = vector.multi_reduction <maximumf>, %select_n3A_1229, %reduce_max3A_1230 [1] : vector<512x64xf32> to vector<512xf32>
      %broadcast_in_dim3A_1232 = vector.shape_cast %reduce_max3A_1231 : vector<512xf32> to vector<512x1xf32>
      %eq3A_1233 = vector.broadcast %broadcast_in_dim3A_1232 : vector<512x1xf32> to vector<512x64xf32>
      %eq3A_1234 = arith.cmpf oeq, %select_n3A_1229, %eq3A_1233 : vector<512x64xf32>
      %jit3A_1235 = arith.constant 64 : i32
      %broadcast_in_dim3A_1236 = vector.broadcast %jit3A_1235 : i32 to vector<512x64xi32>
      %select_n3A_1237 = arith.select %eq3A_1234, %iota3A_104, %broadcast_in_dim3A_1236 : vector<512x64xi1>, vector<512x64xi32>
      %reduce_min3A_1238 = arith.constant dense<2147483647> : vector<512xi32>
      %reduce_min3A_1239 = vector.multi_reduction <minsi>, %select_n3A_1237, %reduce_min3A_1238 [1] : vector<512x64xi32> to vector<512xi32>
      %broadcast_in_dim3A_1240 = vector.shape_cast %reduce_min3A_1239 : vector<512xi32> to vector<512x1xi32>
      %eq3A_1241 = vector.broadcast %broadcast_in_dim3A_1240 : vector<512x1xi32> to vector<512x64xi32>
      %eq3A_1242 = arith.cmpi eq, %iota3A_104, %eq3A_1241 : vector<512x64xi32>
      %jit3A_1243 = arith.constant 0.000000e+00 : f32
      %broadcast_in_dim3A_1244 = vector.broadcast %jit3A_1243 : f32 to vector<512x64xf32>
      %select_n3A_1245 = arith.select %eq3A_1242, %mul3A_1114, %broadcast_in_dim3A_1244 : vector<512x64xi1>, vector<512x64xf32>
      %reduce_sum3A_1246 = arith.constant dense<0.000000e+00> : vector<512xf32>
      %reduce_sum3A_1247 = vector.multi_reduction <add>, %select_n3A_1245, %reduce_sum3A_1246 [1] : vector<512x64xf32> to vector<512xf32>
      %broadcast_in_dim3A_1248 = vector.shape_cast %reduce_sum3A_1247 : vector<512xf32> to vector<512x1xf32>
      %jit3A_1249 = arith.constant -3.000000e+38 : f32
      %broadcast_in_dim3A_1250 = vector.broadcast %jit3A_1249 : f32 to vector<512x64xf32>
      %select_n3A_1251 = arith.select %eq3A_1242, %broadcast_in_dim3A_1250, %select_n3A_1229 : vector<512x64xi1>, vector<512x64xf32>
      %reduce_max3A_1252 = arith.constant dense<0xFF800000> : vector<512xf32>
      %reduce_max3A_1253 = vector.multi_reduction <maximumf>, %select_n3A_1251, %reduce_max3A_1252 [1] : vector<512x64xf32> to vector<512xf32>
      %broadcast_in_dim3A_1254 = vector.shape_cast %reduce_max3A_1253 : vector<512xf32> to vector<512x1xf32>
      %eq3A_1255 = vector.broadcast %broadcast_in_dim3A_1254 : vector<512x1xf32> to vector<512x64xf32>
      %eq3A_1256 = arith.cmpf oeq, %select_n3A_1251, %eq3A_1255 : vector<512x64xf32>
      %jit3A_1257 = arith.constant 64 : i32
      %broadcast_in_dim3A_1258 = vector.broadcast %jit3A_1257 : i32 to vector<512x64xi32>
      %select_n3A_1259 = arith.select %eq3A_1256, %iota3A_104, %broadcast_in_dim3A_1258 : vector<512x64xi1>, vector<512x64xi32>
      %reduce_min3A_1260 = arith.constant dense<2147483647> : vector<512xi32>
      %reduce_min3A_1261 = vector.multi_reduction <minsi>, %select_n3A_1259, %reduce_min3A_1260 [1] : vector<512x64xi32> to vector<512xi32>
      %broadcast_in_dim3A_1262 = vector.shape_cast %reduce_min3A_1261 : vector<512xi32> to vector<512x1xi32>
      %eq3A_1263 = vector.broadcast %broadcast_in_dim3A_1262 : vector<512x1xi32> to vector<512x64xi32>
      %eq3A_1264 = arith.cmpi eq, %iota3A_104, %eq3A_1263 : vector<512x64xi32>
      %jit3A_1265 = arith.constant 0.000000e+00 : f32
      %broadcast_in_dim3A_1266 = vector.broadcast %jit3A_1265 : f32 to vector<512x64xf32>
      %select_n3A_1267 = arith.select %eq3A_1264, %mul3A_1114, %broadcast_in_dim3A_1266 : vector<512x64xi1>, vector<512x64xf32>
      %reduce_sum3A_1268 = arith.constant dense<0.000000e+00> : vector<512xf32>
      %reduce_sum3A_1269 = vector.multi_reduction <add>, %select_n3A_1267, %reduce_sum3A_1268 [1] : vector<512x64xf32> to vector<512xf32>
      %broadcast_in_dim3A_1270 = vector.shape_cast %reduce_sum3A_1269 : vector<512xf32> to vector<512x1xf32>
      %jit3A_1271 = arith.constant -3.000000e+38 : f32
      %broadcast_in_dim3A_1272 = vector.broadcast %jit3A_1271 : f32 to vector<512x64xf32>
      %select_n3A_1273 = arith.select %eq3A_1264, %broadcast_in_dim3A_1272, %select_n3A_1251 : vector<512x64xi1>, vector<512x64xf32>
      %reduce_max3A_1274 = arith.constant dense<0xFF800000> : vector<512xf32>
      %reduce_max3A_1275 = vector.multi_reduction <maximumf>, %select_n3A_1273, %reduce_max3A_1274 [1] : vector<512x64xf32> to vector<512xf32>
      %broadcast_in_dim3A_1276 = vector.shape_cast %reduce_max3A_1275 : vector<512xf32> to vector<512x1xf32>
      %eq3A_1277 = vector.broadcast %broadcast_in_dim3A_1276 : vector<512x1xf32> to vector<512x64xf32>
      %eq3A_1278 = arith.cmpf oeq, %select_n3A_1273, %eq3A_1277 : vector<512x64xf32>
      %jit3A_1279 = arith.constant 64 : i32
      %broadcast_in_dim3A_1280 = vector.broadcast %jit3A_1279 : i32 to vector<512x64xi32>
      %select_n3A_1281 = arith.select %eq3A_1278, %iota3A_104, %broadcast_in_dim3A_1280 : vector<512x64xi1>, vector<512x64xi32>
      %reduce_min3A_1282 = arith.constant dense<2147483647> : vector<512xi32>
      %reduce_min3A_1283 = vector.multi_reduction <minsi>, %select_n3A_1281, %reduce_min3A_1282 [1] : vector<512x64xi32> to vector<512xi32>
      %broadcast_in_dim3A_1284 = vector.shape_cast %reduce_min3A_1283 : vector<512xi32> to vector<512x1xi32>
      %eq3A_1285 = vector.broadcast %broadcast_in_dim3A_1284 : vector<512x1xi32> to vector<512x64xi32>
      %eq3A_1286 = arith.cmpi eq, %iota3A_104, %eq3A_1285 : vector<512x64xi32>
      %jit3A_1287 = arith.constant 0.000000e+00 : f32
      %broadcast_in_dim3A_1288 = vector.broadcast %jit3A_1287 : f32 to vector<512x64xf32>
      %select_n3A_1289 = arith.select %eq3A_1286, %mul3A_1114, %broadcast_in_dim3A_1288 : vector<512x64xi1>, vector<512x64xf32>
      %reduce_sum3A_1290 = arith.constant dense<0.000000e+00> : vector<512xf32>
      %reduce_sum3A_1291 = vector.multi_reduction <add>, %select_n3A_1289, %reduce_sum3A_1290 [1] : vector<512x64xf32> to vector<512xf32>
      %broadcast_in_dim3A_1292 = vector.shape_cast %reduce_sum3A_1291 : vector<512xf32> to vector<512x1xf32>
      %max3A_1293 = arith.maximumf %broadcast_in_dim3A_1138, %broadcast_in_dim3A_1160 : vector<512x1xf32>
      %max3A_1294 = arith.maximumf %max3A_1293, %broadcast_in_dim3A_1182 : vector<512x1xf32>
      %max3A_1295 = arith.maximumf %max3A_1294, %broadcast_in_dim3A_1204 : vector<512x1xf32>
      %max3A_1296 = arith.maximumf %max3A_1295, %broadcast_in_dim3A_1226 : vector<512x1xf32>
      %max3A_1297 = arith.maximumf %max3A_1296, %broadcast_in_dim3A_1248 : vector<512x1xf32>
      %max3A_1298 = arith.maximumf %max3A_1297, %broadcast_in_dim3A_1270 : vector<512x1xf32>
      %max3A_1299 = arith.maximumf %max3A_1298, %broadcast_in_dim3A_1292 : vector<512x1xf32>
      %sub3A_1300 = arith.subf %broadcast_in_dim3A_1138, %max3A_1299 : vector<512x1xf32>
      %exp3A_1301 = math.exp %sub3A_1300 : vector<512x1xf32>
      %sub3A_1302 = arith.subf %broadcast_in_dim3A_1160, %max3A_1299 : vector<512x1xf32>
      %exp3A_1303 = math.exp %sub3A_1302 : vector<512x1xf32>
      %sub3A_1304 = arith.subf %broadcast_in_dim3A_1182, %max3A_1299 : vector<512x1xf32>
      %exp3A_1305 = math.exp %sub3A_1304 : vector<512x1xf32>
      %sub3A_1306 = arith.subf %broadcast_in_dim3A_1204, %max3A_1299 : vector<512x1xf32>
      %exp3A_1307 = math.exp %sub3A_1306 : vector<512x1xf32>
      %sub3A_1308 = arith.subf %broadcast_in_dim3A_1226, %max3A_1299 : vector<512x1xf32>
      %exp3A_1309 = math.exp %sub3A_1308 : vector<512x1xf32>
      %sub3A_1310 = arith.subf %broadcast_in_dim3A_1248, %max3A_1299 : vector<512x1xf32>
      %exp3A_1311 = math.exp %sub3A_1310 : vector<512x1xf32>
      %sub3A_1312 = arith.subf %broadcast_in_dim3A_1270, %max3A_1299 : vector<512x1xf32>
      %exp3A_1313 = math.exp %sub3A_1312 : vector<512x1xf32>
      %sub3A_1314 = arith.subf %broadcast_in_dim3A_1292, %max3A_1299 : vector<512x1xf32>
      %exp3A_1315 = math.exp %sub3A_1314 : vector<512x1xf32>
      %add3A_1316 = arith.addf %exp3A_1301, %exp3A_1303 : vector<512x1xf32>
      %add3A_1317 = arith.addf %add3A_1316, %exp3A_1305 : vector<512x1xf32>
      %add3A_1318 = arith.addf %add3A_1317, %exp3A_1307 : vector<512x1xf32>
      %add3A_1319 = arith.addf %add3A_1318, %exp3A_1309 : vector<512x1xf32>
      %add3A_1320 = arith.addf %add3A_1319, %exp3A_1311 : vector<512x1xf32>
      %add3A_1321 = arith.addf %add3A_1320, %exp3A_1313 : vector<512x1xf32>
      %add3A_1322 = arith.addf %add3A_1321, %exp3A_1315 : vector<512x1xf32>
      %div3A_1323 = arith.constant 1.000000e+00 : f32
      %div3A_1324 = vector.broadcast %div3A_1323 : f32 to vector<512x1xf32>
      %div3A_1325 = arith.divf %div3A_1324, %add3A_1322 : vector<512x1xf32>
      %broadcast_in_dim3A_1326 = arith.constant 0.000000e+00 : f32
      %broadcast_in_dim3A_1327 = vector.broadcast %broadcast_in_dim3A_1326 : f32 to vector<512x64xf32>
      %mul3A_1328 = arith.mulf %exp3A_1301, %div3A_1325 : vector<512x1xf32>
      %jit3A_1329 = arith.constant 0.000000e+00 : f32
      %broadcast_in_dim3A_1330 = vector.shape_cast %mul3A_1328 : vector<512x1xf32> to vector<512x1xf32>
      %broadcast_in_dim3A_1331 = vector.broadcast %broadcast_in_dim3A_1330 : vector<512x1xf32> to vector<512x64xf32>
      %broadcast_in_dim3A_1332 = vector.broadcast %jit3A_1329 : f32 to vector<512x64xf32>
      %select_n3A_1333 = arith.select %eq3A_1132, %broadcast_in_dim3A_1331, %broadcast_in_dim3A_1332 : vector<512x64xi1>, vector<512x64xf32>
      %add3A_1334 = arith.addf %broadcast_in_dim3A_1327, %select_n3A_1333 : vector<512x64xf32>
      %mul3A_1335 = arith.mulf %exp3A_1303, %div3A_1325 : vector<512x1xf32>
      %jit3A_1336 = arith.constant 0.000000e+00 : f32
      %broadcast_in_dim3A_1337 = vector.shape_cast %mul3A_1335 : vector<512x1xf32> to vector<512x1xf32>
      %broadcast_in_dim3A_1338 = vector.broadcast %broadcast_in_dim3A_1337 : vector<512x1xf32> to vector<512x64xf32>
      %broadcast_in_dim3A_1339 = vector.broadcast %jit3A_1336 : f32 to vector<512x64xf32>
      %select_n3A_1340 = arith.select %eq3A_1154, %broadcast_in_dim3A_1338, %broadcast_in_dim3A_1339 : vector<512x64xi1>, vector<512x64xf32>
      %add3A_1341 = arith.addf %add3A_1334, %select_n3A_1340 : vector<512x64xf32>
      %mul3A_1342 = arith.mulf %exp3A_1305, %div3A_1325 : vector<512x1xf32>
      %jit3A_1343 = arith.constant 0.000000e+00 : f32
      %broadcast_in_dim3A_1344 = vector.shape_cast %mul3A_1342 : vector<512x1xf32> to vector<512x1xf32>
      %broadcast_in_dim3A_1345 = vector.broadcast %broadcast_in_dim3A_1344 : vector<512x1xf32> to vector<512x64xf32>
      %broadcast_in_dim3A_1346 = vector.broadcast %jit3A_1343 : f32 to vector<512x64xf32>
      %select_n3A_1347 = arith.select %eq3A_1176, %broadcast_in_dim3A_1345, %broadcast_in_dim3A_1346 : vector<512x64xi1>, vector<512x64xf32>
      %add3A_1348 = arith.addf %add3A_1341, %select_n3A_1347 : vector<512x64xf32>
      %mul3A_1349 = arith.mulf %exp3A_1307, %div3A_1325 : vector<512x1xf32>
      %jit3A_1350 = arith.constant 0.000000e+00 : f32
      %broadcast_in_dim3A_1351 = vector.shape_cast %mul3A_1349 : vector<512x1xf32> to vector<512x1xf32>
      %broadcast_in_dim3A_1352 = vector.broadcast %broadcast_in_dim3A_1351 : vector<512x1xf32> to vector<512x64xf32>
      %broadcast_in_dim3A_1353 = vector.broadcast %jit3A_1350 : f32 to vector<512x64xf32>
      %select_n3A_1354 = arith.select %eq3A_1198, %broadcast_in_dim3A_1352, %broadcast_in_dim3A_1353 : vector<512x64xi1>, vector<512x64xf32>
      %add3A_1355 = arith.addf %add3A_1348, %select_n3A_1354 : vector<512x64xf32>
      %mul3A_1356 = arith.mulf %exp3A_1309, %div3A_1325 : vector<512x1xf32>
      %jit3A_1357 = arith.constant 0.000000e+00 : f32
      %broadcast_in_dim3A_1358 = vector.shape_cast %mul3A_1356 : vector<512x1xf32> to vector<512x1xf32>
      %broadcast_in_dim3A_1359 = vector.broadcast %broadcast_in_dim3A_1358 : vector<512x1xf32> to vector<512x64xf32>
      %broadcast_in_dim3A_1360 = vector.broadcast %jit3A_1357 : f32 to vector<512x64xf32>
      %select_n3A_1361 = arith.select %eq3A_1220, %broadcast_in_dim3A_1359, %broadcast_in_dim3A_1360 : vector<512x64xi1>, vector<512x64xf32>
      %add3A_1362 = arith.addf %add3A_1355, %select_n3A_1361 : vector<512x64xf32>
      %mul3A_1363 = arith.mulf %exp3A_1311, %div3A_1325 : vector<512x1xf32>
      %jit3A_1364 = arith.constant 0.000000e+00 : f32
      %broadcast_in_dim3A_1365 = vector.shape_cast %mul3A_1363 : vector<512x1xf32> to vector<512x1xf32>
      %broadcast_in_dim3A_1366 = vector.broadcast %broadcast_in_dim3A_1365 : vector<512x1xf32> to vector<512x64xf32>
      %broadcast_in_dim3A_1367 = vector.broadcast %jit3A_1364 : f32 to vector<512x64xf32>
      %select_n3A_1368 = arith.select %eq3A_1242, %broadcast_in_dim3A_1366, %broadcast_in_dim3A_1367 : vector<512x64xi1>, vector<512x64xf32>
      %add3A_1369 = arith.addf %add3A_1362, %select_n3A_1368 : vector<512x64xf32>
      %mul3A_1370 = arith.mulf %exp3A_1313, %div3A_1325 : vector<512x1xf32>
      %jit3A_1371 = arith.constant 0.000000e+00 : f32
      %broadcast_in_dim3A_1372 = vector.shape_cast %mul3A_1370 : vector<512x1xf32> to vector<512x1xf32>
      %broadcast_in_dim3A_1373 = vector.broadcast %broadcast_in_dim3A_1372 : vector<512x1xf32> to vector<512x64xf32>
      %broadcast_in_dim3A_1374 = vector.broadcast %jit3A_1371 : f32 to vector<512x64xf32>
      %select_n3A_1375 = arith.select %eq3A_1264, %broadcast_in_dim3A_1373, %broadcast_in_dim3A_1374 : vector<512x64xi1>, vector<512x64xf32>
      %add3A_1376 = arith.addf %add3A_1369, %select_n3A_1375 : vector<512x64xf32>
      %mul3A_1377 = arith.mulf %exp3A_1315, %div3A_1325 : vector<512x1xf32>
      %jit3A_1378 = arith.constant 0.000000e+00 : f32
      %broadcast_in_dim3A_1379 = vector.shape_cast %mul3A_1377 : vector<512x1xf32> to vector<512x1xf32>
      %broadcast_in_dim3A_1380 = vector.broadcast %broadcast_in_dim3A_1379 : vector<512x1xf32> to vector<512x64xf32>
      %broadcast_in_dim3A_1381 = vector.broadcast %jit3A_1378 : f32 to vector<512x64xf32>
      %select_n3A_1382 = arith.select %eq3A_1286, %broadcast_in_dim3A_1380, %broadcast_in_dim3A_1381 : vector<512x64xi1>, vector<512x64xf32>
      %add3A_1383 = arith.addf %add3A_1376, %select_n3A_1382 : vector<512x64xf32>
      %get3A_1384 = arith.constant 3 : index
      %get3A_1385 = arith.constant 0 : index
      %get3A_1386 = arith.constant 0 : index
      %get3A_1387 = vector.load %arg12[%get3A_1384, %get3A_1385, %get3A_1386] : memref<4x64x32xf32, #tpu.memory_space<vmem>>, vector<1x64x32xf32>
      %get3A_1388 = vector.shape_cast %get3A_1387 : vector<1x64x32xf32> to vector<64x32xf32>
      %dot_general3A_1389 = arith.constant dense<0.000000e+00> : vector<512x32xf32>
      %dot_general3A_1390 = tpu.matmul %add3A_1383, %get3A_1388, %dot_general3A_1389 {dimension_numbers = #tpu.dot_dimension_numbers<[1], [0], [0], [1], [0, 0, 1, 1], [], []>, precision = #tpu.contract_precision<fp32>, transpose_lhs_hint = false} : vector<512x64xf32>, vector<64x32xf32>, vector<512x32xf32> -> vector<512x32xf32>
      %eq3A_1391 = arith.constant 24 : i32
      %eq3A_1392 = vector.broadcast %eq3A_1391 : i32 to vector<512x32xi32>
      %eq3A_1393 = arith.cmpi eq, %iota3A_105, %eq3A_1392 : vector<512x32xi32>
      %broadcast_in_dim3A_1394 = vector.shape_cast %broadcast_in_dim3A_1130 : vector<512x1xi32> to vector<512x1xi32>
      %broadcast_in_dim3A_1395 = vector.broadcast %broadcast_in_dim3A_1394 : vector<512x1xi32> to vector<512x32xi32>
      %select_n3A_1396 = arith.select %eq3A_1393, %broadcast_in_dim3A_1395, %select_n3A_1103 : vector<512x32xi1>, vector<512x32xi32>
      %eq3A_1397 = arith.constant 25 : i32
      %eq3A_1398 = vector.broadcast %eq3A_1397 : i32 to vector<512x32xi32>
      %eq3A_1399 = arith.cmpi eq, %iota3A_105, %eq3A_1398 : vector<512x32xi32>
      %broadcast_in_dim3A_1400 = vector.shape_cast %broadcast_in_dim3A_1152 : vector<512x1xi32> to vector<512x1xi32>
      %broadcast_in_dim3A_1401 = vector.broadcast %broadcast_in_dim3A_1400 : vector<512x1xi32> to vector<512x32xi32>
      %select_n3A_1402 = arith.select %eq3A_1399, %broadcast_in_dim3A_1401, %select_n3A_1396 : vector<512x32xi1>, vector<512x32xi32>
      %eq3A_1403 = arith.constant 26 : i32
      %eq3A_1404 = vector.broadcast %eq3A_1403 : i32 to vector<512x32xi32>
      %eq3A_1405 = arith.cmpi eq, %iota3A_105, %eq3A_1404 : vector<512x32xi32>
      %broadcast_in_dim3A_1406 = vector.shape_cast %broadcast_in_dim3A_1174 : vector<512x1xi32> to vector<512x1xi32>
      %broadcast_in_dim3A_1407 = vector.broadcast %broadcast_in_dim3A_1406 : vector<512x1xi32> to vector<512x32xi32>
      %select_n3A_1408 = arith.select %eq3A_1405, %broadcast_in_dim3A_1407, %select_n3A_1402 : vector<512x32xi1>, vector<512x32xi32>
      %eq3A_1409 = arith.constant 27 : i32
      %eq3A_1410 = vector.broadcast %eq3A_1409 : i32 to vector<512x32xi32>
      %eq3A_1411 = arith.cmpi eq, %iota3A_105, %eq3A_1410 : vector<512x32xi32>
      %broadcast_in_dim3A_1412 = vector.shape_cast %broadcast_in_dim3A_1196 : vector<512x1xi32> to vector<512x1xi32>
      %broadcast_in_dim3A_1413 = vector.broadcast %broadcast_in_dim3A_1412 : vector<512x1xi32> to vector<512x32xi32>
      %select_n3A_1414 = arith.select %eq3A_1411, %broadcast_in_dim3A_1413, %select_n3A_1408 : vector<512x32xi1>, vector<512x32xi32>
      %eq3A_1415 = arith.constant 28 : i32
      %eq3A_1416 = vector.broadcast %eq3A_1415 : i32 to vector<512x32xi32>
      %eq3A_1417 = arith.cmpi eq, %iota3A_105, %eq3A_1416 : vector<512x32xi32>
      %broadcast_in_dim3A_1418 = vector.shape_cast %broadcast_in_dim3A_1218 : vector<512x1xi32> to vector<512x1xi32>
      %broadcast_in_dim3A_1419 = vector.broadcast %broadcast_in_dim3A_1418 : vector<512x1xi32> to vector<512x32xi32>
      %select_n3A_1420 = arith.select %eq3A_1417, %broadcast_in_dim3A_1419, %select_n3A_1414 : vector<512x32xi1>, vector<512x32xi32>
      %eq3A_1421 = arith.constant 29 : i32
      %eq3A_1422 = vector.broadcast %eq3A_1421 : i32 to vector<512x32xi32>
      %eq3A_1423 = arith.cmpi eq, %iota3A_105, %eq3A_1422 : vector<512x32xi32>
      %broadcast_in_dim3A_1424 = vector.shape_cast %broadcast_in_dim3A_1240 : vector<512x1xi32> to vector<512x1xi32>
      %broadcast_in_dim3A_1425 = vector.broadcast %broadcast_in_dim3A_1424 : vector<512x1xi32> to vector<512x32xi32>
      %select_n3A_1426 = arith.select %eq3A_1423, %broadcast_in_dim3A_1425, %select_n3A_1420 : vector<512x32xi1>, vector<512x32xi32>
      %eq3A_1427 = arith.constant 30 : i32
      %eq3A_1428 = vector.broadcast %eq3A_1427 : i32 to vector<512x32xi32>
      %eq3A_1429 = arith.cmpi eq, %iota3A_105, %eq3A_1428 : vector<512x32xi32>
      %broadcast_in_dim3A_1430 = vector.shape_cast %broadcast_in_dim3A_1262 : vector<512x1xi32> to vector<512x1xi32>
      %broadcast_in_dim3A_1431 = vector.broadcast %broadcast_in_dim3A_1430 : vector<512x1xi32> to vector<512x32xi32>
      %select_n3A_1432 = arith.select %eq3A_1429, %broadcast_in_dim3A_1431, %select_n3A_1426 : vector<512x32xi1>, vector<512x32xi32>
      %eq3A_1433 = arith.constant 31 : i32
      %eq3A_1434 = vector.broadcast %eq3A_1433 : i32 to vector<512x32xi32>
      %eq3A_1435 = arith.cmpi eq, %iota3A_105, %eq3A_1434 : vector<512x32xi32>
      %broadcast_in_dim3A_1436 = vector.shape_cast %broadcast_in_dim3A_1284 : vector<512x1xi32> to vector<512x1xi32>
      %broadcast_in_dim3A_1437 = vector.broadcast %broadcast_in_dim3A_1436 : vector<512x1xi32> to vector<512x32xi32>
      %select_n3A_1438 = arith.select %eq3A_1435, %broadcast_in_dim3A_1437, %select_n3A_1432 : vector<512x32xi1>, vector<512x32xi32>
      %concatenate3A = tpu.concatenate %dot_general3A_385, %dot_general3A_720, %dot_general3A_1055, %dot_general3A_1390 in 1 : vector<512x32xf32>, vector<512x32xf32>, vector<512x32xf32>, vector<512x32xf32> -> vector<512x128xf32>
      %get3A_1439 = arith.constant 0 : index
      %get3A_1440 = arith.constant 0 : index
      %get3A_1441 = vector.load %arg18[%get3A_1439, %get3A_1440] : memref<1x1xf32, #tpu.memory_space<vmem>>, vector<1x1xf32>
      %get3A_1442 = vector.extract %get3A_1441[0, 0] : f32 from vector<1x1xf32>
      %neg3A = arith.constant 0.000000e+00 : f32
      %neg3A_1443 = arith.subf %neg3A, %get3A_1442 : f32
      %exp3A_1444 = math.exp %neg3A_1443 : f32
      %add3A_1445 = arith.constant 1.000000e+00 : f32
      %add3A_1446 = arith.addf %add3A_1445, %exp3A_1444 : f32
      %div3A_1447 = arith.constant 1.000000e+00 : f32
      %div3A_1448 = arith.divf %div3A_1447, %add3A_1446 : f32
      %mul3A_1449 = vector.broadcast %div3A_1448 : f32 to vector<512x128xf32>
      %mul3A_1450 = arith.mulf %mul3A_1449, %concatenate3A : vector<512x128xf32>
      %get3A_1451 = arith.constant 0 : index
      %get3A_1452 = arith.constant 0 : index
      %get3A_1453 = vector.load %arg14[%get3A_1451, %get3A_1452] : memref<128x256xf32, #tpu.memory_space<vmem>>, vector<128x256xf32>
      %dot_general3A_1454 = arith.constant dense<0.000000e+00> : vector<512x256xf32>
      %dot_general3A_1455 = tpu.matmul %mul3A_1450, %get3A_1453, %dot_general3A_1454 {dimension_numbers = #tpu.dot_dimension_numbers<[1], [0], [0], [1], [0, 0, 1, 1], [], []>, transpose_lhs_hint = false} : vector<512x128xf32>, vector<128x256xf32>, vector<512x256xf32> -> vector<512x256xf32>
      %get3A_1456 = arith.constant 0 : index
      %get3A_1457 = arith.constant 0 : index
      %get3A_1458 = vector.load %arg15[%get3A_1456, %get3A_1457] : memref<1x256xf32, #tpu.memory_space<vmem>>, vector<1x256xf32>
      %add3A_1459 = vector.broadcast %get3A_1458 : vector<1x256xf32> to vector<512x256xf32>
      %add3A_1460 = arith.addf %dot_general3A_1455, %add3A_1459 : vector<512x256xf32>
      %max3A_1461 = arith.constant 0.000000e+00 : f32
      %max3A_1462 = vector.broadcast %max3A_1461 : f32 to vector<512x256xf32>
      %max3A_1463 = arith.maximumf %add3A_1460, %max3A_1462 : vector<512x256xf32>
      %get3A_1464 = arith.constant 0 : index
      %get3A_1465 = arith.constant 0 : index
      %get3A_1466 = vector.load %arg16[%get3A_1464, %get3A_1465] : memref<256x128xf32, #tpu.memory_space<vmem>>, vector<256x128xf32>
      %dot_general3A_1467 = arith.constant dense<0.000000e+00> : vector<512x128xf32>
      %dot_general3A_1468 = tpu.matmul %max3A_1463, %get3A_1466, %dot_general3A_1467 {dimension_numbers = #tpu.dot_dimension_numbers<[1], [0], [0], [1], [0, 0, 1, 1], [], []>, transpose_lhs_hint = false} : vector<512x256xf32>, vector<256x128xf32>, vector<512x128xf32> -> vector<512x128xf32>
      %get3A_1469 = arith.constant 0 : index
      %get3A_1470 = arith.constant 0 : index
      %get3A_1471 = vector.load %arg17[%get3A_1469, %get3A_1470] : memref<1x128xf32, #tpu.memory_space<vmem>>, vector<1x128xf32>
      %add3A_1472 = vector.broadcast %get3A_1471 : vector<1x128xf32> to vector<512x128xf32>
      %add3A_1473 = arith.addf %dot_general3A_1468, %add3A_1472 : vector<512x128xf32>
      %iota3A_1474 = tpu.iota {dimensions = array<i32: 1>} : vector<512x128xi32>
      %lt3A = arith.constant 10 : i32
      %lt3A_1475 = vector.broadcast %lt3A : i32 to vector<512x128xi32>
      %lt3A_1476 = arith.cmpi slt, %iota3A_1474, %lt3A_1475 : vector<512x128xi32>
      %jit3A_1477 = arith.constant -3.000000e+38 : f32
      %broadcast_in_dim3A_1478 = vector.broadcast %jit3A_1477 : f32 to vector<512x128xf32>
      %select_n3A_1479 = arith.select %lt3A_1476, %add3A_1473, %broadcast_in_dim3A_1478 : vector<512x128xi1>, vector<512x128xf32>
      %reduce_max3A_1480 = arith.constant dense<0xFF800000> : vector<512xf32>
      %reduce_max3A_1481 = vector.multi_reduction <maximumf>, %select_n3A_1479, %reduce_max3A_1480 [1] : vector<512x128xf32> to vector<512xf32>
      %broadcast_in_dim3A_1482 = vector.shape_cast %reduce_max3A_1481 : vector<512xf32> to vector<512x1xf32>
      %sub3A_1483 = vector.broadcast %broadcast_in_dim3A_1482 : vector<512x1xf32> to vector<512x128xf32>
      %sub3A_1484 = arith.subf %add3A_1473, %sub3A_1483 : vector<512x128xf32>
      %exp3A_1485 = math.exp %sub3A_1484 : vector<512x128xf32>
      %jit3A_1486 = arith.constant 0.000000e+00 : f32
      %broadcast_in_dim3A_1487 = vector.broadcast %jit3A_1486 : f32 to vector<512x128xf32>
      %select_n3A_1488 = arith.select %lt3A_1476, %exp3A_1485, %broadcast_in_dim3A_1487 : vector<512x128xi1>, vector<512x128xf32>
      %reduce_sum3A_1489 = arith.constant dense<0.000000e+00> : vector<512xf32>
      %reduce_sum3A_1490 = vector.multi_reduction <add>, %select_n3A_1488, %reduce_sum3A_1489 [1] : vector<512x128xf32> to vector<512xf32>
      %broadcast_in_dim3A_1491 = vector.shape_cast %reduce_sum3A_1490 : vector<512xf32> to vector<512x1xf32>
      %log3A = math.log %broadcast_in_dim3A_1491 : vector<512x1xf32>
      %sub3A_1492 = vector.broadcast %broadcast_in_dim3A_1482 : vector<512x1xf32> to vector<512x128xf32>
      %sub3A_1493 = arith.subf %add3A_1473, %sub3A_1492 : vector<512x128xf32>
      %sub3A_1494 = vector.broadcast %log3A : vector<512x1xf32> to vector<512x128xf32>
      %sub3A_1495 = arith.subf %sub3A_1493, %sub3A_1494 : vector<512x128xf32>
      %slice3A_1496 = vector.extract_strided_slice %sub3A_1495 {offsets = [0, 0], sizes = [512, 10], strides = [1, 1]} : vector<512x128xf32> to vector<512x10xf32>
      %swap3A_1497 = arith.constant 0 : index
      %swap3A_1498 = arith.constant 0 : index
      %swap3A_1499 = vector.load %arg19[%swap3A_1497, %swap3A_1498] : memref<512x10xf32, #tpu.memory_space<vmem>>, vector<512x10xf32>
      tpu.vector_store %arg19[%swap3A_1497, %swap3A_1498], %slice3A_1496 {strides = array<i32>} : memref<512x10xf32, #tpu.memory_space<vmem>>, vector<512x10xf32>,
      %swap3A_1500 = arith.constant 0 : index
      %swap3A_1501 = arith.constant 0 : index
      %swap3A_1502 = vector.load %arg20[%swap3A_1500, %swap3A_1501] : memref<512x32xi32, #tpu.memory_space<vmem>>, vector<512x32xi32>
      tpu.vector_store %arg20[%swap3A_1500, %swap3A_1501], %select_n3A_1438 {strides = array<i32>} : memref<512x32xi32, #tpu.memory_space<vmem>>, vector<512x32xi32>,
    } else {
    }
    return
  }
  func.func @transform_0(%arg0: i32) -> (i32, i32, i32) {
    %c0_i32 = arith.constant 0 : i32
    %c0_i32_0 = arith.constant 0 : i32
    %c0_i32_1 = arith.constant 0 : i32
    return %c0_i32, %arg0, %c0_i32_0 : i32, i32, i32
  }
  func.func @transform_1(%arg0: i32) -> (i32, i32, i32) {
    %c0_i32 = arith.constant 0 : i32
    %c0_i32_0 = arith.constant 0 : i32
    %c0_i32_1 = arith.constant 0 : i32
    return %c0_i32, %arg0, %c0_i32_0 : i32, i32, i32
  }
  func.func @transform_2(%arg0: i32) -> (i32, i32) {
    %c0_i32 = arith.constant 0 : i32
    %c0_i32_0 = arith.constant 0 : i32
    return %arg0, %c0_i32 : i32, i32
  }
  func.func @transform_3(%arg0: i32) -> (i32, i32) {
    %c0_i32 = arith.constant 0 : i32
    %c0_i32_0 = arith.constant 0 : i32
    %c0_i32_1 = arith.constant 0 : i32
    return %c0_i32, %c0_i32_0 : i32, i32
  }
  func.func @transform_4(%arg0: i32) -> (i32, i32) {
    %c0_i32 = arith.constant 0 : i32
    %c0_i32_0 = arith.constant 0 : i32
    %c0_i32_1 = arith.constant 0 : i32
    return %c0_i32, %c0_i32_0 : i32, i32
  }
  func.func @transform_5(%arg0: i32) -> (i32, i32) {
    %c0_i32 = arith.constant 0 : i32
    %c0_i32_0 = arith.constant 0 : i32
    return %arg0, %c0_i32 : i32, i32
  }
  func.func @transform_6(%arg0: i32) -> (i32, i32) {
    %c0_i32 = arith.constant 0 : i32
    %c0_i32_0 = arith.constant 0 : i32
    %c0_i32_1 = arith.constant 0 : i32
    return %c0_i32, %c0_i32_0 : i32, i32
  }
  func.func @transform_7(%arg0: i32) -> (i32, i32) {
    %c0_i32 = arith.constant 0 : i32
    %c0_i32_0 = arith.constant 0 : i32
    %c0_i32_1 = arith.constant 0 : i32
    return %c0_i32, %c0_i32_0 : i32, i32
  }
  func.func @transform_8(%arg0: i32) -> (i32, i32) {
    %c0_i32 = arith.constant 0 : i32
    %c0_i32_0 = arith.constant 0 : i32
    %c0_i32_1 = arith.constant 0 : i32
    return %c0_i32, %c0_i32_0 : i32, i32
  }
  func.func @transform_9(%arg0: i32) -> (i32, i32) {
    %c0_i32 = arith.constant 0 : i32
    %c0_i32_0 = arith.constant 0 : i32
    %c0_i32_1 = arith.constant 0 : i32
    return %c0_i32, %c0_i32_0 : i32, i32
  }
  func.func @transform_10(%arg0: i32) -> (i32, i32, i32) {
    %c0_i32 = arith.constant 0 : i32
    %c0_i32_0 = arith.constant 0 : i32
    %c0_i32_1 = arith.constant 0 : i32
    %c0_i32_2 = arith.constant 0 : i32
    return %c0_i32, %c0_i32_0, %c0_i32_1 : i32, i32, i32
  }
  func.func @transform_11(%arg0: i32) -> (i32, i32, i32) {
    %c0_i32 = arith.constant 0 : i32
    %c0_i32_0 = arith.constant 0 : i32
    %c0_i32_1 = arith.constant 0 : i32
    %c0_i32_2 = arith.constant 0 : i32
    return %c0_i32, %c0_i32_0, %c0_i32_1 : i32, i32, i32
  }
  func.func @transform_12(%arg0: i32) -> (i32, i32) {
    %c0_i32 = arith.constant 0 : i32
    %c0_i32_0 = arith.constant 0 : i32
    %c0_i32_1 = arith.constant 0 : i32
    return %c0_i32, %c0_i32_0 : i32, i32
  }
  func.func @transform_13(%arg0: i32) -> (i32, i32) {
    %c0_i32 = arith.constant 0 : i32
    %c0_i32_0 = arith.constant 0 : i32
    %c0_i32_1 = arith.constant 0 : i32
    return %c0_i32, %c0_i32_0 : i32, i32
  }
  func.func @transform_14(%arg0: i32) -> (i32, i32) {
    %c0_i32 = arith.constant 0 : i32
    %c0_i32_0 = arith.constant 0 : i32
    %c0_i32_1 = arith.constant 0 : i32
    return %c0_i32, %c0_i32_0 : i32, i32
  }
  func.func @transform_15(%arg0: i32) -> (i32, i32) {
    %c0_i32 = arith.constant 0 : i32
    %c0_i32_0 = arith.constant 0 : i32
    %c0_i32_1 = arith.constant 0 : i32
    return %c0_i32, %c0_i32_0 : i32, i32
  }
  func.func @transform_16(%arg0: i32) -> (i32, i32) {
    %c0_i32 = arith.constant 0 : i32
    %c0_i32_0 = arith.constant 0 : i32
    %c0_i32_1 = arith.constant 0 : i32
    return %c0_i32, %c0_i32_0 : i32, i32
  }
  func.func @transform_17(%arg0: i32) -> (i32, i32) {
    %c0_i32 = arith.constant 0 : i32
    %c0_i32_0 = arith.constant 0 : i32
    %c0_i32_1 = arith.constant 0 : i32
    return %c0_i32, %c0_i32_0 : i32, i32
  }
  func.func @transform_18(%arg0: i32) -> (i32, i32) {
    %c0_i32 = arith.constant 0 : i32
    %c0_i32_0 = arith.constant 0 : i32
    %c0_i32_1 = arith.constant 0 : i32
    return %c0_i32, %c0_i32_0 : i32, i32
  }
  func.func @transform_19(%arg0: i32) -> (i32, i32) {
    %c0_i32 = arith.constant 0 : i32
    %c0_i32_0 = arith.constant 0 : i32
    %c0_i32_1 = arith.constant 0 : i32
    return %c0_i32, %c0_i32_0 : i32, i32
  }
}

</mosaic_0001>

<sc_bundles>
// kernel: kernel.5.cloned.1.call-start
scs
__scs_entry_jumppad:
0x0: {  	(pc) =	sbr.rel $0x88, $3  }
0x1: {  	(tag) =	ssettag $0x0;
	lr =	simm.s32 $0x1  }
0x2: {  	[smem:$0x3F8E] =	sst lr;
	_ =	strace $0xD0000000  }
0x3: {  	_ = 	snop  }
0x4: {  	_ = 	snop  }
0x5: {  	_ = 	snop  }
0x6: {  	_ = 	snop  }
0x7: {  	_ = 	snop  }
__scs_overlays_trampoline_lowered:
0x8: {  	[smem:$0x3F9D] =	sst s0  }
0x9: {  	[smem:$0x3F9E] =	sst s1  }
0xa: {  	[smem:$0x3F9F] =	sst s2  }
0xb: {  	[smem:$0x3FA0] =	sst s3  }
0xc: {  	[smem:$0x3FA1] =	sst s4  }
0xd: {  	[smem:$0x3FA2] =	sst s5  }
0xe: {  	[smem:$0x3FA3] =	sst s6  }
0xf: {  	[smem:$0x3FA4] =	sst s7  }
0x10: {  	[smem:$0x3FA5] =	sst s8  }
0x11: {  	[smem:$0x3FA6] =	sst s9;
	s0 =	simm.s32 @!p0 $0x0  }
0x12: {  	s1 =	sld [smem:$0x3F8C];
	s0 =	simm.s32 @p0 $0x1  }
0x13: {  	[smem:$0x3FA7] =	sst s0;
	s0 =	simm.s32 @!p1 $0x0  }
0x14: {  	s2 =	sld [smem:$0x3F8B];
	s0 =	simm.s32 @p1 $0x1  }
0x15: {  	[smem:$0x3FA8] =	sst s0;
	s0 =	simm.s32 @!p2 $0x0  }
0x16: {  	s3 =	sld [smem:$0x3FDB];
	s0 =	simm.s32 @p2 $0x1  }
0x17: {  	s4 =	simm.s32 $0x1BF5;
	[smem:$0x3FAA] =	sst s0  }
0x18: {  	s0 =	sld [smem:$0x3F8D];
	_ =	swait.ge [sflag:s4], $0x0  }
0x19: {  	s7 =	sld [smem:$0x3F8E]  }
0x1a: {  	s8 =	sadd.s32 $0xFFFFE003, lr  }
0x1b: {  	s9 =	sadd.s32 $0xFFFFFEF7, lr;
	s5 =	simm.s32 $0xFFFFFFFF;
	p2 =	slt.u32 s8, $0xFFFFF086  }
0x1c: {  	p1 =	slt.u32 s9, $0xF7A;
	s5 =	simm.s32 @!p2 $0x0  }
0x1d: {  	s5 =	simm.s32 @p1 $0x1;
	p0 =	seq.s32 s7, s2  }
0x1e: {  	s7 =	smul.u32 @!p0 $0xF7A, s2;
	p2 =	seq.s32 @!p0 s5, $0x0  }
0x1f: {  	s9 =	smul.u32 $0xF7A, s1;
	s8 =	simm.s32 @!p0 $0x1BF5;
	p2 =	por !p2, p0  }
0x20: {  	[sflag:s8] =	ssyncset.s32 @!p0 $0xFFFFF086;
	s6 =	sadd.s32 @!p0 s3, s7;
	s7 =	simm.s32 @!p0 $0x108  }
0x21: {  	s3 =	sadd.s32 s3, s9;
	s6 =	sadd.s32 @!p0 $0x88, s6;
	s7 =	simm.s32 @p2 $0x1082  }
0x22: {  	[simem:s7], [sflag:s8] =	dma.local @!p0 [hbm:s6], $0xF7A  }
0x23: {  	s9 =	sor.u32 $0xD0000000, s2;
	s6 =	simm.s32 $0x108;
	_ =	swait.ge @!p0 [sflag:s8], $0x0  }
0x24: {  	s3 =	sadd.s32 $0x88, s3;
	s6 =	simm.s32 @!p1 $0x1082;
	[sflag:s4] =	ssyncset.s32 $0xFFFFF086  }
0x25: {  	[simem:s6], [sflag:s4] =	dma.local [hbm:s3], $0xF7A  }
0x26: {  	[smem:$0x3F8E] =	sst s1;
	(tag) =	ssettag s2;
	_ =	strace s9  }
0x27: {  	s1 =	sld [smem:$0x3F9E]  }
0x28: {  	s2 =	sld [smem:$0x3F9F]  }
0x29: {  	s4 =	sld [smem:$0x3FA1]  }
0x2a: {  	p0 =	seq.s32 s5, $0x0;
	s5 =	sld [smem:$0x3FA2]  }
0x2b: {  	s6 =	sld [smem:$0x3FA3]  }
0x2c: {  	s7 =	sld [smem:$0x3FA4]  }
0x2d: {  	s3 =	simm.s32 $0x108;
	s8 =	sld [smem:$0x3FA5]  }
0x2e: {  	s3 =	simm.s32 @!p0 $0x1082;
	s9 =	sld [smem:$0x3FA6]  }
0x2f: {  	lr =	sadd.s32 s0, s3;
	s0 =	sld [smem:$0x3F9D]  }
0x30: {  	s3 =	sld [smem:$0x3FA0]  }
0x31: {  	[smem:$0x3FA9] =	sst s10  }
0x32: {  	s10 =	sld [smem:$0x3FA7];
	_ =	sdelay $0x3  }
0x33: {  	p0 =	seq.s32 s10, $0x1;
	s10 =	sld [smem:$0x3FA9];
	_ =	sdelay $0x3  }
0x34: {  	[smem:$0x3FA9] =	sst s10  }
0x35: {  	s10 =	sld [smem:$0x3FA8];
	_ =	sdelay $0x3  }
0x36: {  	p1 =	seq.s32 s10, $0x1;
	s10 =	sld [smem:$0x3FA9];
	_ =	sdelay $0x3  }
0x37: {  	[smem:$0x3FA9] =	sst s10  }
0x38: {  	s10 =	sld [smem:$0x3FAA]  }
0x39: {  	_ = 	snop;
	(pc) =	sbr.ind lr, $3  }
0x3a: {  	_ = 	snop  }
0x3b: {  	_ = 	snop  }
0x3c: {  	p2 =	seq.s32 s10, $0x1;
	s10 =	sld [smem:$0x3FA9]  }
0x3d: {  	_ =	shalt  }
0x3e: {  	_ =	shalt  }
0x3f: {  	_ =	shalt  }
0x40: {  	_ =	shalt  }
0x41: {  	_ =	shalt  }
0x42: {  	_ =	shalt  }
0x43: {  	_ =	shalt  }
0x44: {  	_ =	shalt  }
0x45: {  	_ =	shalt  }
0x46: {  	_ =	shalt  }
0x47: {  	_ =	shalt  }
0x48: {  	_ =	shalt  }
0x49: {  	_ =	shalt  }
0x4a: {  	_ =	shalt  }
0x4b: {  	_ =	shalt  }
0x4c: {  	_ =	shalt  }
0x4d: {  	_ =	shalt  }
0x4e: {  	_ =	shalt  }
0x4f: {  	_ =	shalt  }
0x50: {  	_ =	shalt  }
0x51: {  	_ =	shalt  }
0x52: {  	_ =	shalt  }
0x53: {  	_ =	shalt  }
0x54: {  	_ =	shalt  }
0x55: {  	_ =	shalt  }
0x56: {  	_ =	shalt  }
0x57: {  	_ =	shalt  }
0x58: {  	_ =	shalt  }
0x59: {  	_ =	shalt  }
0x5a: {  	_ =	shalt  }
0x5b: {  	_ =	shalt  }
0x5c: {  	_ =	shalt  }
0x5d: {  	_ =	shalt  }
0x5e: {  	_ =	shalt  }
0x5f: {  	_ =	shalt  }
0x60: {  	_ =	shalt  }
0x61: {  	_ =	shalt  }
0x62: {  	_ =	shalt  }
0x63: {  	_ =	shalt  }
0x64: {  	_ =	shalt  }
0x65: {  	_ =	shalt  }
0x66: {  	_ =	shalt  }
0x67: {  	_ =	shalt  }
0x68: {  	_ =	shalt  }
0x69: {  	_ =	shalt  }
0x6a: {  	_ =	shalt  }
0x6b: {  	_ =	shalt  }
0x6c: {  	_ =	shalt  }
0x6d: {  	_ =	shalt  }
0x6e: {  	_ =	shalt  }
0x6f: {  	_ =	shalt  }
0x70: {  	_ =	shalt  }
0x71: {  	_ =	shalt  }
0x72: {  	_ =	shalt  }
0x73: {  	_ =	shalt  }
0x74: {  	_ =	shalt  }
0x75: {  	_ =	shalt  }
0x76: {  	_ =	shalt  }
0x77: {  	_ =	shalt  }
0x78: {  	_ =	shalt  }
0x79: {  	_ =	shalt  }
0x7a: {  	_ =	shalt  }
0x7b: {  	_ =	shalt  }
0x7c: {  	_ =	shalt  }
0x7d: {  	_ =	shalt  }
0x7e: {  	_ =	shalt  }
0x7f: {  	_ =	shalt  }
0x80: {  	_ =	shalt  }
0x81: {  	_ =	shalt  }
0x82: {  	_ =	shalt  }
0x83: {  	_ =	shalt  }
0x84: {  	_ =	shalt  }
0x85: {  	_ =	shalt  }
0x86: {  	_ =	shalt  }
0x87: {  	_ =	shalt  }
.Lfunc_end0:
.L_simem_size_0:
called_computation_lowered:
.L_overlay_start_0:
0x88: {  	s2 =	sld [smem:$0x3FD9]  }
0x89: {  	s3 =	sld [smem:$0x3FFE];
	_ =	sdelay $0x1  }
0x8a: {  	s1 =	srdreg.scid  }
0x8b: {  	s0 =	sand.u32 $0x1, s1  }
0x8c: {  	s14 =	sshll.u32 s0, $0xA;
	s2 =	sadd.s32 s3, s2  }
0x8d: {  	s2 =	sadd.s32 s2, s14  }
0x8e: {  	[smem:$0x3FB5] =	sst s2  }
0x8f: {  	_ = 	snop  }
0x90: {  	s2 =	sld [smem:$0x3FD0];
	_ =	sdelay $0x2  }
0x91: {  	s15 =	simm.s32 $0xA;
	s4 =	simm.s32 $0x10  }
0x92: {  	[smem:s4], [sflag:s15] =	dma.local [hbm:s2], $0x1  }
0x93: {  	_ =	swait.eq [sflag:s15], $0x1  }
0x94: {  	[sflag:s15] =	ssyncset.done $0x0  }
0x95: {  	[sflag:s15] =	ssyncadd.s32 $0xFFFFFFFF  }
0x96: {  	s16 =	sld [smem:$0x11];
	(tm) =	ssettm $0x1  }
0x97: {  	s17 =	sld [smem:$0x3FFB];
	_ =	sdelay $0x3  }
0x98: {  	_ =	strace s17  }
0x99: {  	s3 =	sld [smem:$0x3FFC];
	_ =	sdelay $0x3  }
0x9a: {  	_ =	strace s3  }
0x9b: {  	s3 =	sld [smem:$0x3FFD];
	_ =	sdelay $0x3  }
0x9c: {  	_ =	strace s3  }
0x9d: {  	_ =	strace $0x8FFFFFFF  }
0x9e: {  	s18 =	sld [smem:$0x3FDB];
	_ =	sdelay $0x1  }
0x9f: {  	s19 =	simm.s32 $_scs_section_size  }
0xa0: {  	s5 =	simm.s32 $_size__tile_overlayer_lowered;
	s6 =	simm.s32 $_tile_overlayer_lowered  }
0xa1: {  	s22 =	simm.s32 $0x1BFF;
	s21 =	sshll.u32 s6, $0x1;
	s3 =	sadd.s32 s19, s18  }
0xa2: {  	s7 =	simm.s32 $0x0;
	s20 =	sshll.u32 s5, $0x1;
	s5 =	sadd.s32 s21, s3  }
0xa3: {  	[timem:s7], [sflag:s22] =	dma.local [hbm:s5], s20  }
0xa4: {  	_ =	swait.ge [sflag:s22], s20  }
0xa5: {  	s4 =	ssub.s32 $0x0, s20;
	[sflag:s22] =	ssyncset.done $0x0  }
0xa6: {  	[sflag:s22] =	ssyncadd.s32 s4;
	_ =	sdelay $0x1  }
0xa7: {  	s23 =	simm.s32 $0x1B8B  }
0xa8: {  	_ =	swait.ge [sflag:s23], $0x1  }
0xa9: {  	[sflag:s23] =	ssyncset.done $0x0  }
0xaa: {  	s25 =	simm.s32 $0x1B8E;
	s24 =	sld [smem:$0x3FFE];
	[sflag:s23] =	ssyncadd.s32 $0xFFFFFFFF  }
0xab: {  	s26 =	simm.s32 $execute0_lowered;
	[smem:$0x3FD2] =	sst s25  }
0xac: {  	s5 =	sshll.u32 s26, $0x1;
	_ =	strace $0x80000046;
	[dreg:$0x1] =	wrdreg $0xFFFFFFFF  }
0xad: {  	s28 =	simm.s32 $_size_execute0_lowered;
	s3 =	sadd.s32 s3, s5;
	[dreg:$0x0] =	wrdreg $0x0  }
0xae: {  	s5 =	sshll.u32 s28, $0x1;
	[dreg:$0x2] =	wrdreg s3  }
0xaf: {  	[dreg:$0x3] =	wrdreg s5  }
0xb0: {  	[dreg:$0x4] =	wrdreg $0xC0  }
0xb1: {  	_ =	task [dreg:s7], $0x5FFFF  }
0xb2: {  	[dreg:$0x1] =	wrdreg $0xFFFFFFFF  }
0xb3: {  	[dreg:$0x0] =	wrdreg $0x60  }
0xb4: {  	[dreg:$0x2] =	wrdreg s24  }
0xb5: {  	[dreg:$0x3] =	wrdreg s16  }
0xb6: {  	[dreg:$0x4] =	wrdreg $0xB9000  }
0xb7: {  	[dreg:$0x5] =	wrdreg $0x9  }
0xb8: {  	_ =	task.clear_ibuf [dreg:s7], $0x6FFFF;
	_ =	strace $0x90000046  }
0xb9: {  	s29 =	simm.s32 $0x9;
	_ =	strace $0x80000048  }
0xba: {  	_ =	swait.ge [sflag:s29], $0x1  }
0xbb: {  	[sflag:s29] =	ssyncadd.s32 $0xFFFFFFFF  }
0xbc: {  	_ =	strace $0x90000048  }
0xbd: {  	_ =	sfence  }
0xbe: {  	s30 =	sld [smem:$0x0];
	_ =	sdelay $0x2  }
0xbf: {  	s31 =	sshll.u32 s1, $0xD;
	s1 =	sshrl.u32 s1, $0x2  }
0xc0: {  	s3 =	sand.u32 $0x4000, s31;
	s1 =	sadd.s32 s1, s30  }
0xc1: {  	s0 =	sor.u32 s3, s0;
	s1 =	sshll.u32 s1, $0x11  }
0xc2: {  	s0 =	sor.u32 s1, s0  }
0xc3: {  	s0 =	sadd.s32 $0x8F2B, s0  }
0xc4: {  	[sflag:s0] =	ssyncadd.remote.s32 $0x1  }
0xc5: {  	_ =	sfence.sel $0xFFFF  }
0xc6: {  	[dreg:$0x0] =	wrdreg $0xFFFFFFFF;
	(pc) =	sbr.abs _section_cstart, $3  }
0xc7: {  	[dreg:$0x1] =	wrdreg $0xFFFFFFFF  }
0xc8: {  	_ =	task.clear_ibuf [dreg:s7], $0x2FFFF;
	_ =	strace $0x9FFFFFFF  }
0xc9: {  	(tm) =	ssettm $0x7FFFFFFF  }
tec
execute0_lowered:
.L_overlay_start_1:
0x0: {  	(tag) =	ssettag $0x1  }
0x1: {  	s0 =	rddreg [dreg:$0x0]  }
0x2: {  	s2 =	rddreg [dreg:$0x2];
	s4 =	simm.s32 $0x0  }
0x3: {  	s1 =	srdreg.scid;
	s17 =	stileid.u32;
	s18 =	simm.s32 $0x5  }
0x4: {  	s19 =	simm.s32 $0x9100;
	s28 =	simm.s32 $0x6900;
	s29 =	simm.s32 $0x2  }
0x5: {  	s30 =	simm.s32 $0x3;
	[smem:$0x7FF] =	sst s4;
	s9 =	smul.u32 $0x14000, s17  }
0x6: {  	s1 =	sand.u32 $0x1, s1;
	s3 =	sshll.u32 s17, $0x1;
	s11 =	smul.u32 $0x50000, s17  }
0x7: {  	s5 =	sadd.s32 $0x1D200, s0;
	s6 =	sadd.s32 $0x3400, s0;
	s13 =	smul.u32 $0x4E20, s17  }
0x8: {  	s31 =	sshll.u32 s17, $0x6;
	_ =	strace $0x80000047;
	s8 =	smul.u32 $0x140000, s1  }
0x9: {  	s3 =	sor.u32 s1, s3;
	s22 =	ssub.s32 $0x2, s1;
	s1 =	smul.u32 $0x2710, s1  }
0xa: {  	s20 =	sor.u32 $0x1C05, s31;
	s7 =	sshll.u32 s3, $0xB;
	s3 =	smul.u32 $0x2710, s3  }
0xb: {  	s12 =	sshrl.u32 s22, $0x1;
	s24 =	sshrl.u32 s11, $0x2;
	s10 =	sadd.s32 s7, s0  }
0xc: {  	s7 =	sadd.s32 $0x44400, s0;
	s8 =	sadd.s32 s9, s8;
	s14 =	ssub.s32 s22, s12  }
0xd: {  	s16 =	sadd.s32 s24, s2;
	s1 =	sadd.s32 s1, s13;
	s22 =	simm.s32 $0x50  }
0xe: {  	s24 =	simm.s32 $0x80;
	s8 =	sshrl.u32 s8, $0x3;
	s23 =	sadd.s32 $0xD200, s10  }
0xf: {  	s3 =	sshrl.u32 s3, $0x3;
	s25 =	sadd.s32 $0xF0, s1;
	s13 =	smax.u32 s14, $0x1  }
0x10: {  	s21 =	sshrl.u32 s16, $0x3;
	s0 =	sadd.s32 s8, s0;
	[dreg:$0x4] =	wrdreg s23  }
0x11: {  	s9 =	sadd.s32 s6, s3;
	s26 =	sshrl.u32 s25, $0x3;
	s23 =	simm.s32 $0x4100  }
0x12: {  	s25 =	simm.s32 $0x1;
	s10 =	sadd.s32 $0x96C00, s0;
	s11 =	sadd.s32 $0xA, s9  }
0x13: {  	s12 =	sadd.s32 $0x46C00, s0;
	s14 =	sadd.s32 $0x4D8, s9;
	s15 =	sadd.s32 s26, s6  }
0x14: {  	s0 =	sadd.s32 $0xA0, s1;
	s26 =	simm.s32 $0x4;
	s1 =	simm.s32 $0x0  }
.LBB2_1:
0x15: {  	s3 =	rddreg [dreg:$0x4];
	s8 =	simm.s32 $0x100  }
0x16: {  	[tilespmem:s8], [sflag:$0x5] =	stream.linear.gather [hbm4b:s3+s4], $0x3E80, $0x38;
	[tilespmem:$0x1F900] =	vst v63  }
0x17: {  	_ =	swait.ge [sflag:s18], $0x3E80  }
0x18: {  	[sflag:s18] =	ssyncset.done $0x0  }
0x19: {  	[sflag:s18] =	ssyncadd.s32 $0xFFFFC180  }
0x1a: {  	s31 =	rddreg [dreg:$0x1]  }
0x1b: {  	[tilespmem:s19], [sflag:$0x5] =	stream.linear.gather [hbm4b:s31+s4], $0x2800, $0x38;
	[tilespmem:$0x1F900] =	vst v63  }
0x1c: {  	_ =	swait.ge [sflag:s18], $0x2800  }
0x1d: {  	[sflag:s18] =	ssyncset.done $0x0  }
0x1e: {  	[sflag:s18] =	ssyncadd.s32 $0xFFFFD800  }
0x1f: {  	[spmem:s21], [sflag:s20] =	dma.local [hbm:s7], $0x2800  }
0x20: {  	_ =	swait.ge [sflag:s18], $0x2800  }
0x21: {  	[sflag:s18] =	ssyncset.done $0x0  }
0x22: {  	[sflag:s18] =	ssyncadd.s32 $0xFFFFD800  }
0x23: {  	s16 =	simm.s32 $0x100;
	[bflag:$0x0] =	sbarrier.arrive $0xFFFF  }
0x24: {  	[spmem:s2] =	stream.indirect.scatter.add.f32 [tilespmem:s19], [sflag:$0x5], $0x80, s16, s22, $0xb8;
	[tilespmem:$0x1F900] =	vst v63  }
0x25: {  	s16 =	simm.s32 $0x200;
	_ =	swait.ge [sflag:s18], $0x2800  }
.LBB2_2:
0x26: {  	s17 =	sshra.s32 s16, $0x2;
	[sflag:s18] =	ssyncset.done $0x0;
	p0 =	sne.s32 s16, $0xF800  }
.Ltmp0:
0x27: {  	s17 =	sadd.s32 $0x100, s17;
	[sflag:s18] =	ssyncadd.s32 $0xFFFFD800;
	(pc) =	sbr.rel @p0 .LBB2_2-.Ltmp0, $3  }
0x28: {  	[spmem:s2] =	stream.indirect.scatter.add.f32 [tilespmem:s19], [sflag:$0x5], $0x80, s17, s22, $0xb8;
	[tilespmem:$0x1F900] =	vst v63  }
0x29: {  	s16 =	sadd.s32 $0x200, s16;
	_ =	sdelay $0x1  }
0x2a: {  	_ =	swait.ge [sflag:s18], $0x2800  }
0x2b: {  	[sflag:s18] =	ssyncset.done $0x0  }
0x2c: {  	[sflag:s18] =	ssyncadd.s32 $0xFFFFD800  }
0x2d: {  	[bflag:$0x0] =	sbarrier.arrive $0xFFFF  }
0x2e: {  	[hbm:s10], [sflag:s20] =	dma.local [spmem:s21], $0x2800  }
0x2f: {  	_ =	swait.ge [sflag:s18], $0x2800  }
0x30: {  	[sflag:s18] =	ssyncset.done $0x0  }
0x31: {  	[sflag:s18] =	ssyncadd.s32 $0xFFFFD800  }
0x32: {  	[spmem:s21], [sflag:s20] =	dma.local [hbm:s7], $0x2800  }
0x33: {  	_ =	swait.ge [sflag:s18], $0x2800  }
0x34: {  	[sflag:s18] =	ssyncset.done $0x0  }
0x35: {  	[sflag:s18] =	ssyncadd.s32 $0xFFFFD800  }
0x36: {  	s16 =	simm.s32 $0x0;
	[bflag:$0x0] =	sbarrier.arrive $0xFFFF  }
0x37: {  	[tilespmem:s16], [sflag:$0x5] =	stream.linear.gather [hbm4b:s9+s16], $0x50, $0x38;
	[tilespmem:$0x1F900] =	vst v63  }
0x38: {  	_ =	swait.ge [sflag:s18], $0x50  }
0x39: {  	[sflag:s18] =	ssyncset.done $0x0  }
0x3a: {  	[sflag:s18] =	ssyncadd.s32 $0xFFFFFFB0  }
0x3b: {  	[tilespmem:s23], [sflag:$0x1] =	stream.indirect.gather [hbm4b:s5+s22], $0x80, s16, s22, $0xb8;
	[tilespmem:$0x1F900] =	vst v63  }
0x3c: {  	_ = 	snop  }
0x3d: {  	[tilespmem:s24], [sflag:$0x4] =	stream.linear.gather [hbm4b:s11+s16], $0x50, $0x38;
	[tilespmem:$0x1F900] =	vst v63  }
0x3e: {  	_ =	swait.ge [sflag:s25], $0x2800  }
0x3f: {  	s3 =	sshrl.u32 s0, $0x3;
	[sflag:s25] =	ssyncset.done $0x0  }
0x40: {  	s16 =	sadd.s32 s6, s3;
	[sflag:s25] =	ssyncadd.s32 $0xFFFFD800  }
0x41: {  	[tilespmem:s4], [sflag:$0x3] =	stream.linear.gather [hbm4b:s16+s4], $0x50, $0x38;
	[tilespmem:$0x1F900] =	vst v63  }
0x42: {  	_ =	swait.ge [sflag:s26], $0x50  }
0x43: {  	[sflag:s26] =	ssyncset.done $0x0  }
0x44: {  	[sflag:s26] =	ssyncadd.s32 $0xFFFFFFB0  }
0x45: {  	[tilespmem:s28], [sflag:$0x2] =	stream.indirect.gather [hbm4b:s5+s22], $0x80, s24, s22, $0xb8;
	[tilespmem:$0x1F900] =	vst v63  }
0x46: {  	s8 =	simm.s32 $0x100  }
0x47: {  	[spmem:s2] =	stream.indirect.scatter.add.f32 [tilespmem:s23], [sflag:$0x5], $0x80, s8, s22, $0xb8;
	[tilespmem:$0x1F900] =	vst v63  }
0x48: {  	_ =	swait.ge [sflag:s18], $0x2800  }
0x49: {  	[sflag:s18] =	ssyncset.done $0x0  }
0x4a: {  	[sflag:s18] =	ssyncadd.s32 $0xFFFFD800  }
0x4b: {  	_ =	swait.ge [sflag:s29], $0x2800  }
0x4c: {  	[sflag:s29] =	ssyncset.done $0x0  }
0x4d: {  	s17 =	sadd.s32 $0x0, s15;
	[sflag:s29] =	ssyncadd.s32 $0xFFFFD800  }
0x4e: {  	[tilespmem:s24], [sflag:$0x4] =	stream.linear.gather [hbm4b:s17+s4], $0x50, $0x38;
	[tilespmem:$0x1F900] =	vst v63  }
0x4f: {  	_ =	swait.ge [sflag:s30], $0x50  }
0x50: {  	[sflag:s30] =	ssyncset.done $0x0  }
0x51: {  	[sflag:s30] =	ssyncadd.s32 $0xFFFFFFB0  }
0x52: {  	[tilespmem:s23], [sflag:$0x1] =	stream.indirect.gather [hbm4b:s5+s22], $0x80, s4, s22, $0xb8;
	[tilespmem:$0x1F900] =	vst v63  }
0x53: {  	s17 =	simm.s32 $0x180  }
0x54: {  	[spmem:s2] =	stream.indirect.scatter.add.f32 [tilespmem:s28], [sflag:$0x5], $0x80, s17, s22, $0xb8;
	[tilespmem:$0x1F900] =	vst v63  }
0x55: {  	_ =	swait.ge [sflag:s18], $0x2800  }
0x56: {  	s31 =	simm.s32 $0x14;
	s16 =	smov.u32 s0;
	[sflag:s18] =	ssyncset.done $0x0  }
.LBB2_4:
0x57: {  	[sflag:s18] =	ssyncadd.s32 $0xFFFFD800;
	s17 =	sadd.s32 $0x100, s17;
	s16 =	sadd.s32 $0xA0, s16  }
0x58: {  	p0 =	sne.s32 s31, $0x4B0;
	s3 =	smov.u32 s31;
	s31 =	sadd.s32 $0x14, s31  }
0x59: {  	_ =	swait.ge [sflag:s25], $0x2800  }
0x5a: {  	s8 =	sshrl.u32 s16, $0x3;
	[sflag:s25] =	ssyncset.done $0x0  }
0x5b: {  	s8 =	sadd.s32 s6, s8;
	[sflag:s25] =	ssyncadd.s32 $0xFFFFD800  }
0x5c: {  	[tilespmem:s4], [sflag:$0x3] =	stream.linear.gather [hbm4b:s8+s4], $0x50, $0x38;
	[tilespmem:$0x1F900] =	vst v63  }
0x5d: {  	_ =	swait.ge [sflag:s26], $0x50  }
0x5e: {  	[sflag:s26] =	ssyncset.done $0x0  }
0x5f: {  	[sflag:s26] =	ssyncadd.s32 $0xFFFFFFB0  }
0x60: {  	[tilespmem:s28], [sflag:$0x2] =	stream.indirect.gather [hbm4b:s5+s22], $0x80, s24, s22, $0xb8;
	[tilespmem:$0x1F900] =	vst v63  }
0x61: {  	s8 =	sadd.s32 $0xFFFFFF80, s17  }
0x62: {  	[spmem:s2] =	stream.indirect.scatter.add.f32 [tilespmem:s23], [sflag:$0x5], $0x80, s8, s22, $0xb8;
	[tilespmem:$0x1F900] =	vst v63  }
0x63: {  	_ =	swait.ge [sflag:s18], $0x2800  }
0x64: {  	[sflag:s18] =	ssyncset.done $0x0  }
0x65: {  	[sflag:s18] =	ssyncadd.s32 $0xFFFFD800  }
0x66: {  	_ =	swait.ge [sflag:s29], $0x2800  }
0x67: {  	[sflag:s29] =	ssyncset.done $0x0  }
0x68: {  	s3 =	sadd.s32 s3, s15;
	[sflag:s29] =	ssyncadd.s32 $0xFFFFD800  }
0x69: {  	[tilespmem:s24], [sflag:$0x4] =	stream.linear.gather [hbm4b:s3+s4], $0x50, $0x38;
	[tilespmem:$0x1F900] =	vst v63  }
0x6a: {  	_ =	swait.ge [sflag:s30], $0x50  }
0x6b: {  	[sflag:s30] =	ssyncset.done $0x0  }
0x6c: {  	[sflag:s30] =	ssyncadd.s32 $0xFFFFFFB0  }
0x6d: {  	[tilespmem:s23], [sflag:$0x1] =	stream.indirect.gather [hbm4b:s5+s22], $0x80, s4, s22, $0xb8;
	[tilespmem:$0x1F900] =	vst v63  }
.Ltmp1:
0x6e: {  	_ = 	snop;
	(pc) =	sbr.rel @p0 .LBB2_4-.Ltmp1, $4  }
0x6f: {  	_ = 	snop  }
0x70: {  	[spmem:s2] =	stream.indirect.scatter.add.f32 [tilespmem:s28], [sflag:$0x5], $0x80, s17, s22, $0xb8;
	[tilespmem:$0x1F900] =	vst v63  }
0x71: {  	_ =	swait.ge [sflag:s18], $0x2800  }
0x72: {  	[sflag:s18] =	ssyncset.done $0x0  }
0x73: {  	[sflag:s18] =	ssyncadd.s32 $0xFFFFD800  }
0x74: {  	_ =	swait.ge [sflag:s25], $0x2800  }
0x75: {  	[sflag:s25] =	ssyncset.done $0x0  }
0x76: {  	[sflag:s25] =	ssyncadd.s32 $0xFFFFD800  }
0x77: {  	[tilespmem:s4], [sflag:$0x3] =	stream.linear.gather [hbm4b:s14+s4], $0x50, $0x38;
	[tilespmem:$0x1F900] =	vst v63  }
0x78: {  	_ =	swait.ge [sflag:s26], $0x50  }
0x79: {  	[sflag:s26] =	ssyncset.done $0x0  }
0x7a: {  	[sflag:s26] =	ssyncadd.s32 $0xFFFFFFB0  }
0x7b: {  	[tilespmem:s28], [sflag:$0x2] =	stream.indirect.gather [hbm4b:s5+s22], $0x80, s24, s22, $0xb8;
	[tilespmem:$0x1F900] =	vst v63  }
0x7c: {  	s3 =	simm.s32 $0x3E00  }
0x7d: {  	[spmem:s2] =	stream.indirect.scatter.add.f32 [tilespmem:s23], [sflag:$0x5], $0x80, s3, s22, $0xb8;
	[tilespmem:$0x1F900] =	vst v63  }
0x7e: {  	_ =	swait.ge [sflag:s18], $0x2800  }
0x7f: {  	[sflag:s18] =	ssyncset.done $0x0  }
0x80: {  	[sflag:s18] =	ssyncadd.s32 $0xFFFFD800  }
0x81: {  	_ =	swait.ge [sflag:s29], $0x2800  }
0x82: {  	[sflag:s29] =	ssyncset.done $0x0  }
0x83: {  	[sflag:s29] =	ssyncadd.s32 $0xFFFFD800  }
0x84: {  	[tilespmem:s24], [sflag:$0x4] =	stream.linear.gather [hbm4b:s14+s4], $0x50, $0x38;
	[tilespmem:$0x1F900] =	vst v63  }
0x85: {  	_ =	swait.ge [sflag:s30], $0x50  }
0x86: {  	[sflag:s30] =	ssyncset.done $0x0  }
0x87: {  	[sflag:s30] =	ssyncadd.s32 $0xFFFFFFB0  }
0x88: {  	[tilespmem:s23], [sflag:$0x1] =	stream.indirect.gather [hbm4b:s5+s22], $0x80, s4, s22, $0xb8;
	[tilespmem:$0x1F900] =	vst v63  }
0x89: {  	s17 =	simm.s32 $0x3E80  }
0x8a: {  	[spmem:s2] =	stream.indirect.scatter.add.f32 [tilespmem:s28], [sflag:$0x5], $0x80, s17, s22, $0xb8;
	[tilespmem:$0x1F900] =	vst v63  }
0x8b: {  	_ =	swait.ge [sflag:s18], $0x2800  }
0x8c: {  	[sflag:s18] =	ssyncset.done $0x0  }
0x8d: {  	[sflag:s18] =	ssyncadd.s32 $0xFFFFD800  }
0x8e: {  	_ =	swait.ge [sflag:s25], $0x2800  }
0x8f: {  	[sflag:s25] =	ssyncset.done $0x0  }
0x90: {  	s31 =	simm.s32 $0x3F00;
	[sflag:s25] =	ssyncadd.s32 $0xFFFFD800  }
0x91: {  	[spmem:s2] =	stream.indirect.scatter.add.f32 [tilespmem:s23], [sflag:$0x5], $0x80, s31, s22, $0xb8;
	[tilespmem:$0x1F900] =	vst v63  }
0x92: {  	_ =	swait.ge [sflag:s18], $0x2800  }
0x93: {  	[sflag:s18] =	ssyncset.done $0x0  }
0x94: {  	[sflag:s18] =	ssyncadd.s32 $0xFFFFD800  }
0x95: {  	_ =	swait.ge [sflag:s26], $0x50  }
0x96: {  	s1 =	sadd.s32 $0x1, s1;
	[sflag:s26] =	ssyncset.done $0x0  }
0x97: {  	p0 =	sne.s32 s1, s13;
	[sflag:s26] =	ssyncadd.s32 $0xFFFFFFB0  }
.Ltmp2:
0x98: {  	[bflag:$0x0] =	sbarrier.arrive $0xFFFF;
	(pc) =	sbr.rel @p0 .LBB2_1-.Ltmp2, $4  }
0x99: {  	[hbm:s12], [sflag:s20] =	dma.local [spmem:s21], $0x2800  }
0x9a: {  	_ =	swait.ge [sflag:s18], $0x2800  }
0x9b: {  	[sflag:s18] =	ssyncset.done $0x0  }
0x9c: {  	[sflag:s18] =	ssyncadd.s32 $0xFFFFD800  }
0x9d: {  	_ =	sfence.sel $0x180000  }
0x9e: {  	[bflag:$0x0] =	sbarrier.arrive $0xFFFF  }
0x9f: {  	_ =	strace $0x90000047  }
0xa0: {  	s0 =	stileid.u32;
	[bflag:$0x2] =	sbarrier.arrive $0xFFFF  }
0xa1: {  	p0 =	sne.s32 s0, $0x0;
	s0 =	rddreg [dreg:$0x3]  }
0xa2: {  	s0 =	sadd.s32 @!p0 $0x100000, s0  }
0xa3: {  	[sflag:s0] =	ssyncadd.tile.s32 @!p0 $0x1;
	_ =	shalt  }
.Lfunc_end2:
_tile_overlayer_lowered:
.L_overlay_start_2:
0xa4: {  	(tag) =	ssettag $0x2  }
0xa5: {  	s0 =	rddreg [dreg:$0x0];
	s2 =	stileid.u32  }
0xa6: {  	s1 =	rddreg [dreg:$0x1];
	p0 =	sne.s32 s2, $0x0  }
0xa7: {  	s3 =	rddreg [dreg:$0x2];
	[bflag:$0x3] =	sbarrier.arrive $0xFFFF;
	s2 =	simm.s32 @!p0 $0x1C05  }
0xa8: {  	[timem:s3], [sflag:s2] =	dma.local @!p0 [hbm:s0], s1  }
0xa9: {  	s0 =	simm.s32 @!p0 $0x5  }
0xaa: {  	_ =	swait.ge @!p0 [sflag:s0], s1  }
0xab: {  	s1 =	ssub.s32 @!p0 $0x0, s1;
	[sflag:s0] =	ssyncset.done @!p0 $0x0  }
0xac: {  	[sflag:s0] =	ssyncadd.s32 @!p0 s1  }
0xad: {  	[bflag:$0x3] =	sbarrier.arrive $0xFFFF  }
0xae: {  	_ =	shalt  }

</sc_bundles>
